<compile_context>
chip_gen: v7x
topology: tpu7x:2x2x1
jax: 0.10.2.dev20260603
libtpu: 0.0.44.dev20260713+nightly
codegen_flags: <defaults>
</compile_context>

<pallas_src>
import functools

import jax
import jax.numpy as jnp
import numpy as np
from jax import lax
from jax.experimental import pallas as pl
from jax.experimental.pallas import tpu as pltpu
from jax.experimental.pallas import tpu_sc as plsc

BATCH = 1024
MAX_LEN = 200
D_MODEL = 128
VOCAB = 1000
LANES = 16

NUM_TILES = 32
QBLOCKS = 8
TROWS = BATCH // QBLOCKS
NTASKS = MAX_LEN * QBLOCKS
TASKS_PER_TILE = NTASKS // NUM_TILES
POSROWS = 16
GSPLIT = 128


def _positional_encoding_np():
    even_i = np.arange(0, D_MODEL, 2, dtype=np.float64)
    denominator = np.power(10000.0, 2.0 * even_i / D_MODEL)
    position = np.arange(MAX_LEN, dtype=np.float64).reshape(MAX_LEN, 1)
    even_pe = np.sin(position / denominator)
    odd_pe = np.cos(position / denominator)
    stacked = np.stack([even_pe, odd_pe], axis=2)
    return stacked.reshape(MAX_LEN, D_MODEL).astype(np.float32)


_PE = _positional_encoding_np()


@functools.partial(
    pl.kernel,
    out_type=jax.ShapeDtypeStruct((BATCH, MAX_LEN, D_MODEL), jnp.float32),
    mesh=plsc.VectorSubcoreMesh(core_axis_name="c", subcore_axis_name="s"),
    compiler_params=pltpu.CompilerParams(use_tc_tiling_on_sc=False),
    scratch_types=[
        pltpu.VMEM((POSROWS, BATCH), jnp.int32),
        pltpu.VMEM((POSROWS, D_MODEL), jnp.float32),
        pltpu.VMEM((TROWS, D_MODEL), jnp.float32),
        pltpu.VMEM((TROWS, D_MODEL), jnp.float32),
        pltpu.VMEM((TROWS, D_MODEL), jnp.float32),
        pltpu.VMEM((TROWS, D_MODEL), jnp.float32),
        pltpu.VMEM_SHARED((VOCAB, D_MODEL), jnp.float32),
        pltpu.SemaphoreType.DMA,
        pltpu.SemaphoreType.DMA,
        pltpu.SemaphoreType.DMA,
        pltpu.SemaphoreType.DMA,
        pltpu.SemaphoreType.DMA,
        pltpu.SemaphoreType.DMA,
        pltpu.SemaphoreType.DMA,
        pltpu.SemaphoreType.DMA,
    ],
)
def _emb_kernel(xt_hbm, table_hbm, pe_hbm, out_hbm, idx_v, pe_v, buf0, buf1,
                buf2, buf3, table_sp, g0, g1, g2, g3, s0, s1, s2, s3):
    sid = lax.axis_index("s")
    wid = sid * 2 + lax.axis_index("c")
    t0 = wid * TASKS_PER_TILE
    l0 = lax.shift_right_logical(t0, 3)
    l0c = jnp.minimum(
        lax.shift_left(lax.shift_right_logical(l0, 3), 3),
        MAX_LEN - POSROWS)

    @pl.when(sid == 0)
    def _():
        pltpu.sync_copy(table_hbm, table_sp)

    pltpu.sync_copy(xt_hbm.at[pl.ds(l0c, POSROWS)], idx_v)
    pltpu.sync_copy(pe_hbm.at[pl.ds(l0c, POSROWS)], pe_v)
    plsc.subcore_barrier()

    def task_lq(j):
        t = t0 + j
        l = lax.shift_right_logical(t, 3)
        q = lax.bitwise_and(t, 7)
        return l, q

    def gather_copies(j, buf, sem):
        l, q = task_lq(j)
        return [
            pltpu.make_async_copy(
                table_sp.at[idx_v.at[l - l0c,
                                     pl.ds(q * TROWS + h * GSPLIT, GSPLIT)]],
                buf.at[pl.ds(h * GSPLIT, GSPLIT)], sem)
            for h in range(TROWS // GSPLIT)
        ]

    def gather(j, buf, sem):
        for cp in gather_copies(j, buf, sem):
            cp.start()

    def gather_wait(j, buf, sem):
        for cp in gather_copies(j, buf, sem):
            cp.wait()

    def add_pe(j, buf):
        l, _ = task_lq(j)
        lr = l - l0c
        pe_regs = [pe_v[lr, pl.ds(k * LANES, LANES)]
                   for k in range(D_MODEL // LANES)]

        @plsc.parallel_loop(0, TROWS, step=1, unroll=4)
        def _(r):
            for k in range(D_MODEL // LANES):
                plsc.addupdate(buf.at[r, pl.ds(k * LANES, LANES)], pe_regs[k])

    def store(j, buf, sem):
        l, q = task_lq(j)
        pltpu.make_async_copy(
            buf, out_hbm.at[pl.ds(q * TROWS, TROWS), l], sem).start()

    def store_wait(j, buf, sem):
        l, q = task_lq(j)
        pltpu.make_async_copy(
            buf, out_hbm.at[pl.ds(q * TROWS, TROWS), l], sem).wait()

    bufs = (buf0, buf1, buf2, buf3)
    gsems = (g0, g1, g2, g3)
    ssems = (s0, s1, s2, s3)

    gather(0, buf0, g0)
    gather(1, buf1, g1)

    def step(j, kc, prefetch, guarded):
        bc, gc, sc = bufs[kc], gsems[kc], ssems[kc]
        kp = (kc + 2) % 4
        gather_wait(j, bc, gc)
        if guarded:
            @pl.when(j >= 2)
            def _():
                store_wait(j - 2, bufs[kp], ssems[kp])
        else:
            store_wait(j - 2, bufs[kp], ssems[kp])
        if prefetch:
            gather(j + 2, bufs[kp], gsems[kp])
        add_pe(j, bc)
        store(j, bc, sc)

    def quad_body(i, carry):
        j0 = 4 * i
        step(j0, 0, True, True)
        step(j0 + 1, 1, True, True)
        step(j0 + 2, 2, True, False)
        step(j0 + 3, 3, True, False)
        return carry

    lax.fori_loop(0, (TASKS_PER_TILE - 6) // 4, quad_body, 0)
    step(44, 0, True, False)
    step(45, 1, True, False)
    step(46, 2, True, False)
    step(47, 3, True, False)
    step(48, 0, False, False)
    step(49, 1, False, False)
    store_wait(48, buf0, s0)
    store_wait(49, buf1, s1)


def kernel(x, embedding_table):
    xt = jnp.transpose(x)
    pe = jnp.asarray(_PE)
    return _emb_kernel(xt, embedding_table, pe)

# --- scband reference (transcript-rebuilt; emitter-appended) ---
"""Pipeline reference for scband-sentence-embedding-47888885350569 (READ-ONLY COPY).

The authoritative reference and input builder live on the scoring server;
editing this copy changes nothing except your own understanding.
"""

import jax, jax.numpy as jnp
import numpy as np

BATCH = 1024
MAX_LEN = 200
D_MODEL = 128
VOCAB = 1000


def positional_encoding():
    # Faithful translation of PositionalEncoding.forward
    even_i = jnp.arange(0, D_MODEL, 2).astype(jnp.float32)
    denominator = jnp.power(10000.0, 2.0 * even_i / D_MODEL)
    position = jnp.arange(MAX_LEN, dtype=jnp.float32).reshape(MAX_LEN, 1)
    even_PE = jnp.sin(position / denominator)
    odd_PE = jnp.cos(position / denominator)
    stacked = jnp.stack([even_PE, odd_PE], axis=2)
    PE = stacked.reshape(MAX_LEN, D_MODEL)
    return PE


def setup_inputs(seed: int = 0) -> dict:
    key = jax.random.key(seed)
    k1, k2 = jax.random.split(key)
    # Pre-tokenized indices (the string->index batch_tokenize step is host-side
    # preprocessing; the tensor compute path starts at the embedding lookup).
    x = jax.random.randint(k1, (BATCH, MAX_LEN), 0, VOCAB, dtype=jnp.int32)
    embedding_table = jax.random.normal(k2, (VOCAB, D_MODEL), dtype=jnp.float32)
    return {"x": x, "embedding_table": embedding_table}


def reference(x, embedding_table):
    # nn.Embedding lookup -> gather
    emb = jnp.take(embedding_table, x, axis=0)  # [B, L, D]
    pos = positional_encoding()  # [L, D]
    out = emb + pos[None, :, :]
    # Dropout(p=0.1) is identity in eval mode (deterministic reference)
    return out

if __name__ == "__main__":
    import jax
    _d = setup_inputs()
    print(jax.jit(kernel)(*tuple(_d.values())))

</pallas_src>

<mosaic_0001>
#map = affine_map<(d0, d1) -> (0, 0)>
#map1 = affine_map<(d0, d1) -> (0, 0, 0)>
module attributes {stable_mosaic.version = 14 : i64} {
  func.func @_emb_kernel(%arg0: i32, %arg1: i32, %arg2: memref<200x1024xi32, #tpu.memory_space<hbm>>, %arg3: memref<1000x128xf32, #tpu.memory_space<hbm>>, %arg4: memref<200x128xf32, #tpu.memory_space<hbm>>, %arg5: memref<1024x200x128xf32, #tpu.memory_space<hbm>>, %arg6: memref<16x1024xi32, #tpu.memory_space<vmem>>, %arg7: memref<16x128xf32, #tpu.memory_space<vmem>>, %arg8: memref<128x128xf32, #tpu.memory_space<vmem>>, %arg9: memref<128x128xf32, #tpu.memory_space<vmem>>, %arg10: memref<128x128xf32, #tpu.memory_space<vmem>>, %arg11: memref<128x128xf32, #tpu.memory_space<vmem>>, %arg12: memref<1000x128xf32, #tpu.memory_space<vmem_shared>>, %arg13: memref<!tpu.dma_semaphore, #tpu.memory_space<semaphore_mem>>, %arg14: memref<!tpu.dma_semaphore, #tpu.memory_space<semaphore_mem>>, %arg15: memref<!tpu.dma_semaphore, #tpu.memory_space<semaphore_mem>>, %arg16: memref<!tpu.dma_semaphore, #tpu.memory_space<semaphore_mem>>, %arg17: memref<!tpu.dma_semaphore, #tpu.memory_space<semaphore_mem>>, %arg18: memref<!tpu.dma_semaphore, #tpu.memory_space<semaphore_mem>>, %arg19: memref<!tpu.dma_semaphore, #tpu.memory_space<semaphore_mem>>, %arg20: memref<!tpu.dma_semaphore, #tpu.memory_space<semaphore_mem>>) attributes {dimension_semantics = [#tpu.dimension_semantics<core_parallel>, #tpu.dimension_semantics<subcore_parallel>], iteration_bounds = array<i64: 2, 16>, scalar_prefetch = 0 : i64, scratch_operands = 15 : i64, tpu.core_type = #tpu.core_type<sc_vector_subcore>, window_params = [{transform_indices = #map}, {transform_indices = #map}, {transform_indices = #map}, {transform_indices = #map1}]} {
    %mul3A = arith.constant 2 : i32
    %mul3A_0 = arith.muli %arg1, %mul3A : i32
    %add3A = arith.addi %mul3A_0, %arg0 : i32
    %mul3A_1 = arith.constant 50 : i32
    %mul3A_2 = arith.muli %add3A, %mul3A_1 : i32
    %shift_right_logical3A = arith.constant 3 : i32
    %shift_right_logical3A_3 = arith.shrui %mul3A_2, %shift_right_logical3A : i32
    %shift_right_logical3A_4 = arith.constant 3 : i32
    %shift_right_logical3A_5 = arith.shrui %shift_right_logical3A_3, %shift_right_logical3A_4 : i32
    %shift_left3A = arith.constant 3 : i32
    %shift_left3A_6 = arith.shli %shift_right_logical3A_5, %shift_left3A : i32
    %min3A = arith.constant 184 : i32
    %min3A_7 = arith.minsi %shift_left3A_6, %min3A : i32
    %eq3A = arith.constant 0 : i32
    %eq3A_8 = arith.cmpi eq, %arg1, %eq3A : i32
    %convert_element_type3A = arith.extui %eq3A_8 : i1 to i32
    %cond3A = arith.constant 0 : i32
    %cond3A_9 = arith.cmpi ne, %convert_element_type3A, %cond3A : i32
    scf.if %cond3A_9 {
      "tpu.region"() ({
        %run_scoped3A = tpu.sem_alloc : memref<!tpu.dma_semaphore, #tpu.memory_space<semaphore_mem>>
        tpu.enqueue_dma source(%arg3 : memref<1000x128xf32, #tpu.memory_space<hbm>>) target(%arg12 : memref<1000x128xf32, #tpu.memory_space<vmem_shared>>) target_semaphore(%run_scoped3A : memref<!tpu.dma_semaphore, #tpu.memory_space<semaphore_mem>>)
        tpu.wait_dma2 semaphore(%run_scoped3A : memref<!tpu.dma_semaphore, #tpu.memory_space<semaphore_mem>>) src(%arg3 : memref<1000x128xf32, #tpu.memory_space<hbm>>) dst(%arg12 : memref<1000x128xf32, #tpu.memory_space<vmem_shared>>)
        tpu.yield
      }) : () -> ()
    } else {
    }
    "tpu.region"() ({
      %run_scoped3A = tpu.sem_alloc : memref<!tpu.dma_semaphore, #tpu.memory_space<semaphore_mem>>
      %dma_start3A_685 = arith.constant 0 : i32
      %dma_start3A_686 = tpu.memref_slice %arg2[%min3A_7, %dma_start3A_685] : memref<200x1024xi32, #tpu.memory_space<hbm>> -> memref<16x1024xi32, #tpu.memory_space<hbm>>
      %dma_start3A_687 = arith.constant 0 : i32
      %dma_start3A_688 = tpu.memref_slice %arg2[%min3A_7, %dma_start3A_687] : memref<200x1024xi32, #tpu.memory_space<hbm>> -> memref<16x1024xi32, #tpu.memory_space<hbm>>
      tpu.enqueue_dma source(%dma_start3A_688 : memref<16x1024xi32, #tpu.memory_space<hbm>>) target(%arg6 : memref<16x1024xi32, #tpu.memory_space<vmem>>) target_semaphore(%run_scoped3A : memref<!tpu.dma_semaphore, #tpu.memory_space<semaphore_mem>>)
      %dma_wait3A_689 = arith.constant 0 : i32
      %dma_wait3A_690 = tpu.memref_slice %arg2[%min3A_7, %dma_wait3A_689] : memref<200x1024xi32, #tpu.memory_space<hbm>> -> memref<16x1024xi32, #tpu.memory_space<hbm>>
      %dma_wait3A_691 = arith.constant 0 : i32
      %dma_wait3A_692 = tpu.memref_slice %arg2[%min3A_7, %dma_wait3A_691] : memref<200x1024xi32, #tpu.memory_space<hbm>> -> memref<16x1024xi32, #tpu.memory_space<hbm>>
      tpu.wait_dma2 semaphore(%run_scoped3A : memref<!tpu.dma_semaphore, #tpu.memory_space<semaphore_mem>>) src(%dma_wait3A_692 : memref<16x1024xi32, #tpu.memory_space<hbm>>) dst(%arg6 : memref<16x1024xi32, #tpu.memory_space<vmem>>)
      tpu.yield
    }) : () -> ()
    "tpu.region"() ({
      %run_scoped3A = tpu.sem_alloc : memref<!tpu.dma_semaphore, #tpu.memory_space<semaphore_mem>>
      %dma_start3A_685 = arith.constant 0 : i32
      %dma_start3A_686 = tpu.memref_slice %arg4[%min3A_7, %dma_start3A_685] : memref<200x128xf32, #tpu.memory_space<hbm>> -> memref<16x128xf32, #tpu.memory_space<hbm>>
      %dma_start3A_687 = arith.constant 0 : i32
      %dma_start3A_688 = tpu.memref_slice %arg4[%min3A_7, %dma_start3A_687] : memref<200x128xf32, #tpu.memory_space<hbm>> -> memref<16x128xf32, #tpu.memory_space<hbm>>
      tpu.enqueue_dma source(%dma_start3A_688 : memref<16x128xf32, #tpu.memory_space<hbm>>) target(%arg7 : memref<16x128xf32, #tpu.memory_space<vmem>>) target_semaphore(%run_scoped3A : memref<!tpu.dma_semaphore, #tpu.memory_space<semaphore_mem>>)
      %dma_wait3A_689 = arith.constant 0 : i32
      %dma_wait3A_690 = tpu.memref_slice %arg4[%min3A_7, %dma_wait3A_689] : memref<200x128xf32, #tpu.memory_space<hbm>> -> memref<16x128xf32, #tpu.memory_space<hbm>>
      %dma_wait3A_691 = arith.constant 0 : i32
      %dma_wait3A_692 = tpu.memref_slice %arg4[%min3A_7, %dma_wait3A_691] : memref<200x128xf32, #tpu.memory_space<hbm>> -> memref<16x128xf32, #tpu.memory_space<hbm>>
      tpu.wait_dma2 semaphore(%run_scoped3A : memref<!tpu.dma_semaphore, #tpu.memory_space<semaphore_mem>>) src(%dma_wait3A_692 : memref<16x128xf32, #tpu.memory_space<hbm>>) dst(%arg7 : memref<16x128xf32, #tpu.memory_space<vmem>>)
      tpu.yield
    }) : () -> ()
    %barrier3A = arith.constant 0 : index
    tpu.barrier barrier_id(%barrier3A)
    %add3A_10 = arith.constant 0 : i32
    %add3A_11 = arith.addi %mul3A_2, %add3A_10 : i32
    %shift_right_logical3A_12 = arith.constant 3 : i32
    %shift_right_logical3A_13 = arith.shrui %add3A_11, %shift_right_logical3A_12 : i32
    %and3A = arith.constant 7 : i32
    %and3A_14 = arith.andi %add3A_11, %and3A : i32
    %sub3A = arith.subi %shift_right_logical3A_13, %min3A_7 : i32
    %mul3A_15 = arith.constant 128 : i32
    %mul3A_16 = arith.muli %and3A_14, %mul3A_15 : i32
    %add3A_17 = arith.constant 0 : i32
    %add3A_18 = arith.addi %mul3A_16, %add3A_17 : i32
    %dma_start3A = arith.constant 0 : i32
    %dma_start3A_19 = arith.constant 0 : i32
    %dma_start3A_20 = tpu.memref_slice %arg8[%dma_start3A, %dma_start3A_19] : memref<128x128xf32, #tpu.memory_space<vmem>> -> memref<128x128xf32, #tpu.memory_space<vmem>>
    %dma_start3A_21 = tpu.memref_slice %arg6[%sub3A, %add3A_18] : memref<16x1024xi32, #tpu.memory_space<vmem>> -> memref<1x128xi32, #tpu.memory_space<vmem>>
    %dma_start3A_22 = tpu.memref_squeeze %dma_start3A_21 : memref<1x128xi32, #tpu.memory_space<vmem>> -> memref<128xi32, #tpu.memory_space<vmem>>
    %dma_start3A_23 = arith.constant 0 : i32
    %dma_start3A_24 = arith.constant 0 : i32
    %dma_start3A_25 = tpu.memref_slice %arg12[%dma_start3A_23, %dma_start3A_24] : memref<1000x128xf32, #tpu.memory_space<vmem_shared>> -> memref<1000x128xf32, #tpu.memory_space<vmem_shared>>
    tpu.enqueue_indirect_dma source(%dma_start3A_25 : memref<1000x128xf32, #tpu.memory_space<vmem_shared>>) target(%dma_start3A_20 : memref<128x128xf32, #tpu.memory_space<vmem>>) offsets(%dma_start3A_22 : memref<128xi32, #tpu.memory_space<vmem>>) semaphore(%arg13 : memref<!tpu.dma_semaphore, #tpu.memory_space<semaphore_mem>>)
    %add3A_26 = arith.constant 1 : i32
    %add3A_27 = arith.addi %mul3A_2, %add3A_26 : i32
    %shift_right_logical3A_28 = arith.constant 3 : i32
    %shift_right_logical3A_29 = arith.shrui %add3A_27, %shift_right_logical3A_28 : i32
    %and3A_30 = arith.constant 7 : i32
    %and3A_31 = arith.andi %add3A_27, %and3A_30 : i32
    %sub3A_32 = arith.subi %shift_right_logical3A_29, %min3A_7 : i32
    %mul3A_33 = arith.constant 128 : i32
    %mul3A_34 = arith.muli %and3A_31, %mul3A_33 : i32
    %add3A_35 = arith.constant 0 : i32
    %add3A_36 = arith.addi %mul3A_34, %add3A_35 : i32
    %dma_start3A_37 = arith.constant 0 : i32
    %dma_start3A_38 = arith.constant 0 : i32
    %dma_start3A_39 = tpu.memref_slice %arg9[%dma_start3A_37, %dma_start3A_38] : memref<128x128xf32, #tpu.memory_space<vmem>> -> memref<128x128xf32, #tpu.memory_space<vmem>>
    %dma_start3A_40 = tpu.memref_slice %arg6[%sub3A_32, %add3A_36] : memref<16x1024xi32, #tpu.memory_space<vmem>> -> memref<1x128xi32, #tpu.memory_space<vmem>>
    %dma_start3A_41 = tpu.memref_squeeze %dma_start3A_40 : memref<1x128xi32, #tpu.memory_space<vmem>> -> memref<128xi32, #tpu.memory_space<vmem>>
    %dma_start3A_42 = arith.constant 0 : i32
    %dma_start3A_43 = arith.constant 0 : i32
    %dma_start3A_44 = tpu.memref_slice %arg12[%dma_start3A_42, %dma_start3A_43] : memref<1000x128xf32, #tpu.memory_space<vmem_shared>> -> memref<1000x128xf32, #tpu.memory_space<vmem_shared>>
    tpu.enqueue_indirect_dma source(%dma_start3A_44 : memref<1000x128xf32, #tpu.memory_space<vmem_shared>>) target(%dma_start3A_39 : memref<128x128xf32, #tpu.memory_space<vmem>>) offsets(%dma_start3A_41 : memref<128xi32, #tpu.memory_space<vmem>>) semaphore(%arg14 : memref<!tpu.dma_semaphore, #tpu.memory_space<semaphore_mem>>)
    %scan3A = arith.constant 0 : i32
    %scan3A_45 = arith.constant 0 : i32
    %scan3A_46 = arith.constant 11 : i32
    %scan3A_47 = arith.addi %scan3A_45, %scan3A_46 : i32
    %scan3A_48 = arith.constant 1 : i32
    scf.for %scan3A_685 = %scan3A_45 to %scan3A_47 step %scan3A_48  : i32 {
      %mul3A_686 = arith.constant 4 : i32
      %mul3A_687 = arith.muli %mul3A_686, %scan3A_685 : i32
      %add3A_688 = arith.addi %mul3A_2, %mul3A_687 : i32
      %shift_right_logical3A_689 = arith.constant 3 : i32
      %shift_right_logical3A_690 = arith.shrui %add3A_688, %shift_right_logical3A_689 : i32
      %and3A_691 = arith.constant 7 : i32
      %and3A_692 = arith.andi %add3A_688, %and3A_691 : i32
      %sub3A_693 = arith.subi %shift_right_logical3A_690, %min3A_7 : i32
      %mul3A_694 = arith.constant 128 : i32
      %mul3A_695 = arith.muli %and3A_692, %mul3A_694 : i32
      %add3A_696 = arith.constant 0 : i32
      %add3A_697 = arith.addi %mul3A_695, %add3A_696 : i32
      %dma_wait3A_698 = arith.constant 0 : i32
      %dma_wait3A_699 = arith.constant 0 : i32
      %dma_wait3A_700 = tpu.memref_slice %arg8[%dma_wait3A_698, %dma_wait3A_699] : memref<128x128xf32, #tpu.memory_space<vmem>> -> memref<128x128xf32, #tpu.memory_space<vmem>>
      %dma_wait3A_701 = tpu.memref_slice %arg6[%sub3A_693, %add3A_697] : memref<16x1024xi32, #tpu.memory_space<vmem>> -> memref<1x128xi32, #tpu.memory_space<vmem>>
      %dma_wait3A_702 = tpu.memref_squeeze %dma_wait3A_701 : memref<1x128xi32, #tpu.memory_space<vmem>> -> memref<128xi32, #tpu.memory_space<vmem>>
      %dma_wait3A_703 = arith.constant 0 : i32
      %dma_wait3A_704 = arith.constant 0 : i32
      %dma_wait3A_705 = tpu.memref_slice %arg12[%dma_wait3A_703, %dma_wait3A_704] : memref<1000x128xf32, #tpu.memory_space<vmem_shared>> -> memref<1000x128xf32, #tpu.memory_space<vmem_shared>>
      tpu.wait_indirect_dma semaphore(%arg13 : memref<!tpu.dma_semaphore, #tpu.memory_space<semaphore_mem>>) src(%dma_wait3A_705 : memref<1000x128xf32, #tpu.memory_space<vmem_shared>>) dst(%dma_wait3A_700 : memref<128x128xf32, #tpu.memory_space<vmem>>)
      %ge3A = arith.constant 2 : i32
      %ge3A_706 = arith.cmpi sge, %mul3A_687, %ge3A : i32
      %convert_element_type3A_707 = arith.extui %ge3A_706 : i1 to i32
      %cond3A_708 = arith.constant 0 : i32
      %cond3A_709 = arith.cmpi ne, %convert_element_type3A_707, %cond3A_708 : i32
      scf.if %cond3A_709 {
        %sub3A_1101 = arith.constant 2 : i32
        %sub3A_1102 = arith.subi %mul3A_687, %sub3A_1101 : i32
        %add3A_1103 = arith.addi %mul3A_2, %sub3A_1102 : i32
        %shift_right_logical3A_1104 = arith.constant 3 : i32
        %shift_right_logical3A_1105 = arith.shrui %add3A_1103, %shift_right_logical3A_1104 : i32
        %and3A_1106 = arith.constant 7 : i32
        %and3A_1107 = arith.andi %add3A_1103, %and3A_1106 : i32
        %mul3A_1108 = arith.constant 128 : i32
        %mul3A_1109 = arith.muli %and3A_1107, %mul3A_1108 : i32
        %dma_wait3A_1110 = arith.constant 0 : i32
        %dma_wait3A_1111 = tpu.memref_slice %arg5[%mul3A_1109, %shift_right_logical3A_1105, %dma_wait3A_1110] : memref<1024x200x128xf32, #tpu.memory_space<hbm>> -> memref<128x1x128xf32, #tpu.memory_space<hbm>>
        %dma_wait3A_1112 = tpu.memref_squeeze %dma_wait3A_1111 : memref<128x1x128xf32, #tpu.memory_space<hbm>> -> memref<128x128xf32, #tpu.memory_space<hbm>>
        %dma_wait3A_1113 = arith.constant 0 : i32
        %dma_wait3A_1114 = tpu.memref_slice %arg5[%mul3A_1109, %shift_right_logical3A_1105, %dma_wait3A_1113] : memref<1024x200x128xf32, #tpu.memory_space<hbm>> -> memref<128x1x128xf32, #tpu.memory_space<hbm>>
        %dma_wait3A_1115 = tpu.memref_squeeze %dma_wait3A_1114 : memref<128x1x128xf32, #tpu.memory_space<hbm>> -> memref<128x128xf32, #tpu.memory_space<hbm>>
        tpu.wait_dma2 semaphore(%arg19 : memref<!tpu.dma_semaphore, #tpu.memory_space<semaphore_mem>>) src(%arg10 : memref<128x128xf32, #tpu.memory_space<vmem>>) dst(%dma_wait3A_1115 : memref<128x128xf32, #tpu.memory_space<hbm>>)
      } else {
      }
      %add3A_710 = arith.constant 2 : i32
      %add3A_711 = arith.addi %mul3A_687, %add3A_710 : i32
      %add3A_712 = arith.addi %mul3A_2, %add3A_711 : i32
      %shift_right_logical3A_713 = arith.constant 3 : i32
      %shift_right_logical3A_714 = arith.shrui %add3A_712, %shift_right_logical3A_713 : i32
      %and3A_715 = arith.constant 7 : i32
      %and3A_716 = arith.andi %add3A_712, %and3A_715 : i32
      %sub3A_717 = arith.subi %shift_right_logical3A_714, %min3A_7 : i32
      %mul3A_718 = arith.constant 128 : i32
      %mul3A_719 = arith.muli %and3A_716, %mul3A_718 : i32
      %add3A_720 = arith.constant 0 : i32
      %add3A_721 = arith.addi %mul3A_719, %add3A_720 : i32
      %dma_start3A_722 = arith.constant 0 : i32
      %dma_start3A_723 = arith.constant 0 : i32
      %dma_start3A_724 = tpu.memref_slice %arg10[%dma_start3A_722, %dma_start3A_723] : memref<128x128xf32, #tpu.memory_space<vmem>> -> memref<128x128xf32, #tpu.memory_space<vmem>>
      %dma_start3A_725 = tpu.memref_slice %arg6[%sub3A_717, %add3A_721] : memref<16x1024xi32, #tpu.memory_space<vmem>> -> memref<1x128xi32, #tpu.memory_space<vmem>>
      %dma_start3A_726 = tpu.memref_squeeze %dma_start3A_725 : memref<1x128xi32, #tpu.memory_space<vmem>> -> memref<128xi32, #tpu.memory_space<vmem>>
      %dma_start3A_727 = arith.constant 0 : i32
      %dma_start3A_728 = arith.constant 0 : i32
      %dma_start3A_729 = tpu.memref_slice %arg12[%dma_start3A_727, %dma_start3A_728] : memref<1000x128xf32, #tpu.memory_space<vmem_shared>> -> memref<1000x128xf32, #tpu.memory_space<vmem_shared>>
      tpu.enqueue_indirect_dma source(%dma_start3A_729 : memref<1000x128xf32, #tpu.memory_space<vmem_shared>>) target(%dma_start3A_724 : memref<128x128xf32, #tpu.memory_space<vmem>>) offsets(%dma_start3A_726 : memref<128xi32, #tpu.memory_space<vmem>>) semaphore(%arg15 : memref<!tpu.dma_semaphore, #tpu.memory_space<semaphore_mem>>)
      %add3A_730 = arith.addi %mul3A_2, %mul3A_687 : i32
      %shift_right_logical3A_731 = arith.constant 3 : i32
      %shift_right_logical3A_732 = arith.shrui %add3A_730, %shift_right_logical3A_731 : i32
      %and3A_733 = arith.constant 7 : i32
      %and3A_734 = arith.andi %add3A_730, %and3A_733 : i32
      %sub3A_735 = arith.subi %shift_right_logical3A_732, %min3A_7 : i32
      %get3A_736 = arith.index_cast %sub3A_735 : i32 to index
      %get3A_737 = arith.constant 0 : index
      %get3A_738 = tpu.vector_load %arg7[%get3A_736, %get3A_737] {strides = array<i32>} : memref<16x128xf32, #tpu.memory_space<vmem>>, vector<1x16xf32>,
      %get3A_739 = vector.shape_cast %get3A_738 : vector<1x16xf32> to vector<16xf32>
      %get3A_740 = arith.index_cast %sub3A_735 : i32 to index
      %get3A_741 = arith.constant 16 : index
      %get3A_742 = tpu.vector_load %arg7[%get3A_740, %get3A_741] {strides = array<i32>} : memref<16x128xf32, #tpu.memory_space<vmem>>, vector<1x16xf32>,
      %get3A_743 = vector.shape_cast %get3A_742 : vector<1x16xf32> to vector<16xf32>
      %get3A_744 = arith.index_cast %sub3A_735 : i32 to index
      %get3A_745 = arith.constant 32 : index
      %get3A_746 = tpu.vector_load %arg7[%get3A_744, %get3A_745] {strides = array<i32>} : memref<16x128xf32, #tpu.memory_space<vmem>>, vector<1x16xf32>,
      %get3A_747 = vector.shape_cast %get3A_746 : vector<1x16xf32> to vector<16xf32>
      %get3A_748 = arith.index_cast %sub3A_735 : i32 to index
      %get3A_749 = arith.constant 48 : index
      %get3A_750 = tpu.vector_load %arg7[%get3A_748, %get3A_749] {strides = array<i32>} : memref<16x128xf32, #tpu.memory_space<vmem>>, vector<1x16xf32>,
      %get3A_751 = vector.shape_cast %get3A_750 : vector<1x16xf32> to vector<16xf32>
      %get3A_752 = arith.index_cast %sub3A_735 : i32 to index
      %get3A_753 = arith.constant 64 : index
      %get3A_754 = tpu.vector_load %arg7[%get3A_752, %get3A_753] {strides = array<i32>} : memref<16x128xf32, #tpu.memory_space<vmem>>, vector<1x16xf32>,
      %get3A_755 = vector.shape_cast %get3A_754 : vector<1x16xf32> to vector<16xf32>
      %get3A_756 = arith.index_cast %sub3A_735 : i32 to index
      %get3A_757 = arith.constant 80 : index
      %get3A_758 = tpu.vector_load %arg7[%get3A_756, %get3A_757] {strides = array<i32>} : memref<16x128xf32, #tpu.memory_space<vmem>>, vector<1x16xf32>,
      %get3A_759 = vector.shape_cast %get3A_758 : vector<1x16xf32> to vector<16xf32>
      %get3A_760 = arith.index_cast %sub3A_735 : i32 to index
      %get3A_761 = arith.constant 96 : index
      %get3A_762 = tpu.vector_load %arg7[%get3A_760, %get3A_761] {strides = array<i32>} : memref<16x128xf32, #tpu.memory_space<vmem>>, vector<1x16xf32>,
      %get3A_763 = vector.shape_cast %get3A_762 : vector<1x16xf32> to vector<16xf32>
      %get3A_764 = arith.index_cast %sub3A_735 : i32 to index
      %get3A_765 = arith.constant 112 : index
      %get3A_766 = tpu.vector_load %arg7[%get3A_764, %get3A_765] {strides = array<i32>} : memref<16x128xf32, #tpu.memory_space<vmem>>, vector<1x16xf32>,
      %get3A_767 = vector.shape_cast %get3A_766 : vector<1x16xf32> to vector<16xf32>
      %parallel_loop3A_768 = arith.constant 0 : i32
      %parallel_loop3A_769 = arith.constant 128 : i32
      %parallel_loop3A_770 = arith.constant 1 : i32
      scf.for %parallel_loop3A_1101 = %parallel_loop3A_768 to %parallel_loop3A_769 step %parallel_loop3A_770  : i32 {
        %parallel_loop3A_1102 = arith.index_cast %parallel_loop3A_1101 : i32 to index
        %parallel_loop3A_1103 = arith.constant 0 : index
        %parallel_loop3A_1104 = tpu.vector_load %arg8[%parallel_loop3A_1102, %parallel_loop3A_1103] {strides = array<i32>} : memref<128x128xf32, #tpu.memory_space<vmem>>, vector<1x16xf32>,
        %parallel_loop3A_1105 = vector.shape_cast %parallel_loop3A_1104 : vector<1x16xf32> to vector<16xf32>
        %parallel_loop3A_1106 = vector.shape_cast %get3A_739 : vector<16xf32> to vector<1x16xf32>
        tpu.vector_store %arg8[%parallel_loop3A_1102, %parallel_loop3A_1103], %parallel_loop3A_1106 {add = true, strides = array<i32>} : memref<128x128xf32, #tpu.memory_space<vmem>>, vector<1x16xf32>,
        %parallel_loop3A_1107 = arith.index_cast %parallel_loop3A_1101 : i32 to index
        %parallel_loop3A_1108 = arith.constant 16 : index
        %parallel_loop3A_1109 = tpu.vector_load %arg8[%parallel_loop3A_1107, %parallel_loop3A_1108] {strides = array<i32>} : memref<128x128xf32, #tpu.memory_space<vmem>>, vector<1x16xf32>,
        %parallel_loop3A_1110 = vector.shape_cast %parallel_loop3A_1109 : vector<1x16xf32> to vector<16xf32>
        %parallel_loop3A_1111 = vector.shape_cast %get3A_743 : vector<16xf32> to vector<1x16xf32>
        tpu.vector_store %arg8[%parallel_loop3A_1107, %parallel_loop3A_1108], %parallel_loop3A_1111 {add = true, strides = array<i32>} : memref<128x128xf32, #tpu.memory_space<vmem>>, vector<1x16xf32>,
        %parallel_loop3A_1112 = arith.index_cast %parallel_loop3A_1101 : i32 to index
        %parallel_loop3A_1113 = arith.constant 32 : index
        %parallel_loop3A_1114 = tpu.vector_load %arg8[%parallel_loop3A_1112, %parallel_loop3A_1113] {strides = array<i32>} : memref<128x128xf32, #tpu.memory_space<vmem>>, vector<1x16xf32>,
        %parallel_loop3A_1115 = vector.shape_cast %parallel_loop3A_1114 : vector<1x16xf32> to vector<16xf32>
        %parallel_loop3A_1116 = vector.shape_cast %get3A_747 : vector<16xf32> to vector<1x16xf32>
        tpu.vector_store %arg8[%parallel_loop3A_1112, %parallel_loop3A_1113], %parallel_loop3A_1116 {add = true, strides = array<i32>} : memref<128x128xf32, #tpu.memory_space<vmem>>, vector<1x16xf32>,
        %parallel_loop3A_1117 = arith.index_cast %parallel_loop3A_1101 : i32 to index
        %parallel_loop3A_1118 = arith.constant 48 : index
        %parallel_loop3A_1119 = tpu.vector_load %arg8[%parallel_loop3A_1117, %parallel_loop3A_1118] {strides = array<i32>} : memref<128x128xf32, #tpu.memory_space<vmem>>, vector<1x16xf32>,
        %parallel_loop3A_1120 = vector.shape_cast %parallel_loop3A_1119 : vector<1x16xf32> to vector<16xf32>
        %parallel_loop3A_1121 = vector.shape_cast %get3A_751 : vector<16xf32> to vector<1x16xf32>
        tpu.vector_store %arg8[%parallel_loop3A_1117, %parallel_loop3A_1118], %parallel_loop3A_1121 {add = true, strides = array<i32>} : memref<128x128xf32, #tpu.memory_space<vmem>>, vector<1x16xf32>,
        %parallel_loop3A_1122 = arith.index_cast %parallel_loop3A_1101 : i32 to index
        %parallel_loop3A_1123 = arith.constant 64 : index
        %parallel_loop3A_1124 = tpu.vector_load %arg8[%parallel_loop3A_1122, %parallel_loop3A_1123] {strides = array<i32>} : memref<128x128xf32, #tpu.memory_space<vmem>>, vector<1x16xf32>,
        %parallel_loop3A_1125 = vector.shape_cast %parallel_loop3A_1124 : vector<1x16xf32> to vector<16xf32>
        %parallel_loop3A_1126 = vector.shape_cast %get3A_755 : vector<16xf32> to vector<1x16xf32>
        tpu.vector_store %arg8[%parallel_loop3A_1122, %parallel_loop3A_1123], %parallel_loop3A_1126 {add = true, strides = array<i32>} : memref<128x128xf32, #tpu.memory_space<vmem>>, vector<1x16xf32>,
        %parallel_loop3A_1127 = arith.index_cast %parallel_loop3A_1101 : i32 to index
        %parallel_loop3A_1128 = arith.constant 80 : index
        %parallel_loop3A_1129 = tpu.vector_load %arg8[%parallel_loop3A_1127, %parallel_loop3A_1128] {strides = array<i32>} : memref<128x128xf32, #tpu.memory_space<vmem>>, vector<1x16xf32>,
        %parallel_loop3A_1130 = vector.shape_cast %parallel_loop3A_1129 : vector<1x16xf32> to vector<16xf32>
        %parallel_loop3A_1131 = vector.shape_cast %get3A_759 : vector<16xf32> to vector<1x16xf32>
        tpu.vector_store %arg8[%parallel_loop3A_1127, %parallel_loop3A_1128], %parallel_loop3A_1131 {add = true, strides = array<i32>} : memref<128x128xf32, #tpu.memory_space<vmem>>, vector<1x16xf32>,
        %parallel_loop3A_1132 = arith.index_cast %parallel_loop3A_1101 : i32 to index
        %parallel_loop3A_1133 = arith.constant 96 : index
        %parallel_loop3A_1134 = tpu.vector_load %arg8[%parallel_loop3A_1132, %parallel_loop3A_1133] {strides = array<i32>} : memref<128x128xf32, #tpu.memory_space<vmem>>, vector<1x16xf32>,
        %parallel_loop3A_1135 = vector.shape_cast %parallel_loop3A_1134 : vector<1x16xf32> to vector<16xf32>
        %parallel_loop3A_1136 = vector.shape_cast %get3A_763 : vector<16xf32> to vector<1x16xf32>
        tpu.vector_store %arg8[%parallel_loop3A_1132, %parallel_loop3A_1133], %parallel_loop3A_1136 {add = true, strides = array<i32>} : memref<128x128xf32, #tpu.memory_space<vmem>>, vector<1x16xf32>,
        %parallel_loop3A_1137 = arith.index_cast %parallel_loop3A_1101 : i32 to index
        %parallel_loop3A_1138 = arith.constant 112 : index
        %parallel_loop3A_1139 = tpu.vector_load %arg8[%parallel_loop3A_1137, %parallel_loop3A_1138] {strides = array<i32>} : memref<128x128xf32, #tpu.memory_space<vmem>>, vector<1x16xf32>,
        %parallel_loop3A_1140 = vector.shape_cast %parallel_loop3A_1139 : vector<1x16xf32> to vector<16xf32>
        %parallel_loop3A_1141 = vector.shape_cast %get3A_767 : vector<16xf32> to vector<1x16xf32>
        tpu.vector_store %arg8[%parallel_loop3A_1137, %parallel_loop3A_1138], %parallel_loop3A_1141 {add = true, strides = array<i32>} : memref<128x128xf32, #tpu.memory_space<vmem>>, vector<1x16xf32>,
      } {sc.loop_unroll_factor = 4 : i64, sc.parallel_access}
      %add3A_771 = arith.addi %mul3A_2, %mul3A_687 : i32
      %shift_right_logical3A_772 = arith.constant 3 : i32
      %shift_right_logical3A_773 = arith.shrui %add3A_771, %shift_right_logical3A_772 : i32
      %and3A_774 = arith.constant 7 : i32
      %and3A_775 = arith.andi %add3A_771, %and3A_774 : i32
      %mul3A_776 = arith.constant 128 : i32
      %mul3A_777 = arith.muli %and3A_775, %mul3A_776 : i32
      %dma_start3A_778 = arith.constant 0 : i32
      %dma_start3A_779 = tpu.memref_slice %arg5[%mul3A_777, %shift_right_logical3A_773, %dma_start3A_778] : memref<1024x200x128xf32, #tpu.memory_space<hbm>> -> memref<128x1x128xf32, #tpu.memory_space<hbm>>
      %dma_start3A_780 = tpu.memref_squeeze %dma_start3A_779 : memref<128x1x128xf32, #tpu.memory_space<hbm>> -> memref<128x128xf32, #tpu.memory_space<hbm>>
      %dma_start3A_781 = arith.constant 0 : i32
      %dma_start3A_782 = tpu.memref_slice %arg5[%mul3A_777, %shift_right_logical3A_773, %dma_start3A_781] : memref<1024x200x128xf32, #tpu.memory_space<hbm>> -> memref<128x1x128xf32, #tpu.memory_space<hbm>>
      %dma_start3A_783 = tpu.memref_squeeze %dma_start3A_782 : memref<128x1x128xf32, #tpu.memory_space<hbm>> -> memref<128x128xf32, #tpu.memory_space<hbm>>
      tpu.enqueue_dma source(%arg8 : memref<128x128xf32, #tpu.memory_space<vmem>>) target(%dma_start3A_783 : memref<128x128xf32, #tpu.memory_space<hbm>>) target_semaphore(%arg17 : memref<!tpu.dma_semaphore, #tpu.memory_space<semaphore_mem>>)
      %add3A_784 = arith.constant 1 : i32
      %add3A_785 = arith.addi %mul3A_687, %add3A_784 : i32
      %add3A_786 = arith.addi %mul3A_2, %add3A_785 : i32
      %shift_right_logical3A_787 = arith.constant 3 : i32
      %shift_right_logical3A_788 = arith.shrui %add3A_786, %shift_right_logical3A_787 : i32
      %and3A_789 = arith.constant 7 : i32
      %and3A_790 = arith.andi %add3A_786, %and3A_789 : i32
      %sub3A_791 = arith.subi %shift_right_logical3A_788, %min3A_7 : i32
      %mul3A_792 = arith.constant 128 : i32
      %mul3A_793 = arith.muli %and3A_790, %mul3A_792 : i32
      %add3A_794 = arith.constant 0 : i32
      %add3A_795 = arith.addi %mul3A_793, %add3A_794 : i32
      %dma_wait3A_796 = arith.constant 0 : i32
      %dma_wait3A_797 = arith.constant 0 : i32
      %dma_wait3A_798 = tpu.memref_slice %arg9[%dma_wait3A_796, %dma_wait3A_797] : memref<128x128xf32, #tpu.memory_space<vmem>> -> memref<128x128xf32, #tpu.memory_space<vmem>>
      %dma_wait3A_799 = tpu.memref_slice %arg6[%sub3A_791, %add3A_795] : memref<16x1024xi32, #tpu.memory_space<vmem>> -> memref<1x128xi32, #tpu.memory_space<vmem>>
      %dma_wait3A_800 = tpu.memref_squeeze %dma_wait3A_799 : memref<1x128xi32, #tpu.memory_space<vmem>> -> memref<128xi32, #tpu.memory_space<vmem>>
      %dma_wait3A_801 = arith.constant 0 : i32
      %dma_wait3A_802 = arith.constant 0 : i32
      %dma_wait3A_803 = tpu.memref_slice %arg12[%dma_wait3A_801, %dma_wait3A_802] : memref<1000x128xf32, #tpu.memory_space<vmem_shared>> -> memref<1000x128xf32, #tpu.memory_space<vmem_shared>>
      tpu.wait_indirect_dma semaphore(%arg14 : memref<!tpu.dma_semaphore, #tpu.memory_space<semaphore_mem>>) src(%dma_wait3A_803 : memref<1000x128xf32, #tpu.memory_space<vmem_shared>>) dst(%dma_wait3A_798 : memref<128x128xf32, #tpu.memory_space<vmem>>)
      %ge3A_804 = arith.constant 2 : i32
      %ge3A_805 = arith.cmpi sge, %add3A_785, %ge3A_804 : i32
      %convert_element_type3A_806 = arith.extui %ge3A_805 : i1 to i32
      %cond3A_807 = arith.constant 0 : i32
      %cond3A_808 = arith.cmpi ne, %convert_element_type3A_806, %cond3A_807 : i32
      scf.if %cond3A_808 {
        %sub3A_1101 = arith.constant 2 : i32
        %sub3A_1102 = arith.subi %add3A_785, %sub3A_1101 : i32
        %add3A_1103 = arith.addi %mul3A_2, %sub3A_1102 : i32
        %shift_right_logical3A_1104 = arith.constant 3 : i32
        %shift_right_logical3A_1105 = arith.shrui %add3A_1103, %shift_right_logical3A_1104 : i32
        %and3A_1106 = arith.constant 7 : i32
        %and3A_1107 = arith.andi %add3A_1103, %and3A_1106 : i32
        %mul3A_1108 = arith.constant 128 : i32
        %mul3A_1109 = arith.muli %and3A_1107, %mul3A_1108 : i32
        %dma_wait3A_1110 = arith.constant 0 : i32
        %dma_wait3A_1111 = tpu.memref_slice %arg5[%mul3A_1109, %shift_right_logical3A_1105, %dma_wait3A_1110] : memref<1024x200x128xf32, #tpu.memory_space<hbm>> -> memref<128x1x128xf32, #tpu.memory_space<hbm>>
        %dma_wait3A_1112 = tpu.memref_squeeze %dma_wait3A_1111 : memref<128x1x128xf32, #tpu.memory_space<hbm>> -> memref<128x128xf32, #tpu.memory_space<hbm>>
        %dma_wait3A_1113 = arith.constant 0 : i32
        %dma_wait3A_1114 = tpu.memref_slice %arg5[%mul3A_1109, %shift_right_logical3A_1105, %dma_wait3A_1113] : memref<1024x200x128xf32, #tpu.memory_space<hbm>> -> memref<128x1x128xf32, #tpu.memory_space<hbm>>
        %dma_wait3A_1115 = tpu.memref_squeeze %dma_wait3A_1114 : memref<128x1x128xf32, #tpu.memory_space<hbm>> -> memref<128x128xf32, #tpu.memory_space<hbm>>
        tpu.wait_dma2 semaphore(%arg20 : memref<!tpu.dma_semaphore, #tpu.memory_space<semaphore_mem>>) src(%arg11 : memref<128x128xf32, #tpu.memory_space<vmem>>) dst(%dma_wait3A_1115 : memref<128x128xf32, #tpu.memory_space<hbm>>)
      } else {
      }
      %add3A_809 = arith.constant 2 : i32
      %add3A_810 = arith.addi %add3A_785, %add3A_809 : i32
      %add3A_811 = arith.addi %mul3A_2, %add3A_810 : i32
      %shift_right_logical3A_812 = arith.constant 3 : i32
      %shift_right_logical3A_813 = arith.shrui %add3A_811, %shift_right_logical3A_812 : i32
      %and3A_814 = arith.constant 7 : i32
      %and3A_815 = arith.andi %add3A_811, %and3A_814 : i32
      %sub3A_816 = arith.subi %shift_right_logical3A_813, %min3A_7 : i32
      %mul3A_817 = arith.constant 128 : i32
      %mul3A_818 = arith.muli %and3A_815, %mul3A_817 : i32
      %add3A_819 = arith.constant 0 : i32
      %add3A_820 = arith.addi %mul3A_818, %add3A_819 : i32
      %dma_start3A_821 = arith.constant 0 : i32
      %dma_start3A_822 = arith.constant 0 : i32
      %dma_start3A_823 = tpu.memref_slice %arg11[%dma_start3A_821, %dma_start3A_822] : memref<128x128xf32, #tpu.memory_space<vmem>> -> memref<128x128xf32, #tpu.memory_space<vmem>>
      %dma_start3A_824 = tpu.memref_slice %arg6[%sub3A_816, %add3A_820] : memref<16x1024xi32, #tpu.memory_space<vmem>> -> memref<1x128xi32, #tpu.memory_space<vmem>>
      %dma_start3A_825 = tpu.memref_squeeze %dma_start3A_824 : memref<1x128xi32, #tpu.memory_space<vmem>> -> memref<128xi32, #tpu.memory_space<vmem>>
      %dma_start3A_826 = arith.constant 0 : i32
      %dma_start3A_827 = arith.constant 0 : i32
      %dma_start3A_828 = tpu.memref_slice %arg12[%dma_start3A_826, %dma_start3A_827] : memref<1000x128xf32, #tpu.memory_space<vmem_shared>> -> memref<1000x128xf32, #tpu.memory_space<vmem_shared>>
      tpu.enqueue_indirect_dma source(%dma_start3A_828 : memref<1000x128xf32, #tpu.memory_space<vmem_shared>>) target(%dma_start3A_823 : memref<128x128xf32, #tpu.memory_space<vmem>>) offsets(%dma_start3A_825 : memref<128xi32, #tpu.memory_space<vmem>>) semaphore(%arg16 : memref<!tpu.dma_semaphore, #tpu.memory_space<semaphore_mem>>)
      %add3A_829 = arith.addi %mul3A_2, %add3A_785 : i32
      %shift_right_logical3A_830 = arith.constant 3 : i32
      %shift_right_logical3A_831 = arith.shrui %add3A_829, %shift_right_logical3A_830 : i32
      %and3A_832 = arith.constant 7 : i32
      %and3A_833 = arith.andi %add3A_829, %and3A_832 : i32
      %sub3A_834 = arith.subi %shift_right_logical3A_831, %min3A_7 : i32
      %get3A_835 = arith.index_cast %sub3A_834 : i32 to index
      %get3A_836 = arith.constant 0 : index
      %get3A_837 = tpu.vector_load %arg7[%get3A_835, %get3A_836] {strides = array<i32>} : memref<16x128xf32, #tpu.memory_space<vmem>>, vector<1x16xf32>,
      %get3A_838 = vector.shape_cast %get3A_837 : vector<1x16xf32> to vector<16xf32>
      %get3A_839 = arith.index_cast %sub3A_834 : i32 to index
      %get3A_840 = arith.constant 16 : index
      %get3A_841 = tpu.vector_load %arg7[%get3A_839, %get3A_840] {strides = array<i32>} : memref<16x128xf32, #tpu.memory_space<vmem>>, vector<1x16xf32>,
      %get3A_842 = vector.shape_cast %get3A_841 : vector<1x16xf32> to vector<16xf32>
      %get3A_843 = arith.index_cast %sub3A_834 : i32 to index
      %get3A_844 = arith.constant 32 : index
      %get3A_845 = tpu.vector_load %arg7[%get3A_843, %get3A_844] {strides = array<i32>} : memref<16x128xf32, #tpu.memory_space<vmem>>, vector<1x16xf32>,
      %get3A_846 = vector.shape_cast %get3A_845 : vector<1x16xf32> to vector<16xf32>
      %get3A_847 = arith.index_cast %sub3A_834 : i32 to index
      %get3A_848 = arith.constant 48 : index
      %get3A_849 = tpu.vector_load %arg7[%get3A_847, %get3A_848] {strides = array<i32>} : memref<16x128xf32, #tpu.memory_space<vmem>>, vector<1x16xf32>,
      %get3A_850 = vector.shape_cast %get3A_849 : vector<1x16xf32> to vector<16xf32>
      %get3A_851 = arith.index_cast %sub3A_834 : i32 to index
      %get3A_852 = arith.constant 64 : index
      %get3A_853 = tpu.vector_load %arg7[%get3A_851, %get3A_852] {strides = array<i32>} : memref<16x128xf32, #tpu.memory_space<vmem>>, vector<1x16xf32>,
      %get3A_854 = vector.shape_cast %get3A_853 : vector<1x16xf32> to vector<16xf32>
      %get3A_855 = arith.index_cast %sub3A_834 : i32 to index
      %get3A_856 = arith.constant 80 : index
      %get3A_857 = tpu.vector_load %arg7[%get3A_855, %get3A_856] {strides = array<i32>} : memref<16x128xf32, #tpu.memory_space<vmem>>, vector<1x16xf32>,
      %get3A_858 = vector.shape_cast %get3A_857 : vector<1x16xf32> to vector<16xf32>
      %get3A_859 = arith.index_cast %sub3A_834 : i32 to index
      %get3A_860 = arith.constant 96 : index
      %get3A_861 = tpu.vector_load %arg7[%get3A_859, %get3A_860] {strides = array<i32>} : memref<16x128xf32, #tpu.memory_space<vmem>>, vector<1x16xf32>,
      %get3A_862 = vector.shape_cast %get3A_861 : vector<1x16xf32> to vector<16xf32>
      %get3A_863 = arith.index_cast %sub3A_834 : i32 to index
      %get3A_864 = arith.constant 112 : index
      %get3A_865 = tpu.vector_load %arg7[%get3A_863, %get3A_864] {strides = array<i32>} : memref<16x128xf32, #tpu.memory_space<vmem>>, vector<1x16xf32>,
      %get3A_866 = vector.shape_cast %get3A_865 : vector<1x16xf32> to vector<16xf32>
      %parallel_loop3A_867 = arith.constant 0 : i32
      %parallel_loop3A_868 = arith.constant 128 : i32
      %parallel_loop3A_869 = arith.constant 1 : i32
      scf.for %parallel_loop3A_1101 = %parallel_loop3A_867 to %parallel_loop3A_868 step %parallel_loop3A_869  : i32 {
        %parallel_loop3A_1102 = arith.index_cast %parallel_loop3A_1101 : i32 to index
        %parallel_loop3A_1103 = arith.constant 0 : index
        %parallel_loop3A_1104 = tpu.vector_load %arg9[%parallel_loop3A_1102, %parallel_loop3A_1103] {strides = array<i32>} : memref<128x128xf32, #tpu.memory_space<vmem>>, vector<1x16xf32>,
        %parallel_loop3A_1105 = vector.shape_cast %parallel_loop3A_1104 : vector<1x16xf32> to vector<16xf32>
        %parallel_loop3A_1106 = vector.shape_cast %get3A_838 : vector<16xf32> to vector<1x16xf32>
        tpu.vector_store %arg9[%parallel_loop3A_1102, %parallel_loop3A_1103], %parallel_loop3A_1106 {add = true, strides = array<i32>} : memref<128x128xf32, #tpu.memory_space<vmem>>, vector<1x16xf32>,
        %parallel_loop3A_1107 = arith.index_cast %parallel_loop3A_1101 : i32 to index
        %parallel_loop3A_1108 = arith.constant 16 : index
        %parallel_loop3A_1109 = tpu.vector_load %arg9[%parallel_loop3A_1107, %parallel_loop3A_1108] {strides = array<i32>} : memref<128x128xf32, #tpu.memory_space<vmem>>, vector<1x16xf32>,
        %parallel_loop3A_1110 = vector.shape_cast %parallel_loop3A_1109 : vector<1x16xf32> to vector<16xf32>
        %parallel_loop3A_1111 = vector.shape_cast %get3A_842 : vector<16xf32> to vector<1x16xf32>
        tpu.vector_store %arg9[%parallel_loop3A_1107, %parallel_loop3A_1108], %parallel_loop3A_1111 {add = true, strides = array<i32>} : memref<128x128xf32, #tpu.memory_space<vmem>>, vector<1x16xf32>,
        %parallel_loop3A_1112 = arith.index_cast %parallel_loop3A_1101 : i32 to index
        %parallel_loop3A_1113 = arith.constant 32 : index
        %parallel_loop3A_1114 = tpu.vector_load %arg9[%parallel_loop3A_1112, %parallel_loop3A_1113] {strides = array<i32>} : memref<128x128xf32, #tpu.memory_space<vmem>>, vector<1x16xf32>,
        %parallel_loop3A_1115 = vector.shape_cast %parallel_loop3A_1114 : vector<1x16xf32> to vector<16xf32>
        %parallel_loop3A_1116 = vector.shape_cast %get3A_846 : vector<16xf32> to vector<1x16xf32>
        tpu.vector_store %arg9[%parallel_loop3A_1112, %parallel_loop3A_1113], %parallel_loop3A_1116 {add = true, strides = array<i32>} : memref<128x128xf32, #tpu.memory_space<vmem>>, vector<1x16xf32>,
        %parallel_loop3A_1117 = arith.index_cast %parallel_loop3A_1101 : i32 to index
        %parallel_loop3A_1118 = arith.constant 48 : index
        %parallel_loop3A_1119 = tpu.vector_load %arg9[%parallel_loop3A_1117, %parallel_loop3A_1118] {strides = array<i32>} : memref<128x128xf32, #tpu.memory_space<vmem>>, vector<1x16xf32>,
        %parallel_loop3A_1120 = vector.shape_cast %parallel_loop3A_1119 : vector<1x16xf32> to vector<16xf32>
        %parallel_loop3A_1121 = vector.shape_cast %get3A_850 : vector<16xf32> to vector<1x16xf32>
        tpu.vector_store %arg9[%parallel_loop3A_1117, %parallel_loop3A_1118], %parallel_loop3A_1121 {add = true, strides = array<i32>} : memref<128x128xf32, #tpu.memory_space<vmem>>, vector<1x16xf32>,
        %parallel_loop3A_1122 = arith.index_cast %parallel_loop3A_1101 : i32 to index
        %parallel_loop3A_1123 = arith.constant 64 : index
        %parallel_loop3A_1124 = tpu.vector_load %arg9[%parallel_loop3A_1122, %parallel_loop3A_1123] {strides = array<i32>} : memref<128x128xf32, #tpu.memory_space<vmem>>, vector<1x16xf32>,
        %parallel_loop3A_1125 = vector.shape_cast %parallel_loop3A_1124 : vector<1x16xf32> to vector<16xf32>
        %parallel_loop3A_1126 = vector.shape_cast %get3A_854 : vector<16xf32> to vector<1x16xf32>
        tpu.vector_store %arg9[%parallel_loop3A_1122, %parallel_loop3A_1123], %parallel_loop3A_1126 {add = true, strides = array<i32>} : memref<128x128xf32, #tpu.memory_space<vmem>>, vector<1x16xf32>,
        %parallel_loop3A_1127 = arith.index_cast %parallel_loop3A_1101 : i32 to index
        %parallel_loop3A_1128 = arith.constant 80 : index
        %parallel_loop3A_1129 = tpu.vector_load %arg9[%parallel_loop3A_1127, %parallel_loop3A_1128] {strides = array<i32>} : memref<128x128xf32, #tpu.memory_space<vmem>>, vector<1x16xf32>,
        %parallel_loop3A_1130 = vector.shape_cast %parallel_loop3A_1129 : vector<1x16xf32> to vector<16xf32>
        %parallel_loop3A_1131 = vector.shape_cast %get3A_858 : vector<16xf32> to vector<1x16xf32>
        tpu.vector_store %arg9[%parallel_loop3A_1127, %parallel_loop3A_1128], %parallel_loop3A_1131 {add = true, strides = array<i32>} : memref<128x128xf32, #tpu.memory_space<vmem>>, vector<1x16xf32>,
        %parallel_loop3A_1132 = arith.index_cast %parallel_loop3A_1101 : i32 to index
        %parallel_loop3A_1133 = arith.constant 96 : index
        %parallel_loop3A_1134 = tpu.vector_load %arg9[%parallel_loop3A_1132, %parallel_loop3A_1133] {strides = array<i32>} : memref<128x128xf32, #tpu.memory_space<vmem>>, vector<1x16xf32>,
        %parallel_loop3A_1135 = vector.shape_cast %parallel_loop3A_1134 : vector<1x16xf32> to vector<16xf32>
        %parallel_loop3A_1136 = vector.shape_cast %get3A_862 : vector<16xf32> to vector<1x16xf32>
        tpu.vector_store %arg9[%parallel_loop3A_1132, %parallel_loop3A_1133], %parallel_loop3A_1136 {add = true, strides = array<i32>} : memref<128x128xf32, #tpu.memory_space<vmem>>, vector<1x16xf32>,
        %parallel_loop3A_1137 = arith.index_cast %parallel_loop3A_1101 : i32 to index
        %parallel_loop3A_1138 = arith.constant 112 : index
        %parallel_loop3A_1139 = tpu.vector_load %arg9[%parallel_loop3A_1137, %parallel_loop3A_1138] {strides = array<i32>} : memref<128x128xf32, #tpu.memory_space<vmem>>, vector<1x16xf32>,
        %parallel_loop3A_1140 = vector.shape_cast %parallel_loop3A_1139 : vector<1x16xf32> to vector<16xf32>
        %parallel_loop3A_1141 = vector.shape_cast %get3A_866 : vector<16xf32> to vector<1x16xf32>
        tpu.vector_store %arg9[%parallel_loop3A_1137, %parallel_loop3A_1138], %parallel_loop3A_1141 {add = true, strides = array<i32>} : memref<128x128xf32, #tpu.memory_space<vmem>>, vector<1x16xf32>,
      } {sc.loop_unroll_factor = 4 : i64, sc.parallel_access}
      %add3A_870 = arith.addi %mul3A_2, %add3A_785 : i32
      %shift_right_logical3A_871 = arith.constant 3 : i32
      %shift_right_logical3A_872 = arith.shrui %add3A_870, %shift_right_logical3A_871 : i32
      %and3A_873 = arith.constant 7 : i32
      %and3A_874 = arith.andi %add3A_870, %and3A_873 : i32
      %mul3A_875 = arith.constant 128 : i32
      %mul3A_876 = arith.muli %and3A_874, %mul3A_875 : i32
      %dma_start3A_877 = arith.constant 0 : i32
      %dma_start3A_878 = tpu.memref_slice %arg5[%mul3A_876, %shift_right_logical3A_872, %dma_start3A_877] : memref<1024x200x128xf32, #tpu.memory_space<hbm>> -> memref<128x1x128xf32, #tpu.memory_space<hbm>>
      %dma_start3A_879 = tpu.memref_squeeze %dma_start3A_878 : memref<128x1x128xf32, #tpu.memory_space<hbm>> -> memref<128x128xf32, #tpu.memory_space<hbm>>
      %dma_start3A_880 = arith.constant 0 : i32
      %dma_start3A_881 = tpu.memref_slice %arg5[%mul3A_876, %shift_right_logical3A_872, %dma_start3A_880] : memref<1024x200x128xf32, #tpu.memory_space<hbm>> -> memref<128x1x128xf32, #tpu.memory_space<hbm>>
      %dma_start3A_882 = tpu.memref_squeeze %dma_start3A_881 : memref<128x1x128xf32, #tpu.memory_space<hbm>> -> memref<128x128xf32, #tpu.memory_space<hbm>>
      tpu.enqueue_dma source(%arg9 : memref<128x128xf32, #tpu.memory_space<vmem>>) target(%dma_start3A_882 : memref<128x128xf32, #tpu.memory_space<hbm>>) target_semaphore(%arg18 : memref<!tpu.dma_semaphore, #tpu.memory_space<semaphore_mem>>)
      %add3A_883 = arith.constant 2 : i32
      %add3A_884 = arith.addi %mul3A_687, %add3A_883 : i32
      %add3A_885 = arith.addi %mul3A_2, %add3A_884 : i32
      %shift_right_logical3A_886 = arith.constant 3 : i32
      %shift_right_logical3A_887 = arith.shrui %add3A_885, %shift_right_logical3A_886 : i32
      %and3A_888 = arith.constant 7 : i32
      %and3A_889 = arith.andi %add3A_885, %and3A_888 : i32
      %sub3A_890 = arith.subi %shift_right_logical3A_887, %min3A_7 : i32
      %mul3A_891 = arith.constant 128 : i32
      %mul3A_892 = arith.muli %and3A_889, %mul3A_891 : i32
      %add3A_893 = arith.constant 0 : i32
      %add3A_894 = arith.addi %mul3A_892, %add3A_893 : i32
      %dma_wait3A_895 = arith.constant 0 : i32
      %dma_wait3A_896 = arith.constant 0 : i32
      %dma_wait3A_897 = tpu.memref_slice %arg10[%dma_wait3A_895, %dma_wait3A_896] : memref<128x128xf32, #tpu.memory_space<vmem>> -> memref<128x128xf32, #tpu.memory_space<vmem>>
      %dma_wait3A_898 = tpu.memref_slice %arg6[%sub3A_890, %add3A_894] : memref<16x1024xi32, #tpu.memory_space<vmem>> -> memref<1x128xi32, #tpu.memory_space<vmem>>
      %dma_wait3A_899 = tpu.memref_squeeze %dma_wait3A_898 : memref<1x128xi32, #tpu.memory_space<vmem>> -> memref<128xi32, #tpu.memory_space<vmem>>
      %dma_wait3A_900 = arith.constant 0 : i32
      %dma_wait3A_901 = arith.constant 0 : i32
      %dma_wait3A_902 = tpu.memref_slice %arg12[%dma_wait3A_900, %dma_wait3A_901] : memref<1000x128xf32, #tpu.memory_space<vmem_shared>> -> memref<1000x128xf32, #tpu.memory_space<vmem_shared>>
      tpu.wait_indirect_dma semaphore(%arg15 : memref<!tpu.dma_semaphore, #tpu.memory_space<semaphore_mem>>) src(%dma_wait3A_902 : memref<1000x128xf32, #tpu.memory_space<vmem_shared>>) dst(%dma_wait3A_897 : memref<128x128xf32, #tpu.memory_space<vmem>>)
      %sub3A_903 = arith.constant 2 : i32
      %sub3A_904 = arith.subi %add3A_884, %sub3A_903 : i32
      %add3A_905 = arith.addi %mul3A_2, %sub3A_904 : i32
      %shift_right_logical3A_906 = arith.constant 3 : i32
      %shift_right_logical3A_907 = arith.shrui %add3A_905, %shift_right_logical3A_906 : i32
      %and3A_908 = arith.constant 7 : i32
      %and3A_909 = arith.andi %add3A_905, %and3A_908 : i32
      %mul3A_910 = arith.constant 128 : i32
      %mul3A_911 = arith.muli %and3A_909, %mul3A_910 : i32
      %dma_wait3A_912 = arith.constant 0 : i32
      %dma_wait3A_913 = tpu.memref_slice %arg5[%mul3A_911, %shift_right_logical3A_907, %dma_wait3A_912] : memref<1024x200x128xf32, #tpu.memory_space<hbm>> -> memref<128x1x128xf32, #tpu.memory_space<hbm>>
      %dma_wait3A_914 = tpu.memref_squeeze %dma_wait3A_913 : memref<128x1x128xf32, #tpu.memory_space<hbm>> -> memref<128x128xf32, #tpu.memory_space<hbm>>
      %dma_wait3A_915 = arith.constant 0 : i32
      %dma_wait3A_916 = tpu.memref_slice %arg5[%mul3A_911, %shift_right_logical3A_907, %dma_wait3A_915] : memref<1024x200x128xf32, #tpu.memory_space<hbm>> -> memref<128x1x128xf32, #tpu.memory_space<hbm>>
      %dma_wait3A_917 = tpu.memref_squeeze %dma_wait3A_916 : memref<128x1x128xf32, #tpu.memory_space<hbm>> -> memref<128x128xf32, #tpu.memory_space<hbm>>
      tpu.wait_dma2 semaphore(%arg17 : memref<!tpu.dma_semaphore, #tpu.memory_space<semaphore_mem>>) src(%arg8 : memref<128x128xf32, #tpu.memory_space<vmem>>) dst(%dma_wait3A_917 : memref<128x128xf32, #tpu.memory_space<hbm>>)
      %add3A_918 = arith.constant 2 : i32
      %add3A_919 = arith.addi %add3A_884, %add3A_918 : i32
      %add3A_920 = arith.addi %mul3A_2, %add3A_919 : i32
      %shift_right_logical3A_921 = arith.constant 3 : i32
      %shift_right_logical3A_922 = arith.shrui %add3A_920, %shift_right_logical3A_921 : i32
      %and3A_923 = arith.constant 7 : i32
      %and3A_924 = arith.andi %add3A_920, %and3A_923 : i32
      %sub3A_925 = arith.subi %shift_right_logical3A_922, %min3A_7 : i32
      %mul3A_926 = arith.constant 128 : i32
      %mul3A_927 = arith.muli %and3A_924, %mul3A_926 : i32
      %add3A_928 = arith.constant 0 : i32
      %add3A_929 = arith.addi %mul3A_927, %add3A_928 : i32
      %dma_start3A_930 = arith.constant 0 : i32
      %dma_start3A_931 = arith.constant 0 : i32
      %dma_start3A_932 = tpu.memref_slice %arg8[%dma_start3A_930, %dma_start3A_931] : memref<128x128xf32, #tpu.memory_space<vmem>> -> memref<128x128xf32, #tpu.memory_space<vmem>>
      %dma_start3A_933 = tpu.memref_slice %arg6[%sub3A_925, %add3A_929] : memref<16x1024xi32, #tpu.memory_space<vmem>> -> memref<1x128xi32, #tpu.memory_space<vmem>>
      %dma_start3A_934 = tpu.memref_squeeze %dma_start3A_933 : memref<1x128xi32, #tpu.memory_space<vmem>> -> memref<128xi32, #tpu.memory_space<vmem>>
      %dma_start3A_935 = arith.constant 0 : i32
      %dma_start3A_936 = arith.constant 0 : i32
      %dma_start3A_937 = tpu.memref_slice %arg12[%dma_start3A_935, %dma_start3A_936] : memref<1000x128xf32, #tpu.memory_space<vmem_shared>> -> memref<1000x128xf32, #tpu.memory_space<vmem_shared>>
      tpu.enqueue_indirect_dma source(%dma_start3A_937 : memref<1000x128xf32, #tpu.memory_space<vmem_shared>>) target(%dma_start3A_932 : memref<128x128xf32, #tpu.memory_space<vmem>>) offsets(%dma_start3A_934 : memref<128xi32, #tpu.memory_space<vmem>>) semaphore(%arg13 : memref<!tpu.dma_semaphore, #tpu.memory_space<semaphore_mem>>)
      %add3A_938 = arith.addi %mul3A_2, %add3A_884 : i32
      %shift_right_logical3A_939 = arith.constant 3 : i32
      %shift_right_logical3A_940 = arith.shrui %add3A_938, %shift_right_logical3A_939 : i32
      %and3A_941 = arith.constant 7 : i32
      %and3A_942 = arith.andi %add3A_938, %and3A_941 : i32
      %sub3A_943 = arith.subi %shift_right_logical3A_940, %min3A_7 : i32
      %get3A_944 = arith.index_cast %sub3A_943 : i32 to index
      %get3A_945 = arith.constant 0 : index
      %get3A_946 = tpu.vector_load %arg7[%get3A_944, %get3A_945] {strides = array<i32>} : memref<16x128xf32, #tpu.memory_space<vmem>>, vector<1x16xf32>,
      %get3A_947 = vector.shape_cast %get3A_946 : vector<1x16xf32> to vector<16xf32>
      %get3A_948 = arith.index_cast %sub3A_943 : i32 to index
      %get3A_949 = arith.constant 16 : index
      %get3A_950 = tpu.vector_load %arg7[%get3A_948, %get3A_949] {strides = array<i32>} : memref<16x128xf32, #tpu.memory_space<vmem>>, vector<1x16xf32>,
      %get3A_951 = vector.shape_cast %get3A_950 : vector<1x16xf32> to vector<16xf32>
      %get3A_952 = arith.index_cast %sub3A_943 : i32 to index
      %get3A_953 = arith.constant 32 : index
      %get3A_954 = tpu.vector_load %arg7[%get3A_952, %get3A_953] {strides = array<i32>} : memref<16x128xf32, #tpu.memory_space<vmem>>, vector<1x16xf32>,
      %get3A_955 = vector.shape_cast %get3A_954 : vector<1x16xf32> to vector<16xf32>
      %get3A_956 = arith.index_cast %sub3A_943 : i32 to index
      %get3A_957 = arith.constant 48 : index
      %get3A_958 = tpu.vector_load %arg7[%get3A_956, %get3A_957] {strides = array<i32>} : memref<16x128xf32, #tpu.memory_space<vmem>>, vector<1x16xf32>,
      %get3A_959 = vector.shape_cast %get3A_958 : vector<1x16xf32> to vector<16xf32>
      %get3A_960 = arith.index_cast %sub3A_943 : i32 to index
      %get3A_961 = arith.constant 64 : index
      %get3A_962 = tpu.vector_load %arg7[%get3A_960, %get3A_961] {strides = array<i32>} : memref<16x128xf32, #tpu.memory_space<vmem>>, vector<1x16xf32>,
      %get3A_963 = vector.shape_cast %get3A_962 : vector<1x16xf32> to vector<16xf32>
      %get3A_964 = arith.index_cast %sub3A_943 : i32 to index
      %get3A_965 = arith.constant 80 : index
      %get3A_966 = tpu.vector_load %arg7[%get3A_964, %get3A_965] {strides = array<i32>} : memref<16x128xf32, #tpu.memory_space<vmem>>, vector<1x16xf32>,
      %get3A_967 = vector.shape_cast %get3A_966 : vector<1x16xf32> to vector<16xf32>
      %get3A_968 = arith.index_cast %sub3A_943 : i32 to index
      %get3A_969 = arith.constant 96 : index
      %get3A_970 = tpu.vector_load %arg7[%get3A_968, %get3A_969] {strides = array<i32>} : memref<16x128xf32, #tpu.memory_space<vmem>>, vector<1x16xf32>,
      %get3A_971 = vector.shape_cast %get3A_970 : vector<1x16xf32> to vector<16xf32>
      %get3A_972 = arith.index_cast %sub3A_943 : i32 to index
      %get3A_973 = arith.constant 112 : index
      %get3A_974 = tpu.vector_load %arg7[%get3A_972, %get3A_973] {strides = array<i32>} : memref<16x128xf32, #tpu.memory_space<vmem>>, vector<1x16xf32>,
      %get3A_975 = vector.shape_cast %get3A_974 : vector<1x16xf32> to vector<16xf32>
      %parallel_loop3A_976 = arith.constant 0 : i32
      %parallel_loop3A_977 = arith.constant 128 : i32
      %parallel_loop3A_978 = arith.constant 1 : i32
      scf.for %parallel_loop3A_1101 = %parallel_loop3A_976 to %parallel_loop3A_977 step %parallel_loop3A_978  : i32 {
        %parallel_loop3A_1102 = arith.index_cast %parallel_loop3A_1101 : i32 to index
        %parallel_loop3A_1103 = arith.constant 0 : index
        %parallel_loop3A_1104 = tpu.vector_load %arg10[%parallel_loop3A_1102, %parallel_loop3A_1103] {strides = array<i32>} : memref<128x128xf32, #tpu.memory_space<vmem>>, vector<1x16xf32>,
        %parallel_loop3A_1105 = vector.shape_cast %parallel_loop3A_1104 : vector<1x16xf32> to vector<16xf32>
        %parallel_loop3A_1106 = vector.shape_cast %get3A_947 : vector<16xf32> to vector<1x16xf32>
        tpu.vector_store %arg10[%parallel_loop3A_1102, %parallel_loop3A_1103], %parallel_loop3A_1106 {add = true, strides = array<i32>} : memref<128x128xf32, #tpu.memory_space<vmem>>, vector<1x16xf32>,
        %parallel_loop3A_1107 = arith.index_cast %parallel_loop3A_1101 : i32 to index
        %parallel_loop3A_1108 = arith.constant 16 : index
        %parallel_loop3A_1109 = tpu.vector_load %arg10[%parallel_loop3A_1107, %parallel_loop3A_1108] {strides = array<i32>} : memref<128x128xf32, #tpu.memory_space<vmem>>, vector<1x16xf32>,
        %parallel_loop3A_1110 = vector.shape_cast %parallel_loop3A_1109 : vector<1x16xf32> to vector<16xf32>
        %parallel_loop3A_1111 = vector.shape_cast %get3A_951 : vector<16xf32> to vector<1x16xf32>
        tpu.vector_store %arg10[%parallel_loop3A_1107, %parallel_loop3A_1108], %parallel_loop3A_1111 {add = true, strides = array<i32>} : memref<128x128xf32, #tpu.memory_space<vmem>>, vector<1x16xf32>,
        %parallel_loop3A_1112 = arith.index_cast %parallel_loop3A_1101 : i32 to index
        %parallel_loop3A_1113 = arith.constant 32 : index
        %parallel_loop3A_1114 = tpu.vector_load %arg10[%parallel_loop3A_1112, %parallel_loop3A_1113] {strides = array<i32>} : memref<128x128xf32, #tpu.memory_space<vmem>>, vector<1x16xf32>,
        %parallel_loop3A_1115 = vector.shape_cast %parallel_loop3A_1114 : vector<1x16xf32> to vector<16xf32>
        %parallel_loop3A_1116 = vector.shape_cast %get3A_955 : vector<16xf32> to vector<1x16xf32>
        tpu.vector_store %arg10[%parallel_loop3A_1112, %parallel_loop3A_1113], %parallel_loop3A_1116 {add = true, strides = array<i32>} : memref<128x128xf32, #tpu.memory_space<vmem>>, vector<1x16xf32>,
        %parallel_loop3A_1117 = arith.index_cast %parallel_loop3A_1101 : i32 to index
        %parallel_loop3A_1118 = arith.constant 48 : index
        %parallel_loop3A_1119 = tpu.vector_load %arg10[%parallel_loop3A_1117, %parallel_loop3A_1118] {strides = array<i32>} : memref<128x128xf32, #tpu.memory_space<vmem>>, vector<1x16xf32>,
        %parallel_loop3A_1120 = vector.shape_cast %parallel_loop3A_1119 : vector<1x16xf32> to vector<16xf32>
        %parallel_loop3A_1121 = vector.shape_cast %get3A_959 : vector<16xf32> to vector<1x16xf32>
        tpu.vector_store %arg10[%parallel_loop3A_1117, %parallel_loop3A_1118], %parallel_loop3A_1121 {add = true, strides = array<i32>} : memref<128x128xf32, #tpu.memory_space<vmem>>, vector<1x16xf32>,
        %parallel_loop3A_1122 = arith.index_cast %parallel_loop3A_1101 : i32 to index
        %parallel_loop3A_1123 = arith.constant 64 : index
        %parallel_loop3A_1124 = tpu.vector_load %arg10[%parallel_loop3A_1122, %parallel_loop3A_1123] {strides = array<i32>} : memref<128x128xf32, #tpu.memory_space<vmem>>, vector<1x16xf32>,
        %parallel_loop3A_1125 = vector.shape_cast %parallel_loop3A_1124 : vector<1x16xf32> to vector<16xf32>
        %parallel_loop3A_1126 = vector.shape_cast %get3A_963 : vector<16xf32> to vector<1x16xf32>
        tpu.vector_store %arg10[%parallel_loop3A_1122, %parallel_loop3A_1123], %parallel_loop3A_1126 {add = true, strides = array<i32>} : memref<128x128xf32, #tpu.memory_space<vmem>>, vector<1x16xf32>,
        %parallel_loop3A_1127 = arith.index_cast %parallel_loop3A_1101 : i32 to index
        %parallel_loop3A_1128 = arith.constant 80 : index
        %parallel_loop3A_1129 = tpu.vector_load %arg10[%parallel_loop3A_1127, %parallel_loop3A_1128] {strides = array<i32>} : memref<128x128xf32, #tpu.memory_space<vmem>>, vector<1x16xf32>,
        %parallel_loop3A_1130 = vector.shape_cast %parallel_loop3A_1129 : vector<1x16xf32> to vector<16xf32>
        %parallel_loop3A_1131 = vector.shape_cast %get3A_967 : vector<16xf32> to vector<1x16xf32>
        tpu.vector_store %arg10[%parallel_loop3A_1127, %parallel_loop3A_1128], %parallel_loop3A_1131 {add = true, strides = array<i32>} : memref<128x128xf32, #tpu.memory_space<vmem>>, vector<1x16xf32>,
        %parallel_loop3A_1132 = arith.index_cast %parallel_loop3A_1101 : i32 to index
        %parallel_loop3A_1133 = arith.constant 96 : index
        %parallel_loop3A_1134 = tpu.vector_load %arg10[%parallel_loop3A_1132, %parallel_loop3A_1133] {strides = array<i32>} : memref<128x128xf32, #tpu.memory_space<vmem>>, vector<1x16xf32>,
        %parallel_loop3A_1135 = vector.shape_cast %parallel_loop3A_1134 : vector<1x16xf32> to vector<16xf32>
        %parallel_loop3A_1136 = vector.shape_cast %get3A_971 : vector<16xf32> to vector<1x16xf32>
        tpu.vector_store %arg10[%parallel_loop3A_1132, %parallel_loop3A_1133], %parallel_loop3A_1136 {add = true, strides = array<i32>} : memref<128x128xf32, #tpu.memory_space<vmem>>, vector<1x16xf32>,
        %parallel_loop3A_1137 = arith.index_cast %parallel_loop3A_1101 : i32 to index
        %parallel_loop3A_1138 = arith.constant 112 : index
        %parallel_loop3A_1139 = tpu.vector_load %arg10[%parallel_loop3A_1137, %parallel_loop3A_1138] {strides = array<i32>} : memref<128x128xf32, #tpu.memory_space<vmem>>, vector<1x16xf32>,
        %parallel_loop3A_1140 = vector.shape_cast %parallel_loop3A_1139 : vector<1x16xf32> to vector<16xf32>
        %parallel_loop3A_1141 = vector.shape_cast %get3A_975 : vector<16xf32> to vector<1x16xf32>
        tpu.vector_store %arg10[%parallel_loop3A_1137, %parallel_loop3A_1138], %parallel_loop3A_1141 {add = true, strides = array<i32>} : memref<128x128xf32, #tpu.memory_space<vmem>>, vector<1x16xf32>,
      } {sc.loop_unroll_factor = 4 : i64, sc.parallel_access}
      %add3A_979 = arith.addi %mul3A_2, %add3A_884 : i32
      %shift_right_logical3A_980 = arith.constant 3 : i32
      %shift_right_logical3A_981 = arith.shrui %add3A_979, %shift_right_logical3A_980 : i32
      %and3A_982 = arith.constant 7 : i32
      %and3A_983 = arith.andi %add3A_979, %and3A_982 : i32
      %mul3A_984 = arith.constant 128 : i32
      %mul3A_985 = arith.muli %and3A_983, %mul3A_984 : i32
      %dma_start3A_986 = arith.constant 0 : i32
      %dma_start3A_987 = tpu.memref_slice %arg5[%mul3A_985, %shift_right_logical3A_981, %dma_start3A_986] : memref<1024x200x128xf32, #tpu.memory_space<hbm>> -> memref<128x1x128xf32, #tpu.memory_space<hbm>>
      %dma_start3A_988 = tpu.memref_squeeze %dma_start3A_987 : memref<128x1x128xf32, #tpu.memory_space<hbm>> -> memref<128x128xf32, #tpu.memory_space<hbm>>
      %dma_start3A_989 = arith.constant 0 : i32
      %dma_start3A_990 = tpu.memref_slice %arg5[%mul3A_985, %shift_right_logical3A_981, %dma_start3A_989] : memref<1024x200x128xf32, #tpu.memory_space<hbm>> -> memref<128x1x128xf32, #tpu.memory_space<hbm>>
      %dma_start3A_991 = tpu.memref_squeeze %dma_start3A_990 : memref<128x1x128xf32, #tpu.memory_space<hbm>> -> memref<128x128xf32, #tpu.memory_space<hbm>>
      tpu.enqueue_dma source(%arg10 : memref<128x128xf32, #tpu.memory_space<vmem>>) target(%dma_start3A_991 : memref<128x128xf32, #tpu.memory_space<hbm>>) target_semaphore(%arg19 : memref<!tpu.dma_semaphore, #tpu.memory_space<semaphore_mem>>)
      %add3A_992 = arith.constant 3 : i32
      %add3A_993 = arith.addi %mul3A_687, %add3A_992 : i32
      %add3A_994 = arith.addi %mul3A_2, %add3A_993 : i32
      %shift_right_logical3A_995 = arith.constant 3 : i32
      %shift_right_logical3A_996 = arith.shrui %add3A_994, %shift_right_logical3A_995 : i32
      %and3A_997 = arith.constant 7 : i32
      %and3A_998 = arith.andi %add3A_994, %and3A_997 : i32
      %sub3A_999 = arith.subi %shift_right_logical3A_996, %min3A_7 : i32
      %mul3A_1000 = arith.constant 128 : i32
      %mul3A_1001 = arith.muli %and3A_998, %mul3A_1000 : i32
      %add3A_1002 = arith.constant 0 : i32
      %add3A_1003 = arith.addi %mul3A_1001, %add3A_1002 : i32
      %dma_wait3A_1004 = arith.constant 0 : i32
      %dma_wait3A_1005 = arith.constant 0 : i32
      %dma_wait3A_1006 = tpu.memref_slice %arg11[%dma_wait3A_1004, %dma_wait3A_1005] : memref<128x128xf32, #tpu.memory_space<vmem>> -> memref<128x128xf32, #tpu.memory_space<vmem>>
      %dma_wait3A_1007 = tpu.memref_slice %arg6[%sub3A_999, %add3A_1003] : memref<16x1024xi32, #tpu.memory_space<vmem>> -> memref<1x128xi32, #tpu.memory_space<vmem>>
      %dma_wait3A_1008 = tpu.memref_squeeze %dma_wait3A_1007 : memref<1x128xi32, #tpu.memory_space<vmem>> -> memref<128xi32, #tpu.memory_space<vmem>>
      %dma_wait3A_1009 = arith.constant 0 : i32
      %dma_wait3A_1010 = arith.constant 0 : i32
      %dma_wait3A_1011 = tpu.memref_slice %arg12[%dma_wait3A_1009, %dma_wait3A_1010] : memref<1000x128xf32, #tpu.memory_space<vmem_shared>> -> memref<1000x128xf32, #tpu.memory_space<vmem_shared>>
      tpu.wait_indirect_dma semaphore(%arg16 : memref<!tpu.dma_semaphore, #tpu.memory_space<semaphore_mem>>) src(%dma_wait3A_1011 : memref<1000x128xf32, #tpu.memory_space<vmem_shared>>) dst(%dma_wait3A_1006 : memref<128x128xf32, #tpu.memory_space<vmem>>)
      %sub3A_1012 = arith.constant 2 : i32
      %sub3A_1013 = arith.subi %add3A_993, %sub3A_1012 : i32
      %add3A_1014 = arith.addi %mul3A_2, %sub3A_1013 : i32
      %shift_right_logical3A_1015 = arith.constant 3 : i32
      %shift_right_logical3A_1016 = arith.shrui %add3A_1014, %shift_right_logical3A_1015 : i32
      %and3A_1017 = arith.constant 7 : i32
      %and3A_1018 = arith.andi %add3A_1014, %and3A_1017 : i32
      %mul3A_1019 = arith.constant 128 : i32
      %mul3A_1020 = arith.muli %and3A_1018, %mul3A_1019 : i32
      %dma_wait3A_1021 = arith.constant 0 : i32
      %dma_wait3A_1022 = tpu.memref_slice %arg5[%mul3A_1020, %shift_right_logical3A_1016, %dma_wait3A_1021] : memref<1024x200x128xf32, #tpu.memory_space<hbm>> -> memref<128x1x128xf32, #tpu.memory_space<hbm>>
      %dma_wait3A_1023 = tpu.memref_squeeze %dma_wait3A_1022 : memref<128x1x128xf32, #tpu.memory_space<hbm>> -> memref<128x128xf32, #tpu.memory_space<hbm>>
      %dma_wait3A_1024 = arith.constant 0 : i32
      %dma_wait3A_1025 = tpu.memref_slice %arg5[%mul3A_1020, %shift_right_logical3A_1016, %dma_wait3A_1024] : memref<1024x200x128xf32, #tpu.memory_space<hbm>> -> memref<128x1x128xf32, #tpu.memory_space<hbm>>
      %dma_wait3A_1026 = tpu.memref_squeeze %dma_wait3A_1025 : memref<128x1x128xf32, #tpu.memory_space<hbm>> -> memref<128x128xf32, #tpu.memory_space<hbm>>
      tpu.wait_dma2 semaphore(%arg18 : memref<!tpu.dma_semaphore, #tpu.memory_space<semaphore_mem>>) src(%arg9 : memref<128x128xf32, #tpu.memory_space<vmem>>) dst(%dma_wait3A_1026 : memref<128x128xf32, #tpu.memory_space<hbm>>)
      %add3A_1027 = arith.constant 2 : i32
      %add3A_1028 = arith.addi %add3A_993, %add3A_1027 : i32
      %add3A_1029 = arith.addi %mul3A_2, %add3A_1028 : i32
      %shift_right_logical3A_1030 = arith.constant 3 : i32
      %shift_right_logical3A_1031 = arith.shrui %add3A_1029, %shift_right_logical3A_1030 : i32
      %and3A_1032 = arith.constant 7 : i32
      %and3A_1033 = arith.andi %add3A_1029, %and3A_1032 : i32
      %sub3A_1034 = arith.subi %shift_right_logical3A_1031, %min3A_7 : i32
      %mul3A_1035 = arith.constant 128 : i32
      %mul3A_1036 = arith.muli %and3A_1033, %mul3A_1035 : i32
      %add3A_1037 = arith.constant 0 : i32
      %add3A_1038 = arith.addi %mul3A_1036, %add3A_1037 : i32
      %dma_start3A_1039 = arith.constant 0 : i32
      %dma_start3A_1040 = arith.constant 0 : i32
      %dma_start3A_1041 = tpu.memref_slice %arg9[%dma_start3A_1039, %dma_start3A_1040] : memref<128x128xf32, #tpu.memory_space<vmem>> -> memref<128x128xf32, #tpu.memory_space<vmem>>
      %dma_start3A_1042 = tpu.memref_slice %arg6[%sub3A_1034, %add3A_1038] : memref<16x1024xi32, #tpu.memory_space<vmem>> -> memref<1x128xi32, #tpu.memory_space<vmem>>
      %dma_start3A_1043 = tpu.memref_squeeze %dma_start3A_1042 : memref<1x128xi32, #tpu.memory_space<vmem>> -> memref<128xi32, #tpu.memory_space<vmem>>
      %dma_start3A_1044 = arith.constant 0 : i32
      %dma_start3A_1045 = arith.constant 0 : i32
      %dma_start3A_1046 = tpu.memref_slice %arg12[%dma_start3A_1044, %dma_start3A_1045] : memref<1000x128xf32, #tpu.memory_space<vmem_shared>> -> memref<1000x128xf32, #tpu.memory_space<vmem_shared>>
      tpu.enqueue_indirect_dma source(%dma_start3A_1046 : memref<1000x128xf32, #tpu.memory_space<vmem_shared>>) target(%dma_start3A_1041 : memref<128x128xf32, #tpu.memory_space<vmem>>) offsets(%dma_start3A_1043 : memref<128xi32, #tpu.memory_space<vmem>>) semaphore(%arg14 : memref<!tpu.dma_semaphore, #tpu.memory_space<semaphore_mem>>)
      %add3A_1047 = arith.addi %mul3A_2, %add3A_993 : i32
      %shift_right_logical3A_1048 = arith.constant 3 : i32
      %shift_right_logical3A_1049 = arith.shrui %add3A_1047, %shift_right_logical3A_1048 : i32
      %and3A_1050 = arith.constant 7 : i32
      %and3A_1051 = arith.andi %add3A_1047, %and3A_1050 : i32
      %sub3A_1052 = arith.subi %shift_right_logical3A_1049, %min3A_7 : i32
      %get3A_1053 = arith.index_cast %sub3A_1052 : i32 to index
      %get3A_1054 = arith.constant 0 : index
      %get3A_1055 = tpu.vector_load %arg7[%get3A_1053, %get3A_1054] {strides = array<i32>} : memref<16x128xf32, #tpu.memory_space<vmem>>, vector<1x16xf32>,
      %get3A_1056 = vector.shape_cast %get3A_1055 : vector<1x16xf32> to vector<16xf32>
      %get3A_1057 = arith.index_cast %sub3A_1052 : i32 to index
      %get3A_1058 = arith.constant 16 : index
      %get3A_1059 = tpu.vector_load %arg7[%get3A_1057, %get3A_1058] {strides = array<i32>} : memref<16x128xf32, #tpu.memory_space<vmem>>, vector<1x16xf32>,
      %get3A_1060 = vector.shape_cast %get3A_1059 : vector<1x16xf32> to vector<16xf32>
      %get3A_1061 = arith.index_cast %sub3A_1052 : i32 to index
      %get3A_1062 = arith.constant 32 : index
      %get3A_1063 = tpu.vector_load %arg7[%get3A_1061, %get3A_1062] {strides = array<i32>} : memref<16x128xf32, #tpu.memory_space<vmem>>, vector<1x16xf32>,
      %get3A_1064 = vector.shape_cast %get3A_1063 : vector<1x16xf32> to vector<16xf32>
      %get3A_1065 = arith.index_cast %sub3A_1052 : i32 to index
      %get3A_1066 = arith.constant 48 : index
      %get3A_1067 = tpu.vector_load %arg7[%get3A_1065, %get3A_1066] {strides = array<i32>} : memref<16x128xf32, #tpu.memory_space<vmem>>, vector<1x16xf32>,
      %get3A_1068 = vector.shape_cast %get3A_1067 : vector<1x16xf32> to vector<16xf32>
      %get3A_1069 = arith.index_cast %sub3A_1052 : i32 to index
      %get3A_1070 = arith.constant 64 : index
      %get3A_1071 = tpu.vector_load %arg7[%get3A_1069, %get3A_1070] {strides = array<i32>} : memref<16x128xf32, #tpu.memory_space<vmem>>, vector<1x16xf32>,
      %get3A_1072 = vector.shape_cast %get3A_1071 : vector<1x16xf32> to vector<16xf32>
      %get3A_1073 = arith.index_cast %sub3A_1052 : i32 to index
      %get3A_1074 = arith.constant 80 : index
      %get3A_1075 = tpu.vector_load %arg7[%get3A_1073, %get3A_1074] {strides = array<i32>} : memref<16x128xf32, #tpu.memory_space<vmem>>, vector<1x16xf32>,
      %get3A_1076 = vector.shape_cast %get3A_1075 : vector<1x16xf32> to vector<16xf32>
      %get3A_1077 = arith.index_cast %sub3A_1052 : i32 to index
      %get3A_1078 = arith.constant 96 : index
      %get3A_1079 = tpu.vector_load %arg7[%get3A_1077, %get3A_1078] {strides = array<i32>} : memref<16x128xf32, #tpu.memory_space<vmem>>, vector<1x16xf32>,
      %get3A_1080 = vector.shape_cast %get3A_1079 : vector<1x16xf32> to vector<16xf32>
      %get3A_1081 = arith.index_cast %sub3A_1052 : i32 to index
      %get3A_1082 = arith.constant 112 : index
      %get3A_1083 = tpu.vector_load %arg7[%get3A_1081, %get3A_1082] {strides = array<i32>} : memref<16x128xf32, #tpu.memory_space<vmem>>, vector<1x16xf32>,
      %get3A_1084 = vector.shape_cast %get3A_1083 : vector<1x16xf32> to vector<16xf32>
      %parallel_loop3A_1085 = arith.constant 0 : i32
      %parallel_loop3A_1086 = arith.constant 128 : i32
      %parallel_loop3A_1087 = arith.constant 1 : i32
      scf.for %parallel_loop3A_1101 = %parallel_loop3A_1085 to %parallel_loop3A_1086 step %parallel_loop3A_1087  : i32 {
        %parallel_loop3A_1102 = arith.index_cast %parallel_loop3A_1101 : i32 to index
        %parallel_loop3A_1103 = arith.constant 0 : index
        %parallel_loop3A_1104 = tpu.vector_load %arg11[%parallel_loop3A_1102, %parallel_loop3A_1103] {strides = array<i32>} : memref<128x128xf32, #tpu.memory_space<vmem>>, vector<1x16xf32>,
        %parallel_loop3A_1105 = vector.shape_cast %parallel_loop3A_1104 : vector<1x16xf32> to vector<16xf32>
        %parallel_loop3A_1106 = vector.shape_cast %get3A_1056 : vector<16xf32> to vector<1x16xf32>
        tpu.vector_store %arg11[%parallel_loop3A_1102, %parallel_loop3A_1103], %parallel_loop3A_1106 {add = true, strides = array<i32>} : memref<128x128xf32, #tpu.memory_space<vmem>>, vector<1x16xf32>,
        %parallel_loop3A_1107 = arith.index_cast %parallel_loop3A_1101 : i32 to index
        %parallel_loop3A_1108 = arith.constant 16 : index
        %parallel_loop3A_1109 = tpu.vector_load %arg11[%parallel_loop3A_1107, %parallel_loop3A_1108] {strides = array<i32>} : memref<128x128xf32, #tpu.memory_space<vmem>>, vector<1x16xf32>,
        %parallel_loop3A_1110 = vector.shape_cast %parallel_loop3A_1109 : vector<1x16xf32> to vector<16xf32>
        %parallel_loop3A_1111 = vector.shape_cast %get3A_1060 : vector<16xf32> to vector<1x16xf32>
        tpu.vector_store %arg11[%parallel_loop3A_1107, %parallel_loop3A_1108], %parallel_loop3A_1111 {add = true, strides = array<i32>} : memref<128x128xf32, #tpu.memory_space<vmem>>, vector<1x16xf32>,
        %parallel_loop3A_1112 = arith.index_cast %parallel_loop3A_1101 : i32 to index
        %parallel_loop3A_1113 = arith.constant 32 : index
        %parallel_loop3A_1114 = tpu.vector_load %arg11[%parallel_loop3A_1112, %parallel_loop3A_1113] {strides = array<i32>} : memref<128x128xf32, #tpu.memory_space<vmem>>, vector<1x16xf32>,
        %parallel_loop3A_1115 = vector.shape_cast %parallel_loop3A_1114 : vector<1x16xf32> to vector<16xf32>
        %parallel_loop3A_1116 = vector.shape_cast %get3A_1064 : vector<16xf32> to vector<1x16xf32>
        tpu.vector_store %arg11[%parallel_loop3A_1112, %parallel_loop3A_1113], %parallel_loop3A_1116 {add = true, strides = array<i32>} : memref<128x128xf32, #tpu.memory_space<vmem>>, vector<1x16xf32>,
        %parallel_loop3A_1117 = arith.index_cast %parallel_loop3A_1101 : i32 to index
        %parallel_loop3A_1118 = arith.constant 48 : index
        %parallel_loop3A_1119 = tpu.vector_load %arg11[%parallel_loop3A_1117, %parallel_loop3A_1118] {strides = array<i32>} : memref<128x128xf32, #tpu.memory_space<vmem>>, vector<1x16xf32>,
        %parallel_loop3A_1120 = vector.shape_cast %parallel_loop3A_1119 : vector<1x16xf32> to vector<16xf32>
        %parallel_loop3A_1121 = vector.shape_cast %get3A_1068 : vector<16xf32> to vector<1x16xf32>
        tpu.vector_store %arg11[%parallel_loop3A_1117, %parallel_loop3A_1118], %parallel_loop3A_1121 {add = true, strides = array<i32>} : memref<128x128xf32, #tpu.memory_space<vmem>>, vector<1x16xf32>,
        %parallel_loop3A_1122 = arith.index_cast %parallel_loop3A_1101 : i32 to index
        %parallel_loop3A_1123 = arith.constant 64 : index
        %parallel_loop3A_1124 = tpu.vector_load %arg11[%parallel_loop3A_1122, %parallel_loop3A_1123] {strides = array<i32>} : memref<128x128xf32, #tpu.memory_space<vmem>>, vector<1x16xf32>,
        %parallel_loop3A_1125 = vector.shape_cast %parallel_loop3A_1124 : vector<1x16xf32> to vector<16xf32>
        %parallel_loop3A_1126 = vector.shape_cast %get3A_1072 : vector<16xf32> to vector<1x16xf32>
        tpu.vector_store %arg11[%parallel_loop3A_1122, %parallel_loop3A_1123], %parallel_loop3A_1126 {add = true, strides = array<i32>} : memref<128x128xf32, #tpu.memory_space<vmem>>, vector<1x16xf32>,
        %parallel_loop3A_1127 = arith.index_cast %parallel_loop3A_1101 : i32 to index
        %parallel_loop3A_1128 = arith.constant 80 : index
        %parallel_loop3A_1129 = tpu.vector_load %arg11[%parallel_loop3A_1127, %parallel_loop3A_1128] {strides = array<i32>} : memref<128x128xf32, #tpu.memory_space<vmem>>, vector<1x16xf32>,
        %parallel_loop3A_1130 = vector.shape_cast %parallel_loop3A_1129 : vector<1x16xf32> to vector<16xf32>
        %parallel_loop3A_1131 = vector.shape_cast %get3A_1076 : vector<16xf32> to vector<1x16xf32>
        tpu.vector_store %arg11[%parallel_loop3A_1127, %parallel_loop3A_1128], %parallel_loop3A_1131 {add = true, strides = array<i32>} : memref<128x128xf32, #tpu.memory_space<vmem>>, vector<1x16xf32>,
        %parallel_loop3A_1132 = arith.index_cast %parallel_loop3A_1101 : i32 to index
        %parallel_loop3A_1133 = arith.constant 96 : index
        %parallel_loop3A_1134 = tpu.vector_load %arg11[%parallel_loop3A_1132, %parallel_loop3A_1133] {strides = array<i32>} : memref<128x128xf32, #tpu.memory_space<vmem>>, vector<1x16xf32>,
        %parallel_loop3A_1135 = vector.shape_cast %parallel_loop3A_1134 : vector<1x16xf32> to vector<16xf32>
        %parallel_loop3A_1136 = vector.shape_cast %get3A_1080 : vector<16xf32> to vector<1x16xf32>
        tpu.vector_store %arg11[%parallel_loop3A_1132, %parallel_loop3A_1133], %parallel_loop3A_1136 {add = true, strides = array<i32>} : memref<128x128xf32, #tpu.memory_space<vmem>>, vector<1x16xf32>,
        %parallel_loop3A_1137 = arith.index_cast %parallel_loop3A_1101 : i32 to index
        %parallel_loop3A_1138 = arith.constant 112 : index
        %parallel_loop3A_1139 = tpu.vector_load %arg11[%parallel_loop3A_1137, %parallel_loop3A_1138] {strides = array<i32>} : memref<128x128xf32, #tpu.memory_space<vmem>>, vector<1x16xf32>,
        %parallel_loop3A_1140 = vector.shape_cast %parallel_loop3A_1139 : vector<1x16xf32> to vector<16xf32>
        %parallel_loop3A_1141 = vector.shape_cast %get3A_1084 : vector<16xf32> to vector<1x16xf32>
        tpu.vector_store %arg11[%parallel_loop3A_1137, %parallel_loop3A_1138], %parallel_loop3A_1141 {add = true, strides = array<i32>} : memref<128x128xf32, #tpu.memory_space<vmem>>, vector<1x16xf32>,
      } {sc.loop_unroll_factor = 4 : i64, sc.parallel_access}
      %add3A_1088 = arith.addi %mul3A_2, %add3A_993 : i32
      %shift_right_logical3A_1089 = arith.constant 3 : i32
      %shift_right_logical3A_1090 = arith.shrui %add3A_1088, %shift_right_logical3A_1089 : i32
      %and3A_1091 = arith.constant 7 : i32
      %and3A_1092 = arith.andi %add3A_1088, %and3A_1091 : i32
      %mul3A_1093 = arith.constant 128 : i32
      %mul3A_1094 = arith.muli %and3A_1092, %mul3A_1093 : i32
      %dma_start3A_1095 = arith.constant 0 : i32
      %dma_start3A_1096 = tpu.memref_slice %arg5[%mul3A_1094, %shift_right_logical3A_1090, %dma_start3A_1095] : memref<1024x200x128xf32, #tpu.memory_space<hbm>> -> memref<128x1x128xf32, #tpu.memory_space<hbm>>
      %dma_start3A_1097 = tpu.memref_squeeze %dma_start3A_1096 : memref<128x1x128xf32, #tpu.memory_space<hbm>> -> memref<128x128xf32, #tpu.memory_space<hbm>>
      %dma_start3A_1098 = arith.constant 0 : i32
      %dma_start3A_1099 = tpu.memref_slice %arg5[%mul3A_1094, %shift_right_logical3A_1090, %dma_start3A_1098] : memref<1024x200x128xf32, #tpu.memory_space<hbm>> -> memref<128x1x128xf32, #tpu.memory_space<hbm>>
      %dma_start3A_1100 = tpu.memref_squeeze %dma_start3A_1099 : memref<128x1x128xf32, #tpu.memory_space<hbm>> -> memref<128x128xf32, #tpu.memory_space<hbm>>
      tpu.enqueue_dma source(%arg11 : memref<128x128xf32, #tpu.memory_space<vmem>>) target(%dma_start3A_1100 : memref<128x128xf32, #tpu.memory_space<hbm>>) target_semaphore(%arg20 : memref<!tpu.dma_semaphore, #tpu.memory_space<semaphore_mem>>)
    }
    %scan3A_49 = arith.constant 11 : i32
    %add3A_50 = arith.constant 44 : i32
    %add3A_51 = arith.addi %mul3A_2, %add3A_50 : i32
    %shift_right_logical3A_52 = arith.constant 3 : i32
    %shift_right_logical3A_53 = arith.shrui %add3A_51, %shift_right_logical3A_52 : i32
    %and3A_54 = arith.constant 7 : i32
    %and3A_55 = arith.andi %add3A_51, %and3A_54 : i32
    %sub3A_56 = arith.subi %shift_right_logical3A_53, %min3A_7 : i32
    %mul3A_57 = arith.constant 128 : i32
    %mul3A_58 = arith.muli %and3A_55, %mul3A_57 : i32
    %add3A_59 = arith.constant 0 : i32
    %add3A_60 = arith.addi %mul3A_58, %add3A_59 : i32
    %dma_wait3A = arith.constant 0 : i32
    %dma_wait3A_61 = arith.constant 0 : i32
    %dma_wait3A_62 = tpu.memref_slice %arg8[%dma_wait3A, %dma_wait3A_61] : memref<128x128xf32, #tpu.memory_space<vmem>> -> memref<128x128xf32, #tpu.memory_space<vmem>>
    %dma_wait3A_63 = tpu.memref_slice %arg6[%sub3A_56, %add3A_60] : memref<16x1024xi32, #tpu.memory_space<vmem>> -> memref<1x128xi32, #tpu.memory_space<vmem>>
    %dma_wait3A_64 = tpu.memref_squeeze %dma_wait3A_63 : memref<1x128xi32, #tpu.memory_space<vmem>> -> memref<128xi32, #tpu.memory_space<vmem>>
    %dma_wait3A_65 = arith.constant 0 : i32
    %dma_wait3A_66 = arith.constant 0 : i32
    %dma_wait3A_67 = tpu.memref_slice %arg12[%dma_wait3A_65, %dma_wait3A_66] : memref<1000x128xf32, #tpu.memory_space<vmem_shared>> -> memref<1000x128xf32, #tpu.memory_space<vmem_shared>>
    tpu.wait_indirect_dma semaphore(%arg13 : memref<!tpu.dma_semaphore, #tpu.memory_space<semaphore_mem>>) src(%dma_wait3A_67 : memref<1000x128xf32, #tpu.memory_space<vmem_shared>>) dst(%dma_wait3A_62 : memref<128x128xf32, #tpu.memory_space<vmem>>)
    %add3A_68 = arith.constant 42 : i32
    %add3A_69 = arith.addi %mul3A_2, %add3A_68 : i32
    %shift_right_logical3A_70 = arith.constant 3 : i32
    %shift_right_logical3A_71 = arith.shrui %add3A_69, %shift_right_logical3A_70 : i32
    %and3A_72 = arith.constant 7 : i32
    %and3A_73 = arith.andi %add3A_69, %and3A_72 : i32
    %mul3A_74 = arith.constant 128 : i32
    %mul3A_75 = arith.muli %and3A_73, %mul3A_74 : i32
    %dma_wait3A_76 = arith.constant 0 : i32
    %dma_wait3A_77 = tpu.memref_slice %arg5[%mul3A_75, %shift_right_logical3A_71, %dma_wait3A_76] : memref<1024x200x128xf32, #tpu.memory_space<hbm>> -> memref<128x1x128xf32, #tpu.memory_space<hbm>>
    %dma_wait3A_78 = tpu.memref_squeeze %dma_wait3A_77 : memref<128x1x128xf32, #tpu.memory_space<hbm>> -> memref<128x128xf32, #tpu.memory_space<hbm>>
    %dma_wait3A_79 = arith.constant 0 : i32
    %dma_wait3A_80 = tpu.memref_slice %arg5[%mul3A_75, %shift_right_logical3A_71, %dma_wait3A_79] : memref<1024x200x128xf32, #tpu.memory_space<hbm>> -> memref<128x1x128xf32, #tpu.memory_space<hbm>>
    %dma_wait3A_81 = tpu.memref_squeeze %dma_wait3A_80 : memref<128x1x128xf32, #tpu.memory_space<hbm>> -> memref<128x128xf32, #tpu.memory_space<hbm>>
    tpu.wait_dma2 semaphore(%arg19 : memref<!tpu.dma_semaphore, #tpu.memory_space<semaphore_mem>>) src(%arg10 : memref<128x128xf32, #tpu.memory_space<vmem>>) dst(%dma_wait3A_81 : memref<128x128xf32, #tpu.memory_space<hbm>>)
    %add3A_82 = arith.constant 46 : i32
    %add3A_83 = arith.addi %mul3A_2, %add3A_82 : i32
    %shift_right_logical3A_84 = arith.constant 3 : i32
    %shift_right_logical3A_85 = arith.shrui %add3A_83, %shift_right_logical3A_84 : i32
    %and3A_86 = arith.constant 7 : i32
    %and3A_87 = arith.andi %add3A_83, %and3A_86 : i32
    %sub3A_88 = arith.subi %shift_right_logical3A_85, %min3A_7 : i32
    %mul3A_89 = arith.constant 128 : i32
    %mul3A_90 = arith.muli %and3A_87, %mul3A_89 : i32
    %add3A_91 = arith.constant 0 : i32
    %add3A_92 = arith.addi %mul3A_90, %add3A_91 : i32
    %dma_start3A_93 = arith.constant 0 : i32
    %dma_start3A_94 = arith.constant 0 : i32
    %dma_start3A_95 = tpu.memref_slice %arg10[%dma_start3A_93, %dma_start3A_94] : memref<128x128xf32, #tpu.memory_space<vmem>> -> memref<128x128xf32, #tpu.memory_space<vmem>>
    %dma_start3A_96 = tpu.memref_slice %arg6[%sub3A_88, %add3A_92] : memref<16x1024xi32, #tpu.memory_space<vmem>> -> memref<1x128xi32, #tpu.memory_space<vmem>>
    %dma_start3A_97 = tpu.memref_squeeze %dma_start3A_96 : memref<1x128xi32, #tpu.memory_space<vmem>> -> memref<128xi32, #tpu.memory_space<vmem>>
    %dma_start3A_98 = arith.constant 0 : i32
    %dma_start3A_99 = arith.constant 0 : i32
    %dma_start3A_100 = tpu.memref_slice %arg12[%dma_start3A_98, %dma_start3A_99] : memref<1000x128xf32, #tpu.memory_space<vmem_shared>> -> memref<1000x128xf32, #tpu.memory_space<vmem_shared>>
    tpu.enqueue_indirect_dma source(%dma_start3A_100 : memref<1000x128xf32, #tpu.memory_space<vmem_shared>>) target(%dma_start3A_95 : memref<128x128xf32, #tpu.memory_space<vmem>>) offsets(%dma_start3A_97 : memref<128xi32, #tpu.memory_space<vmem>>) semaphore(%arg15 : memref<!tpu.dma_semaphore, #tpu.memory_space<semaphore_mem>>)
    %add3A_101 = arith.constant 44 : i32
    %add3A_102 = arith.addi %mul3A_2, %add3A_101 : i32
    %shift_right_logical3A_103 = arith.constant 3 : i32
    %shift_right_logical3A_104 = arith.shrui %add3A_102, %shift_right_logical3A_103 : i32
    %and3A_105 = arith.constant 7 : i32
    %and3A_106 = arith.andi %add3A_102, %and3A_105 : i32
    %sub3A_107 = arith.subi %shift_right_logical3A_104, %min3A_7 : i32
    %get3A = arith.index_cast %sub3A_107 : i32 to index
    %get3A_108 = arith.constant 0 : index
    %get3A_109 = tpu.vector_load %arg7[%get3A, %get3A_108] {strides = array<i32>} : memref<16x128xf32, #tpu.memory_space<vmem>>, vector<1x16xf32>,
    %get3A_110 = vector.shape_cast %get3A_109 : vector<1x16xf32> to vector<16xf32>
    %get3A_111 = arith.index_cast %sub3A_107 : i32 to index
    %get3A_112 = arith.constant 16 : index
    %get3A_113 = tpu.vector_load %arg7[%get3A_111, %get3A_112] {strides = array<i32>} : memref<16x128xf32, #tpu.memory_space<vmem>>, vector<1x16xf32>,
    %get3A_114 = vector.shape_cast %get3A_113 : vector<1x16xf32> to vector<16xf32>
    %get3A_115 = arith.index_cast %sub3A_107 : i32 to index
    %get3A_116 = arith.constant 32 : index
    %get3A_117 = tpu.vector_load %arg7[%get3A_115, %get3A_116] {strides = array<i32>} : memref<16x128xf32, #tpu.memory_space<vmem>>, vector<1x16xf32>,
    %get3A_118 = vector.shape_cast %get3A_117 : vector<1x16xf32> to vector<16xf32>
    %get3A_119 = arith.index_cast %sub3A_107 : i32 to index
    %get3A_120 = arith.constant 48 : index
    %get3A_121 = tpu.vector_load %arg7[%get3A_119, %get3A_120] {strides = array<i32>} : memref<16x128xf32, #tpu.memory_space<vmem>>, vector<1x16xf32>,
    %get3A_122 = vector.shape_cast %get3A_121 : vector<1x16xf32> to vector<16xf32>
    %get3A_123 = arith.index_cast %sub3A_107 : i32 to index
    %get3A_124 = arith.constant 64 : index
    %get3A_125 = tpu.vector_load %arg7[%get3A_123, %get3A_124] {strides = array<i32>} : memref<16x128xf32, #tpu.memory_space<vmem>>, vector<1x16xf32>,
    %get3A_126 = vector.shape_cast %get3A_125 : vector<1x16xf32> to vector<16xf32>
    %get3A_127 = arith.index_cast %sub3A_107 : i32 to index
    %get3A_128 = arith.constant 80 : index
    %get3A_129 = tpu.vector_load %arg7[%get3A_127, %get3A_128] {strides = array<i32>} : memref<16x128xf32, #tpu.memory_space<vmem>>, vector<1x16xf32>,
    %get3A_130 = vector.shape_cast %get3A_129 : vector<1x16xf32> to vector<16xf32>
    %get3A_131 = arith.index_cast %sub3A_107 : i32 to index
    %get3A_132 = arith.constant 96 : index
    %get3A_133 = tpu.vector_load %arg7[%get3A_131, %get3A_132] {strides = array<i32>} : memref<16x128xf32, #tpu.memory_space<vmem>>, vector<1x16xf32>,
    %get3A_134 = vector.shape_cast %get3A_133 : vector<1x16xf32> to vector<16xf32>
    %get3A_135 = arith.index_cast %sub3A_107 : i32 to index
    %get3A_136 = arith.constant 112 : index
    %get3A_137 = tpu.vector_load %arg7[%get3A_135, %get3A_136] {strides = array<i32>} : memref<16x128xf32, #tpu.memory_space<vmem>>, vector<1x16xf32>,
    %get3A_138 = vector.shape_cast %get3A_137 : vector<1x16xf32> to vector<16xf32>
    %parallel_loop3A = arith.constant 0 : i32
    %parallel_loop3A_139 = arith.constant 128 : i32
    %parallel_loop3A_140 = arith.constant 1 : i32
    scf.for %parallel_loop3A_685 = %parallel_loop3A to %parallel_loop3A_139 step %parallel_loop3A_140  : i32 {
      %parallel_loop3A_686 = arith.index_cast %parallel_loop3A_685 : i32 to index
      %parallel_loop3A_687 = arith.constant 0 : index
      %parallel_loop3A_688 = tpu.vector_load %arg8[%parallel_loop3A_686, %parallel_loop3A_687] {strides = array<i32>} : memref<128x128xf32, #tpu.memory_space<vmem>>, vector<1x16xf32>,
      %parallel_loop3A_689 = vector.shape_cast %parallel_loop3A_688 : vector<1x16xf32> to vector<16xf32>
      %parallel_loop3A_690 = vector.shape_cast %get3A_110 : vector<16xf32> to vector<1x16xf32>
      tpu.vector_store %arg8[%parallel_loop3A_686, %parallel_loop3A_687], %parallel_loop3A_690 {add = true, strides = array<i32>} : memref<128x128xf32, #tpu.memory_space<vmem>>, vector<1x16xf32>,
      %parallel_loop3A_691 = arith.index_cast %parallel_loop3A_685 : i32 to index
      %parallel_loop3A_692 = arith.constant 16 : index
      %parallel_loop3A_693 = tpu.vector_load %arg8[%parallel_loop3A_691, %parallel_loop3A_692] {strides = array<i32>} : memref<128x128xf32, #tpu.memory_space<vmem>>, vector<1x16xf32>,
      %parallel_loop3A_694 = vector.shape_cast %parallel_loop3A_693 : vector<1x16xf32> to vector<16xf32>
      %parallel_loop3A_695 = vector.shape_cast %get3A_114 : vector<16xf32> to vector<1x16xf32>
      tpu.vector_store %arg8[%parallel_loop3A_691, %parallel_loop3A_692], %parallel_loop3A_695 {add = true, strides = array<i32>} : memref<128x128xf32, #tpu.memory_space<vmem>>, vector<1x16xf32>,
      %parallel_loop3A_696 = arith.index_cast %parallel_loop3A_685 : i32 to index
      %parallel_loop3A_697 = arith.constant 32 : index
      %parallel_loop3A_698 = tpu.vector_load %arg8[%parallel_loop3A_696, %parallel_loop3A_697] {strides = array<i32>} : memref<128x128xf32, #tpu.memory_space<vmem>>, vector<1x16xf32>,
      %parallel_loop3A_699 = vector.shape_cast %parallel_loop3A_698 : vector<1x16xf32> to vector<16xf32>
      %parallel_loop3A_700 = vector.shape_cast %get3A_118 : vector<16xf32> to vector<1x16xf32>
      tpu.vector_store %arg8[%parallel_loop3A_696, %parallel_loop3A_697], %parallel_loop3A_700 {add = true, strides = array<i32>} : memref<128x128xf32, #tpu.memory_space<vmem>>, vector<1x16xf32>,
      %parallel_loop3A_701 = arith.index_cast %parallel_loop3A_685 : i32 to index
      %parallel_loop3A_702 = arith.constant 48 : index
      %parallel_loop3A_703 = tpu.vector_load %arg8[%parallel_loop3A_701, %parallel_loop3A_702] {strides = array<i32>} : memref<128x128xf32, #tpu.memory_space<vmem>>, vector<1x16xf32>,
      %parallel_loop3A_704 = vector.shape_cast %parallel_loop3A_703 : vector<1x16xf32> to vector<16xf32>
      %parallel_loop3A_705 = vector.shape_cast %get3A_122 : vector<16xf32> to vector<1x16xf32>
      tpu.vector_store %arg8[%parallel_loop3A_701, %parallel_loop3A_702], %parallel_loop3A_705 {add = true, strides = array<i32>} : memref<128x128xf32, #tpu.memory_space<vmem>>, vector<1x16xf32>,
      %parallel_loop3A_706 = arith.index_cast %parallel_loop3A_685 : i32 to index
      %parallel_loop3A_707 = arith.constant 64 : index
      %parallel_loop3A_708 = tpu.vector_load %arg8[%parallel_loop3A_706, %parallel_loop3A_707] {strides = array<i32>} : memref<128x128xf32, #tpu.memory_space<vmem>>, vector<1x16xf32>,
      %parallel_loop3A_709 = vector.shape_cast %parallel_loop3A_708 : vector<1x16xf32> to vector<16xf32>
      %parallel_loop3A_710 = vector.shape_cast %get3A_126 : vector<16xf32> to vector<1x16xf32>
      tpu.vector_store %arg8[%parallel_loop3A_706, %parallel_loop3A_707], %parallel_loop3A_710 {add = true, strides = array<i32>} : memref<128x128xf32, #tpu.memory_space<vmem>>, vector<1x16xf32>,
      %parallel_loop3A_711 = arith.index_cast %parallel_loop3A_685 : i32 to index
      %parallel_loop3A_712 = arith.constant 80 : index
      %parallel_loop3A_713 = tpu.vector_load %arg8[%parallel_loop3A_711, %parallel_loop3A_712] {strides = array<i32>} : memref<128x128xf32, #tpu.memory_space<vmem>>, vector<1x16xf32>,
      %parallel_loop3A_714 = vector.shape_cast %parallel_loop3A_713 : vector<1x16xf32> to vector<16xf32>
      %parallel_loop3A_715 = vector.shape_cast %get3A_130 : vector<16xf32> to vector<1x16xf32>
      tpu.vector_store %arg8[%parallel_loop3A_711, %parallel_loop3A_712], %parallel_loop3A_715 {add = true, strides = array<i32>} : memref<128x128xf32, #tpu.memory_space<vmem>>, vector<1x16xf32>,
      %parallel_loop3A_716 = arith.index_cast %parallel_loop3A_685 : i32 to index
      %parallel_loop3A_717 = arith.constant 96 : index
      %parallel_loop3A_718 = tpu.vector_load %arg8[%parallel_loop3A_716, %parallel_loop3A_717] {strides = array<i32>} : memref<128x128xf32, #tpu.memory_space<vmem>>, vector<1x16xf32>,
      %parallel_loop3A_719 = vector.shape_cast %parallel_loop3A_718 : vector<1x16xf32> to vector<16xf32>
      %parallel_loop3A_720 = vector.shape_cast %get3A_134 : vector<16xf32> to vector<1x16xf32>
      tpu.vector_store %arg8[%parallel_loop3A_716, %parallel_loop3A_717], %parallel_loop3A_720 {add = true, strides = array<i32>} : memref<128x128xf32, #tpu.memory_space<vmem>>, vector<1x16xf32>,
      %parallel_loop3A_721 = arith.index_cast %parallel_loop3A_685 : i32 to index
      %parallel_loop3A_722 = arith.constant 112 : index
      %parallel_loop3A_723 = tpu.vector_load %arg8[%parallel_loop3A_721, %parallel_loop3A_722] {strides = array<i32>} : memref<128x128xf32, #tpu.memory_space<vmem>>, vector<1x16xf32>,
      %parallel_loop3A_724 = vector.shape_cast %parallel_loop3A_723 : vector<1x16xf32> to vector<16xf32>
      %parallel_loop3A_725 = vector.shape_cast %get3A_138 : vector<16xf32> to vector<1x16xf32>
      tpu.vector_store %arg8[%parallel_loop3A_721, %parallel_loop3A_722], %parallel_loop3A_725 {add = true, strides = array<i32>} : memref<128x128xf32, #tpu.memory_space<vmem>>, vector<1x16xf32>,
    } {sc.loop_unroll_factor = 4 : i64, sc.parallel_access}
    %add3A_141 = arith.constant 44 : i32
    %add3A_142 = arith.addi %mul3A_2, %add3A_141 : i32
    %shift_right_logical3A_143 = arith.constant 3 : i32
    %shift_right_logical3A_144 = arith.shrui %add3A_142, %shift_right_logical3A_143 : i32
    %and3A_145 = arith.constant 7 : i32
    %and3A_146 = arith.andi %add3A_142, %and3A_145 : i32
    %mul3A_147 = arith.constant 128 : i32
    %mul3A_148 = arith.muli %and3A_146, %mul3A_147 : i32
    %dma_start3A_149 = arith.constant 0 : i32
    %dma_start3A_150 = tpu.memref_slice %arg5[%mul3A_148, %shift_right_logical3A_144, %dma_start3A_149] : memref<1024x200x128xf32, #tpu.memory_space<hbm>> -> memref<128x1x128xf32, #tpu.memory_space<hbm>>
    %dma_start3A_151 = tpu.memref_squeeze %dma_start3A_150 : memref<128x1x128xf32, #tpu.memory_space<hbm>> -> memref<128x128xf32, #tpu.memory_space<hbm>>
    %dma_start3A_152 = arith.constant 0 : i32
    %dma_start3A_153 = tpu.memref_slice %arg5[%mul3A_148, %shift_right_logical3A_144, %dma_start3A_152] : memref<1024x200x128xf32, #tpu.memory_space<hbm>> -> memref<128x1x128xf32, #tpu.memory_space<hbm>>
    %dma_start3A_154 = tpu.memref_squeeze %dma_start3A_153 : memref<128x1x128xf32, #tpu.memory_space<hbm>> -> memref<128x128xf32, #tpu.memory_space<hbm>>
    tpu.enqueue_dma source(%arg8 : memref<128x128xf32, #tpu.memory_space<vmem>>) target(%dma_start3A_154 : memref<128x128xf32, #tpu.memory_space<hbm>>) target_semaphore(%arg17 : memref<!tpu.dma_semaphore, #tpu.memory_space<semaphore_mem>>)
    %add3A_155 = arith.constant 45 : i32
    %add3A_156 = arith.addi %mul3A_2, %add3A_155 : i32
    %shift_right_logical3A_157 = arith.constant 3 : i32
    %shift_right_logical3A_158 = arith.shrui %add3A_156, %shift_right_logical3A_157 : i32
    %and3A_159 = arith.constant 7 : i32
    %and3A_160 = arith.andi %add3A_156, %and3A_159 : i32
    %sub3A_161 = arith.subi %shift_right_logical3A_158, %min3A_7 : i32
    %mul3A_162 = arith.constant 128 : i32
    %mul3A_163 = arith.muli %and3A_160, %mul3A_162 : i32
    %add3A_164 = arith.constant 0 : i32
    %add3A_165 = arith.addi %mul3A_163, %add3A_164 : i32
    %dma_wait3A_166 = arith.constant 0 : i32
    %dma_wait3A_167 = arith.constant 0 : i32
    %dma_wait3A_168 = tpu.memref_slice %arg9[%dma_wait3A_166, %dma_wait3A_167] : memref<128x128xf32, #tpu.memory_space<vmem>> -> memref<128x128xf32, #tpu.memory_space<vmem>>
    %dma_wait3A_169 = tpu.memref_slice %arg6[%sub3A_161, %add3A_165] : memref<16x1024xi32, #tpu.memory_space<vmem>> -> memref<1x128xi32, #tpu.memory_space<vmem>>
    %dma_wait3A_170 = tpu.memref_squeeze %dma_wait3A_169 : memref<1x128xi32, #tpu.memory_space<vmem>> -> memref<128xi32, #tpu.memory_space<vmem>>
    %dma_wait3A_171 = arith.constant 0 : i32
    %dma_wait3A_172 = arith.constant 0 : i32
    %dma_wait3A_173 = tpu.memref_slice %arg12[%dma_wait3A_171, %dma_wait3A_172] : memref<1000x128xf32, #tpu.memory_space<vmem_shared>> -> memref<1000x128xf32, #tpu.memory_space<vmem_shared>>
    tpu.wait_indirect_dma semaphore(%arg14 : memref<!tpu.dma_semaphore, #tpu.memory_space<semaphore_mem>>) src(%dma_wait3A_173 : memref<1000x128xf32, #tpu.memory_space<vmem_shared>>) dst(%dma_wait3A_168 : memref<128x128xf32, #tpu.memory_space<vmem>>)
    %add3A_174 = arith.constant 43 : i32
    %add3A_175 = arith.addi %mul3A_2, %add3A_174 : i32
    %shift_right_logical3A_176 = arith.constant 3 : i32
    %shift_right_logical3A_177 = arith.shrui %add3A_175, %shift_right_logical3A_176 : i32
    %and3A_178 = arith.constant 7 : i32
    %and3A_179 = arith.andi %add3A_175, %and3A_178 : i32
    %mul3A_180 = arith.constant 128 : i32
    %mul3A_181 = arith.muli %and3A_179, %mul3A_180 : i32
    %dma_wait3A_182 = arith.constant 0 : i32
    %dma_wait3A_183 = tpu.memref_slice %arg5[%mul3A_181, %shift_right_logical3A_177, %dma_wait3A_182] : memref<1024x200x128xf32, #tpu.memory_space<hbm>> -> memref<128x1x128xf32, #tpu.memory_space<hbm>>
    %dma_wait3A_184 = tpu.memref_squeeze %dma_wait3A_183 : memref<128x1x128xf32, #tpu.memory_space<hbm>> -> memref<128x128xf32, #tpu.memory_space<hbm>>
    %dma_wait3A_185 = arith.constant 0 : i32
    %dma_wait3A_186 = tpu.memref_slice %arg5[%mul3A_181, %shift_right_logical3A_177, %dma_wait3A_185] : memref<1024x200x128xf32, #tpu.memory_space<hbm>> -> memref<128x1x128xf32, #tpu.memory_space<hbm>>
    %dma_wait3A_187 = tpu.memref_squeeze %dma_wait3A_186 : memref<128x1x128xf32, #tpu.memory_space<hbm>> -> memref<128x128xf32, #tpu.memory_space<hbm>>
    tpu.wait_dma2 semaphore(%arg20 : memref<!tpu.dma_semaphore, #tpu.memory_space<semaphore_mem>>) src(%arg11 : memref<128x128xf32, #tpu.memory_space<vmem>>) dst(%dma_wait3A_187 : memref<128x128xf32, #tpu.memory_space<hbm>>)
    %add3A_188 = arith.constant 47 : i32
    %add3A_189 = arith.addi %mul3A_2, %add3A_188 : i32
    %shift_right_logical3A_190 = arith.constant 3 : i32
    %shift_right_logical3A_191 = arith.shrui %add3A_189, %shift_right_logical3A_190 : i32
    %and3A_192 = arith.constant 7 : i32
    %and3A_193 = arith.andi %add3A_189, %and3A_192 : i32
    %sub3A_194 = arith.subi %shift_right_logical3A_191, %min3A_7 : i32
    %mul3A_195 = arith.constant 128 : i32
    %mul3A_196 = arith.muli %and3A_193, %mul3A_195 : i32
    %add3A_197 = arith.constant 0 : i32
    %add3A_198 = arith.addi %mul3A_196, %add3A_197 : i32
    %dma_start3A_199 = arith.constant 0 : i32
    %dma_start3A_200 = arith.constant 0 : i32
    %dma_start3A_201 = tpu.memref_slice %arg11[%dma_start3A_199, %dma_start3A_200] : memref<128x128xf32, #tpu.memory_space<vmem>> -> memref<128x128xf32, #tpu.memory_space<vmem>>
    %dma_start3A_202 = tpu.memref_slice %arg6[%sub3A_194, %add3A_198] : memref<16x1024xi32, #tpu.memory_space<vmem>> -> memref<1x128xi32, #tpu.memory_space<vmem>>
    %dma_start3A_203 = tpu.memref_squeeze %dma_start3A_202 : memref<1x128xi32, #tpu.memory_space<vmem>> -> memref<128xi32, #tpu.memory_space<vmem>>
    %dma_start3A_204 = arith.constant 0 : i32
    %dma_start3A_205 = arith.constant 0 : i32
    %dma_start3A_206 = tpu.memref_slice %arg12[%dma_start3A_204, %dma_start3A_205] : memref<1000x128xf32, #tpu.memory_space<vmem_shared>> -> memref<1000x128xf32, #tpu.memory_space<vmem_shared>>
    tpu.enqueue_indirect_dma source(%dma_start3A_206 : memref<1000x128xf32, #tpu.memory_space<vmem_shared>>) target(%dma_start3A_201 : memref<128x128xf32, #tpu.memory_space<vmem>>) offsets(%dma_start3A_203 : memref<128xi32, #tpu.memory_space<vmem>>) semaphore(%arg16 : memref<!tpu.dma_semaphore, #tpu.memory_space<semaphore_mem>>)
    %add3A_207 = arith.constant 45 : i32
    %add3A_208 = arith.addi %mul3A_2, %add3A_207 : i32
    %shift_right_logical3A_209 = arith.constant 3 : i32
    %shift_right_logical3A_210 = arith.shrui %add3A_208, %shift_right_logical3A_209 : i32
    %and3A_211 = arith.constant 7 : i32
    %and3A_212 = arith.andi %add3A_208, %and3A_211 : i32
    %sub3A_213 = arith.subi %shift_right_logical3A_210, %min3A_7 : i32
    %get3A_214 = arith.index_cast %sub3A_213 : i32 to index
    %get3A_215 = arith.constant 0 : index
    %get3A_216 = tpu.vector_load %arg7[%get3A_214, %get3A_215] {strides = array<i32>} : memref<16x128xf32, #tpu.memory_space<vmem>>, vector<1x16xf32>,
    %get3A_217 = vector.shape_cast %get3A_216 : vector<1x16xf32> to vector<16xf32>
    %get3A_218 = arith.index_cast %sub3A_213 : i32 to index
    %get3A_219 = arith.constant 16 : index
    %get3A_220 = tpu.vector_load %arg7[%get3A_218, %get3A_219] {strides = array<i32>} : memref<16x128xf32, #tpu.memory_space<vmem>>, vector<1x16xf32>,
    %get3A_221 = vector.shape_cast %get3A_220 : vector<1x16xf32> to vector<16xf32>
    %get3A_222 = arith.index_cast %sub3A_213 : i32 to index
    %get3A_223 = arith.constant 32 : index
    %get3A_224 = tpu.vector_load %arg7[%get3A_222, %get3A_223] {strides = array<i32>} : memref<16x128xf32, #tpu.memory_space<vmem>>, vector<1x16xf32>,
    %get3A_225 = vector.shape_cast %get3A_224 : vector<1x16xf32> to vector<16xf32>
    %get3A_226 = arith.index_cast %sub3A_213 : i32 to index
    %get3A_227 = arith.constant 48 : index
    %get3A_228 = tpu.vector_load %arg7[%get3A_226, %get3A_227] {strides = array<i32>} : memref<16x128xf32, #tpu.memory_space<vmem>>, vector<1x16xf32>,
    %get3A_229 = vector.shape_cast %get3A_228 : vector<1x16xf32> to vector<16xf32>
    %get3A_230 = arith.index_cast %sub3A_213 : i32 to index
    %get3A_231 = arith.constant 64 : index
    %get3A_232 = tpu.vector_load %arg7[%get3A_230, %get3A_231] {strides = array<i32>} : memref<16x128xf32, #tpu.memory_space<vmem>>, vector<1x16xf32>,
    %get3A_233 = vector.shape_cast %get3A_232 : vector<1x16xf32> to vector<16xf32>
    %get3A_234 = arith.index_cast %sub3A_213 : i32 to index
    %get3A_235 = arith.constant 80 : index
    %get3A_236 = tpu.vector_load %arg7[%get3A_234, %get3A_235] {strides = array<i32>} : memref<16x128xf32, #tpu.memory_space<vmem>>, vector<1x16xf32>,
    %get3A_237 = vector.shape_cast %get3A_236 : vector<1x16xf32> to vector<16xf32>
    %get3A_238 = arith.index_cast %sub3A_213 : i32 to index
    %get3A_239 = arith.constant 96 : index
    %get3A_240 = tpu.vector_load %arg7[%get3A_238, %get3A_239] {strides = array<i32>} : memref<16x128xf32, #tpu.memory_space<vmem>>, vector<1x16xf32>,
    %get3A_241 = vector.shape_cast %get3A_240 : vector<1x16xf32> to vector<16xf32>
    %get3A_242 = arith.index_cast %sub3A_213 : i32 to index
    %get3A_243 = arith.constant 112 : index
    %get3A_244 = tpu.vector_load %arg7[%get3A_242, %get3A_243] {strides = array<i32>} : memref<16x128xf32, #tpu.memory_space<vmem>>, vector<1x16xf32>,
    %get3A_245 = vector.shape_cast %get3A_244 : vector<1x16xf32> to vector<16xf32>
    %parallel_loop3A_246 = arith.constant 0 : i32
    %parallel_loop3A_247 = arith.constant 128 : i32
    %parallel_loop3A_248 = arith.constant 1 : i32
    scf.for %parallel_loop3A_685 = %parallel_loop3A_246 to %parallel_loop3A_247 step %parallel_loop3A_248  : i32 {
      %parallel_loop3A_686 = arith.index_cast %parallel_loop3A_685 : i32 to index
      %parallel_loop3A_687 = arith.constant 0 : index
      %parallel_loop3A_688 = tpu.vector_load %arg9[%parallel_loop3A_686, %parallel_loop3A_687] {strides = array<i32>} : memref<128x128xf32, #tpu.memory_space<vmem>>, vector<1x16xf32>,
      %parallel_loop3A_689 = vector.shape_cast %parallel_loop3A_688 : vector<1x16xf32> to vector<16xf32>
      %parallel_loop3A_690 = vector.shape_cast %get3A_217 : vector<16xf32> to vector<1x16xf32>
      tpu.vector_store %arg9[%parallel_loop3A_686, %parallel_loop3A_687], %parallel_loop3A_690 {add = true, strides = array<i32>} : memref<128x128xf32, #tpu.memory_space<vmem>>, vector<1x16xf32>,
      %parallel_loop3A_691 = arith.index_cast %parallel_loop3A_685 : i32 to index
      %parallel_loop3A_692 = arith.constant 16 : index
      %parallel_loop3A_693 = tpu.vector_load %arg9[%parallel_loop3A_691, %parallel_loop3A_692] {strides = array<i32>} : memref<128x128xf32, #tpu.memory_space<vmem>>, vector<1x16xf32>,
      %parallel_loop3A_694 = vector.shape_cast %parallel_loop3A_693 : vector<1x16xf32> to vector<16xf32>
      %parallel_loop3A_695 = vector.shape_cast %get3A_221 : vector<16xf32> to vector<1x16xf32>
      tpu.vector_store %arg9[%parallel_loop3A_691, %parallel_loop3A_692], %parallel_loop3A_695 {add = true, strides = array<i32>} : memref<128x128xf32, #tpu.memory_space<vmem>>, vector<1x16xf32>,
      %parallel_loop3A_696 = arith.index_cast %parallel_loop3A_685 : i32 to index
      %parallel_loop3A_697 = arith.constant 32 : index
      %parallel_loop3A_698 = tpu.vector_load %arg9[%parallel_loop3A_696, %parallel_loop3A_697] {strides = array<i32>} : memref<128x128xf32, #tpu.memory_space<vmem>>, vector<1x16xf32>,
      %parallel_loop3A_699 = vector.shape_cast %parallel_loop3A_698 : vector<1x16xf32> to vector<16xf32>
      %parallel_loop3A_700 = vector.shape_cast %get3A_225 : vector<16xf32> to vector<1x16xf32>
      tpu.vector_store %arg9[%parallel_loop3A_696, %parallel_loop3A_697], %parallel_loop3A_700 {add = true, strides = array<i32>} : memref<128x128xf32, #tpu.memory_space<vmem>>, vector<1x16xf32>,
      %parallel_loop3A_701 = arith.index_cast %parallel_loop3A_685 : i32 to index
      %parallel_loop3A_702 = arith.constant 48 : index
      %parallel_loop3A_703 = tpu.vector_load %arg9[%parallel_loop3A_701, %parallel_loop3A_702] {strides = array<i32>} : memref<128x128xf32, #tpu.memory_space<vmem>>, vector<1x16xf32>,
      %parallel_loop3A_704 = vector.shape_cast %parallel_loop3A_703 : vector<1x16xf32> to vector<16xf32>
      %parallel_loop3A_705 = vector.shape_cast %get3A_229 : vector<16xf32> to vector<1x16xf32>
      tpu.vector_store %arg9[%parallel_loop3A_701, %parallel_loop3A_702], %parallel_loop3A_705 {add = true, strides = array<i32>} : memref<128x128xf32, #tpu.memory_space<vmem>>, vector<1x16xf32>,
      %parallel_loop3A_706 = arith.index_cast %parallel_loop3A_685 : i32 to index
      %parallel_loop3A_707 = arith.constant 64 : index
      %parallel_loop3A_708 = tpu.vector_load %arg9[%parallel_loop3A_706, %parallel_loop3A_707] {strides = array<i32>} : memref<128x128xf32, #tpu.memory_space<vmem>>, vector<1x16xf32>,
      %parallel_loop3A_709 = vector.shape_cast %parallel_loop3A_708 : vector<1x16xf32> to vector<16xf32>
      %parallel_loop3A_710 = vector.shape_cast %get3A_233 : vector<16xf32> to vector<1x16xf32>
      tpu.vector_store %arg9[%parallel_loop3A_706, %parallel_loop3A_707], %parallel_loop3A_710 {add = true, strides = array<i32>} : memref<128x128xf32, #tpu.memory_space<vmem>>, vector<1x16xf32>,
      %parallel_loop3A_711 = arith.index_cast %parallel_loop3A_685 : i32 to index
      %parallel_loop3A_712 = arith.constant 80 : index
      %parallel_loop3A_713 = tpu.vector_load %arg9[%parallel_loop3A_711, %parallel_loop3A_712] {strides = array<i32>} : memref<128x128xf32, #tpu.memory_space<vmem>>, vector<1x16xf32>,
      %parallel_loop3A_714 = vector.shape_cast %parallel_loop3A_713 : vector<1x16xf32> to vector<16xf32>
      %parallel_loop3A_715 = vector.shape_cast %get3A_237 : vector<16xf32> to vector<1x16xf32>
      tpu.vector_store %arg9[%parallel_loop3A_711, %parallel_loop3A_712], %parallel_loop3A_715 {add = true, strides = array<i32>} : memref<128x128xf32, #tpu.memory_space<vmem>>, vector<1x16xf32>,
      %parallel_loop3A_716 = arith.index_cast %parallel_loop3A_685 : i32 to index
      %parallel_loop3A_717 = arith.constant 96 : index
      %parallel_loop3A_718 = tpu.vector_load %arg9[%parallel_loop3A_716, %parallel_loop3A_717] {strides = array<i32>} : memref<128x128xf32, #tpu.memory_space<vmem>>, vector<1x16xf32>,
      %parallel_loop3A_719 = vector.shape_cast %parallel_loop3A_718 : vector<1x16xf32> to vector<16xf32>
      %parallel_loop3A_720 = vector.shape_cast %get3A_241 : vector<16xf32> to vector<1x16xf32>
      tpu.vector_store %arg9[%parallel_loop3A_716, %parallel_loop3A_717], %parallel_loop3A_720 {add = true, strides = array<i32>} : memref<128x128xf32, #tpu.memory_space<vmem>>, vector<1x16xf32>,
      %parallel_loop3A_721 = arith.index_cast %parallel_loop3A_685 : i32 to index
      %parallel_loop3A_722 = arith.constant 112 : index
      %parallel_loop3A_723 = tpu.vector_load %arg9[%parallel_loop3A_721, %parallel_loop3A_722] {strides = array<i32>} : memref<128x128xf32, #tpu.memory_space<vmem>>, vector<1x16xf32>,
      %parallel_loop3A_724 = vector.shape_cast %parallel_loop3A_723 : vector<1x16xf32> to vector<16xf32>
      %parallel_loop3A_725 = vector.shape_cast %get3A_245 : vector<16xf32> to vector<1x16xf32>
      tpu.vector_store %arg9[%parallel_loop3A_721, %parallel_loop3A_722], %parallel_loop3A_725 {add = true, strides = array<i32>} : memref<128x128xf32, #tpu.memory_space<vmem>>, vector<1x16xf32>,
    } {sc.loop_unroll_factor = 4 : i64, sc.parallel_access}
    %add3A_249 = arith.constant 45 : i32
    %add3A_250 = arith.addi %mul3A_2, %add3A_249 : i32
    %shift_right_logical3A_251 = arith.constant 3 : i32
    %shift_right_logical3A_252 = arith.shrui %add3A_250, %shift_right_logical3A_251 : i32
    %and3A_253 = arith.constant 7 : i32
    %and3A_254 = arith.andi %add3A_250, %and3A_253 : i32
    %mul3A_255 = arith.constant 128 : i32
    %mul3A_256 = arith.muli %and3A_254, %mul3A_255 : i32
    %dma_start3A_257 = arith.constant 0 : i32
    %dma_start3A_258 = tpu.memref_slice %arg5[%mul3A_256, %shift_right_logical3A_252, %dma_start3A_257] : memref<1024x200x128xf32, #tpu.memory_space<hbm>> -> memref<128x1x128xf32, #tpu.memory_space<hbm>>
    %dma_start3A_259 = tpu.memref_squeeze %dma_start3A_258 : memref<128x1x128xf32, #tpu.memory_space<hbm>> -> memref<128x128xf32, #tpu.memory_space<hbm>>
    %dma_start3A_260 = arith.constant 0 : i32
    %dma_start3A_261 = tpu.memref_slice %arg5[%mul3A_256, %shift_right_logical3A_252, %dma_start3A_260] : memref<1024x200x128xf32, #tpu.memory_space<hbm>> -> memref<128x1x128xf32, #tpu.memory_space<hbm>>
    %dma_start3A_262 = tpu.memref_squeeze %dma_start3A_261 : memref<128x1x128xf32, #tpu.memory_space<hbm>> -> memref<128x128xf32, #tpu.memory_space<hbm>>
    tpu.enqueue_dma source(%arg9 : memref<128x128xf32, #tpu.memory_space<vmem>>) target(%dma_start3A_262 : memref<128x128xf32, #tpu.memory_space<hbm>>) target_semaphore(%arg18 : memref<!tpu.dma_semaphore, #tpu.memory_space<semaphore_mem>>)
    %add3A_263 = arith.constant 46 : i32
    %add3A_264 = arith.addi %mul3A_2, %add3A_263 : i32
    %shift_right_logical3A_265 = arith.constant 3 : i32
    %shift_right_logical3A_266 = arith.shrui %add3A_264, %shift_right_logical3A_265 : i32
    %and3A_267 = arith.constant 7 : i32
    %and3A_268 = arith.andi %add3A_264, %and3A_267 : i32
    %sub3A_269 = arith.subi %shift_right_logical3A_266, %min3A_7 : i32
    %mul3A_270 = arith.constant 128 : i32
    %mul3A_271 = arith.muli %and3A_268, %mul3A_270 : i32
    %add3A_272 = arith.constant 0 : i32
    %add3A_273 = arith.addi %mul3A_271, %add3A_272 : i32
    %dma_wait3A_274 = arith.constant 0 : i32
    %dma_wait3A_275 = arith.constant 0 : i32
    %dma_wait3A_276 = tpu.memref_slice %arg10[%dma_wait3A_274, %dma_wait3A_275] : memref<128x128xf32, #tpu.memory_space<vmem>> -> memref<128x128xf32, #tpu.memory_space<vmem>>
    %dma_wait3A_277 = tpu.memref_slice %arg6[%sub3A_269, %add3A_273] : memref<16x1024xi32, #tpu.memory_space<vmem>> -> memref<1x128xi32, #tpu.memory_space<vmem>>
    %dma_wait3A_278 = tpu.memref_squeeze %dma_wait3A_277 : memref<1x128xi32, #tpu.memory_space<vmem>> -> memref<128xi32, #tpu.memory_space<vmem>>
    %dma_wait3A_279 = arith.constant 0 : i32
    %dma_wait3A_280 = arith.constant 0 : i32
    %dma_wait3A_281 = tpu.memref_slice %arg12[%dma_wait3A_279, %dma_wait3A_280] : memref<1000x128xf32, #tpu.memory_space<vmem_shared>> -> memref<1000x128xf32, #tpu.memory_space<vmem_shared>>
    tpu.wait_indirect_dma semaphore(%arg15 : memref<!tpu.dma_semaphore, #tpu.memory_space<semaphore_mem>>) src(%dma_wait3A_281 : memref<1000x128xf32, #tpu.memory_space<vmem_shared>>) dst(%dma_wait3A_276 : memref<128x128xf32, #tpu.memory_space<vmem>>)
    %add3A_282 = arith.constant 44 : i32
    %add3A_283 = arith.addi %mul3A_2, %add3A_282 : i32
    %shift_right_logical3A_284 = arith.constant 3 : i32
    %shift_right_logical3A_285 = arith.shrui %add3A_283, %shift_right_logical3A_284 : i32
    %and3A_286 = arith.constant 7 : i32
    %and3A_287 = arith.andi %add3A_283, %and3A_286 : i32
    %mul3A_288 = arith.constant 128 : i32
    %mul3A_289 = arith.muli %and3A_287, %mul3A_288 : i32
    %dma_wait3A_290 = arith.constant 0 : i32
    %dma_wait3A_291 = tpu.memref_slice %arg5[%mul3A_289, %shift_right_logical3A_285, %dma_wait3A_290] : memref<1024x200x128xf32, #tpu.memory_space<hbm>> -> memref<128x1x128xf32, #tpu.memory_space<hbm>>
    %dma_wait3A_292 = tpu.memref_squeeze %dma_wait3A_291 : memref<128x1x128xf32, #tpu.memory_space<hbm>> -> memref<128x128xf32, #tpu.memory_space<hbm>>
    %dma_wait3A_293 = arith.constant 0 : i32
    %dma_wait3A_294 = tpu.memref_slice %arg5[%mul3A_289, %shift_right_logical3A_285, %dma_wait3A_293] : memref<1024x200x128xf32, #tpu.memory_space<hbm>> -> memref<128x1x128xf32, #tpu.memory_space<hbm>>
    %dma_wait3A_295 = tpu.memref_squeeze %dma_wait3A_294 : memref<128x1x128xf32, #tpu.memory_space<hbm>> -> memref<128x128xf32, #tpu.memory_space<hbm>>
    tpu.wait_dma2 semaphore(%arg17 : memref<!tpu.dma_semaphore, #tpu.memory_space<semaphore_mem>>) src(%arg8 : memref<128x128xf32, #tpu.memory_space<vmem>>) dst(%dma_wait3A_295 : memref<128x128xf32, #tpu.memory_space<hbm>>)
    %add3A_296 = arith.constant 48 : i32
    %add3A_297 = arith.addi %mul3A_2, %add3A_296 : i32
    %shift_right_logical3A_298 = arith.constant 3 : i32
    %shift_right_logical3A_299 = arith.shrui %add3A_297, %shift_right_logical3A_298 : i32
    %and3A_300 = arith.constant 7 : i32
    %and3A_301 = arith.andi %add3A_297, %and3A_300 : i32
    %sub3A_302 = arith.subi %shift_right_logical3A_299, %min3A_7 : i32
    %mul3A_303 = arith.constant 128 : i32
    %mul3A_304 = arith.muli %and3A_301, %mul3A_303 : i32
    %add3A_305 = arith.constant 0 : i32
    %add3A_306 = arith.addi %mul3A_304, %add3A_305 : i32
    %dma_start3A_307 = arith.constant 0 : i32
    %dma_start3A_308 = arith.constant 0 : i32
    %dma_start3A_309 = tpu.memref_slice %arg8[%dma_start3A_307, %dma_start3A_308] : memref<128x128xf32, #tpu.memory_space<vmem>> -> memref<128x128xf32, #tpu.memory_space<vmem>>
    %dma_start3A_310 = tpu.memref_slice %arg6[%sub3A_302, %add3A_306] : memref<16x1024xi32, #tpu.memory_space<vmem>> -> memref<1x128xi32, #tpu.memory_space<vmem>>
    %dma_start3A_311 = tpu.memref_squeeze %dma_start3A_310 : memref<1x128xi32, #tpu.memory_space<vmem>> -> memref<128xi32, #tpu.memory_space<vmem>>
    %dma_start3A_312 = arith.constant 0 : i32
    %dma_start3A_313 = arith.constant 0 : i32
    %dma_start3A_314 = tpu.memref_slice %arg12[%dma_start3A_312, %dma_start3A_313] : memref<1000x128xf32, #tpu.memory_space<vmem_shared>> -> memref<1000x128xf32, #tpu.memory_space<vmem_shared>>
    tpu.enqueue_indirect_dma source(%dma_start3A_314 : memref<1000x128xf32, #tpu.memory_space<vmem_shared>>) target(%dma_start3A_309 : memref<128x128xf32, #tpu.memory_space<vmem>>) offsets(%dma_start3A_311 : memref<128xi32, #tpu.memory_space<vmem>>) semaphore(%arg13 : memref<!tpu.dma_semaphore, #tpu.memory_space<semaphore_mem>>)
    %add3A_315 = arith.constant 46 : i32
    %add3A_316 = arith.addi %mul3A_2, %add3A_315 : i32
    %shift_right_logical3A_317 = arith.constant 3 : i32
    %shift_right_logical3A_318 = arith.shrui %add3A_316, %shift_right_logical3A_317 : i32
    %and3A_319 = arith.constant 7 : i32
    %and3A_320 = arith.andi %add3A_316, %and3A_319 : i32
    %sub3A_321 = arith.subi %shift_right_logical3A_318, %min3A_7 : i32
    %get3A_322 = arith.index_cast %sub3A_321 : i32 to index
    %get3A_323 = arith.constant 0 : index
    %get3A_324 = tpu.vector_load %arg7[%get3A_322, %get3A_323] {strides = array<i32>} : memref<16x128xf32, #tpu.memory_space<vmem>>, vector<1x16xf32>,
    %get3A_325 = vector.shape_cast %get3A_324 : vector<1x16xf32> to vector<16xf32>
    %get3A_326 = arith.index_cast %sub3A_321 : i32 to index
    %get3A_327 = arith.constant 16 : index
    %get3A_328 = tpu.vector_load %arg7[%get3A_326, %get3A_327] {strides = array<i32>} : memref<16x128xf32, #tpu.memory_space<vmem>>, vector<1x16xf32>,
    %get3A_329 = vector.shape_cast %get3A_328 : vector<1x16xf32> to vector<16xf32>
    %get3A_330 = arith.index_cast %sub3A_321 : i32 to index
    %get3A_331 = arith.constant 32 : index
    %get3A_332 = tpu.vector_load %arg7[%get3A_330, %get3A_331] {strides = array<i32>} : memref<16x128xf32, #tpu.memory_space<vmem>>, vector<1x16xf32>,
    %get3A_333 = vector.shape_cast %get3A_332 : vector<1x16xf32> to vector<16xf32>
    %get3A_334 = arith.index_cast %sub3A_321 : i32 to index
    %get3A_335 = arith.constant 48 : index
    %get3A_336 = tpu.vector_load %arg7[%get3A_334, %get3A_335] {strides = array<i32>} : memref<16x128xf32, #tpu.memory_space<vmem>>, vector<1x16xf32>,
    %get3A_337 = vector.shape_cast %get3A_336 : vector<1x16xf32> to vector<16xf32>
    %get3A_338 = arith.index_cast %sub3A_321 : i32 to index
    %get3A_339 = arith.constant 64 : index
    %get3A_340 = tpu.vector_load %arg7[%get3A_338, %get3A_339] {strides = array<i32>} : memref<16x128xf32, #tpu.memory_space<vmem>>, vector<1x16xf32>,
    %get3A_341 = vector.shape_cast %get3A_340 : vector<1x16xf32> to vector<16xf32>
    %get3A_342 = arith.index_cast %sub3A_321 : i32 to index
    %get3A_343 = arith.constant 80 : index
    %get3A_344 = tpu.vector_load %arg7[%get3A_342, %get3A_343] {strides = array<i32>} : memref<16x128xf32, #tpu.memory_space<vmem>>, vector<1x16xf32>,
    %get3A_345 = vector.shape_cast %get3A_344 : vector<1x16xf32> to vector<16xf32>
    %get3A_346 = arith.index_cast %sub3A_321 : i32 to index
    %get3A_347 = arith.constant 96 : index
    %get3A_348 = tpu.vector_load %arg7[%get3A_346, %get3A_347] {strides = array<i32>} : memref<16x128xf32, #tpu.memory_space<vmem>>, vector<1x16xf32>,
    %get3A_349 = vector.shape_cast %get3A_348 : vector<1x16xf32> to vector<16xf32>
    %get3A_350 = arith.index_cast %sub3A_321 : i32 to index
    %get3A_351 = arith.constant 112 : index
    %get3A_352 = tpu.vector_load %arg7[%get3A_350, %get3A_351] {strides = array<i32>} : memref<16x128xf32, #tpu.memory_space<vmem>>, vector<1x16xf32>,
    %get3A_353 = vector.shape_cast %get3A_352 : vector<1x16xf32> to vector<16xf32>
    %parallel_loop3A_354 = arith.constant 0 : i32
    %parallel_loop3A_355 = arith.constant 128 : i32
    %parallel_loop3A_356 = arith.constant 1 : i32
    scf.for %parallel_loop3A_685 = %parallel_loop3A_354 to %parallel_loop3A_355 step %parallel_loop3A_356  : i32 {
      %parallel_loop3A_686 = arith.index_cast %parallel_loop3A_685 : i32 to index
      %parallel_loop3A_687 = arith.constant 0 : index
      %parallel_loop3A_688 = tpu.vector_load %arg10[%parallel_loop3A_686, %parallel_loop3A_687] {strides = array<i32>} : memref<128x128xf32, #tpu.memory_space<vmem>>, vector<1x16xf32>,
      %parallel_loop3A_689 = vector.shape_cast %parallel_loop3A_688 : vector<1x16xf32> to vector<16xf32>
      %parallel_loop3A_690 = vector.shape_cast %get3A_325 : vector<16xf32> to vector<1x16xf32>
      tpu.vector_store %arg10[%parallel_loop3A_686, %parallel_loop3A_687], %parallel_loop3A_690 {add = true, strides = array<i32>} : memref<128x128xf32, #tpu.memory_space<vmem>>, vector<1x16xf32>,
      %parallel_loop3A_691 = arith.index_cast %parallel_loop3A_685 : i32 to index
      %parallel_loop3A_692 = arith.constant 16 : index
      %parallel_loop3A_693 = tpu.vector_load %arg10[%parallel_loop3A_691, %parallel_loop3A_692] {strides = array<i32>} : memref<128x128xf32, #tpu.memory_space<vmem>>, vector<1x16xf32>,
      %parallel_loop3A_694 = vector.shape_cast %parallel_loop3A_693 : vector<1x16xf32> to vector<16xf32>
      %parallel_loop3A_695 = vector.shape_cast %get3A_329 : vector<16xf32> to vector<1x16xf32>
      tpu.vector_store %arg10[%parallel_loop3A_691, %parallel_loop3A_692], %parallel_loop3A_695 {add = true, strides = array<i32>} : memref<128x128xf32, #tpu.memory_space<vmem>>, vector<1x16xf32>,
      %parallel_loop3A_696 = arith.index_cast %parallel_loop3A_685 : i32 to index
      %parallel_loop3A_697 = arith.constant 32 : index
      %parallel_loop3A_698 = tpu.vector_load %arg10[%parallel_loop3A_696, %parallel_loop3A_697] {strides = array<i32>} : memref<128x128xf32, #tpu.memory_space<vmem>>, vector<1x16xf32>,
      %parallel_loop3A_699 = vector.shape_cast %parallel_loop3A_698 : vector<1x16xf32> to vector<16xf32>
      %parallel_loop3A_700 = vector.shape_cast %get3A_333 : vector<16xf32> to vector<1x16xf32>
      tpu.vector_store %arg10[%parallel_loop3A_696, %parallel_loop3A_697], %parallel_loop3A_700 {add = true, strides = array<i32>} : memref<128x128xf32, #tpu.memory_space<vmem>>, vector<1x16xf32>,
      %parallel_loop3A_701 = arith.index_cast %parallel_loop3A_685 : i32 to index
      %parallel_loop3A_702 = arith.constant 48 : index
      %parallel_loop3A_703 = tpu.vector_load %arg10[%parallel_loop3A_701, %parallel_loop3A_702] {strides = array<i32>} : memref<128x128xf32, #tpu.memory_space<vmem>>, vector<1x16xf32>,
      %parallel_loop3A_704 = vector.shape_cast %parallel_loop3A_703 : vector<1x16xf32> to vector<16xf32>
      %parallel_loop3A_705 = vector.shape_cast %get3A_337 : vector<16xf32> to vector<1x16xf32>
      tpu.vector_store %arg10[%parallel_loop3A_701, %parallel_loop3A_702], %parallel_loop3A_705 {add = true, strides = array<i32>} : memref<128x128xf32, #tpu.memory_space<vmem>>, vector<1x16xf32>,
      %parallel_loop3A_706 = arith.index_cast %parallel_loop3A_685 : i32 to index
      %parallel_loop3A_707 = arith.constant 64 : index
      %parallel_loop3A_708 = tpu.vector_load %arg10[%parallel_loop3A_706, %parallel_loop3A_707] {strides = array<i32>} : memref<128x128xf32, #tpu.memory_space<vmem>>, vector<1x16xf32>,
      %parallel_loop3A_709 = vector.shape_cast %parallel_loop3A_708 : vector<1x16xf32> to vector<16xf32>
      %parallel_loop3A_710 = vector.shape_cast %get3A_341 : vector<16xf32> to vector<1x16xf32>
      tpu.vector_store %arg10[%parallel_loop3A_706, %parallel_loop3A_707], %parallel_loop3A_710 {add = true, strides = array<i32>} : memref<128x128xf32, #tpu.memory_space<vmem>>, vector<1x16xf32>,
      %parallel_loop3A_711 = arith.index_cast %parallel_loop3A_685 : i32 to index
      %parallel_loop3A_712 = arith.constant 80 : index
      %parallel_loop3A_713 = tpu.vector_load %arg10[%parallel_loop3A_711, %parallel_loop3A_712] {strides = array<i32>} : memref<128x128xf32, #tpu.memory_space<vmem>>, vector<1x16xf32>,
      %parallel_loop3A_714 = vector.shape_cast %parallel_loop3A_713 : vector<1x16xf32> to vector<16xf32>
      %parallel_loop3A_715 = vector.shape_cast %get3A_345 : vector<16xf32> to vector<1x16xf32>
      tpu.vector_store %arg10[%parallel_loop3A_711, %parallel_loop3A_712], %parallel_loop3A_715 {add = true, strides = array<i32>} : memref<128x128xf32, #tpu.memory_space<vmem>>, vector<1x16xf32>,
      %parallel_loop3A_716 = arith.index_cast %parallel_loop3A_685 : i32 to index
      %parallel_loop3A_717 = arith.constant 96 : index
      %parallel_loop3A_718 = tpu.vector_load %arg10[%parallel_loop3A_716, %parallel_loop3A_717] {strides = array<i32>} : memref<128x128xf32, #tpu.memory_space<vmem>>, vector<1x16xf32>,
      %parallel_loop3A_719 = vector.shape_cast %parallel_loop3A_718 : vector<1x16xf32> to vector<16xf32>
      %parallel_loop3A_720 = vector.shape_cast %get3A_349 : vector<16xf32> to vector<1x16xf32>
      tpu.vector_store %arg10[%parallel_loop3A_716, %parallel_loop3A_717], %parallel_loop3A_720 {add = true, strides = array<i32>} : memref<128x128xf32, #tpu.memory_space<vmem>>, vector<1x16xf32>,
      %parallel_loop3A_721 = arith.index_cast %parallel_loop3A_685 : i32 to index
      %parallel_loop3A_722 = arith.constant 112 : index
      %parallel_loop3A_723 = tpu.vector_load %arg10[%parallel_loop3A_721, %parallel_loop3A_722] {strides = array<i32>} : memref<128x128xf32, #tpu.memory_space<vmem>>, vector<1x16xf32>,
      %parallel_loop3A_724 = vector.shape_cast %parallel_loop3A_723 : vector<1x16xf32> to vector<16xf32>
      %parallel_loop3A_725 = vector.shape_cast %get3A_353 : vector<16xf32> to vector<1x16xf32>
      tpu.vector_store %arg10[%parallel_loop3A_721, %parallel_loop3A_722], %parallel_loop3A_725 {add = true, strides = array<i32>} : memref<128x128xf32, #tpu.memory_space<vmem>>, vector<1x16xf32>,
    } {sc.loop_unroll_factor = 4 : i64, sc.parallel_access}
    %add3A_357 = arith.constant 46 : i32
    %add3A_358 = arith.addi %mul3A_2, %add3A_357 : i32
    %shift_right_logical3A_359 = arith.constant 3 : i32
    %shift_right_logical3A_360 = arith.shrui %add3A_358, %shift_right_logical3A_359 : i32
    %and3A_361 = arith.constant 7 : i32
    %and3A_362 = arith.andi %add3A_358, %and3A_361 : i32
    %mul3A_363 = arith.constant 128 : i32
    %mul3A_364 = arith.muli %and3A_362, %mul3A_363 : i32
    %dma_start3A_365 = arith.constant 0 : i32
    %dma_start3A_366 = tpu.memref_slice %arg5[%mul3A_364, %shift_right_logical3A_360, %dma_start3A_365] : memref<1024x200x128xf32, #tpu.memory_space<hbm>> -> memref<128x1x128xf32, #tpu.memory_space<hbm>>
    %dma_start3A_367 = tpu.memref_squeeze %dma_start3A_366 : memref<128x1x128xf32, #tpu.memory_space<hbm>> -> memref<128x128xf32, #tpu.memory_space<hbm>>
    %dma_start3A_368 = arith.constant 0 : i32
    %dma_start3A_369 = tpu.memref_slice %arg5[%mul3A_364, %shift_right_logical3A_360, %dma_start3A_368] : memref<1024x200x128xf32, #tpu.memory_space<hbm>> -> memref<128x1x128xf32, #tpu.memory_space<hbm>>
    %dma_start3A_370 = tpu.memref_squeeze %dma_start3A_369 : memref<128x1x128xf32, #tpu.memory_space<hbm>> -> memref<128x128xf32, #tpu.memory_space<hbm>>
    tpu.enqueue_dma source(%arg10 : memref<128x128xf32, #tpu.memory_space<vmem>>) target(%dma_start3A_370 : memref<128x128xf32, #tpu.memory_space<hbm>>) target_semaphore(%arg19 : memref<!tpu.dma_semaphore, #tpu.memory_space<semaphore_mem>>)
    %add3A_371 = arith.constant 47 : i32
    %add3A_372 = arith.addi %mul3A_2, %add3A_371 : i32
    %shift_right_logical3A_373 = arith.constant 3 : i32
    %shift_right_logical3A_374 = arith.shrui %add3A_372, %shift_right_logical3A_373 : i32
    %and3A_375 = arith.constant 7 : i32
    %and3A_376 = arith.andi %add3A_372, %and3A_375 : i32
    %sub3A_377 = arith.subi %shift_right_logical3A_374, %min3A_7 : i32
    %mul3A_378 = arith.constant 128 : i32
    %mul3A_379 = arith.muli %and3A_376, %mul3A_378 : i32
    %add3A_380 = arith.constant 0 : i32
    %add3A_381 = arith.addi %mul3A_379, %add3A_380 : i32
    %dma_wait3A_382 = arith.constant 0 : i32
    %dma_wait3A_383 = arith.constant 0 : i32
    %dma_wait3A_384 = tpu.memref_slice %arg11[%dma_wait3A_382, %dma_wait3A_383] : memref<128x128xf32, #tpu.memory_space<vmem>> -> memref<128x128xf32, #tpu.memory_space<vmem>>
    %dma_wait3A_385 = tpu.memref_slice %arg6[%sub3A_377, %add3A_381] : memref<16x1024xi32, #tpu.memory_space<vmem>> -> memref<1x128xi32, #tpu.memory_space<vmem>>
    %dma_wait3A_386 = tpu.memref_squeeze %dma_wait3A_385 : memref<1x128xi32, #tpu.memory_space<vmem>> -> memref<128xi32, #tpu.memory_space<vmem>>
    %dma_wait3A_387 = arith.constant 0 : i32
    %dma_wait3A_388 = arith.constant 0 : i32
    %dma_wait3A_389 = tpu.memref_slice %arg12[%dma_wait3A_387, %dma_wait3A_388] : memref<1000x128xf32, #tpu.memory_space<vmem_shared>> -> memref<1000x128xf32, #tpu.memory_space<vmem_shared>>
    tpu.wait_indirect_dma semaphore(%arg16 : memref<!tpu.dma_semaphore, #tpu.memory_space<semaphore_mem>>) src(%dma_wait3A_389 : memref<1000x128xf32, #tpu.memory_space<vmem_shared>>) dst(%dma_wait3A_384 : memref<128x128xf32, #tpu.memory_space<vmem>>)
    %add3A_390 = arith.constant 45 : i32
    %add3A_391 = arith.addi %mul3A_2, %add3A_390 : i32
    %shift_right_logical3A_392 = arith.constant 3 : i32
    %shift_right_logical3A_393 = arith.shrui %add3A_391, %shift_right_logical3A_392 : i32
    %and3A_394 = arith.constant 7 : i32
    %and3A_395 = arith.andi %add3A_391, %and3A_394 : i32
    %mul3A_396 = arith.constant 128 : i32
    %mul3A_397 = arith.muli %and3A_395, %mul3A_396 : i32
    %dma_wait3A_398 = arith.constant 0 : i32
    %dma_wait3A_399 = tpu.memref_slice %arg5[%mul3A_397, %shift_right_logical3A_393, %dma_wait3A_398] : memref<1024x200x128xf32, #tpu.memory_space<hbm>> -> memref<128x1x128xf32, #tpu.memory_space<hbm>>
    %dma_wait3A_400 = tpu.memref_squeeze %dma_wait3A_399 : memref<128x1x128xf32, #tpu.memory_space<hbm>> -> memref<128x128xf32, #tpu.memory_space<hbm>>
    %dma_wait3A_401 = arith.constant 0 : i32
    %dma_wait3A_402 = tpu.memref_slice %arg5[%mul3A_397, %shift_right_logical3A_393, %dma_wait3A_401] : memref<1024x200x128xf32, #tpu.memory_space<hbm>> -> memref<128x1x128xf32, #tpu.memory_space<hbm>>
    %dma_wait3A_403 = tpu.memref_squeeze %dma_wait3A_402 : memref<128x1x128xf32, #tpu.memory_space<hbm>> -> memref<128x128xf32, #tpu.memory_space<hbm>>
    tpu.wait_dma2 semaphore(%arg18 : memref<!tpu.dma_semaphore, #tpu.memory_space<semaphore_mem>>) src(%arg9 : memref<128x128xf32, #tpu.memory_space<vmem>>) dst(%dma_wait3A_403 : memref<128x128xf32, #tpu.memory_space<hbm>>)
    %add3A_404 = arith.constant 49 : i32
    %add3A_405 = arith.addi %mul3A_2, %add3A_404 : i32
    %shift_right_logical3A_406 = arith.constant 3 : i32
    %shift_right_logical3A_407 = arith.shrui %add3A_405, %shift_right_logical3A_406 : i32
    %and3A_408 = arith.constant 7 : i32
    %and3A_409 = arith.andi %add3A_405, %and3A_408 : i32
    %sub3A_410 = arith.subi %shift_right_logical3A_407, %min3A_7 : i32
    %mul3A_411 = arith.constant 128 : i32
    %mul3A_412 = arith.muli %and3A_409, %mul3A_411 : i32
    %add3A_413 = arith.constant 0 : i32
    %add3A_414 = arith.addi %mul3A_412, %add3A_413 : i32
    %dma_start3A_415 = arith.constant 0 : i32
    %dma_start3A_416 = arith.constant 0 : i32
    %dma_start3A_417 = tpu.memref_slice %arg9[%dma_start3A_415, %dma_start3A_416] : memref<128x128xf32, #tpu.memory_space<vmem>> -> memref<128x128xf32, #tpu.memory_space<vmem>>
    %dma_start3A_418 = tpu.memref_slice %arg6[%sub3A_410, %add3A_414] : memref<16x1024xi32, #tpu.memory_space<vmem>> -> memref<1x128xi32, #tpu.memory_space<vmem>>
    %dma_start3A_419 = tpu.memref_squeeze %dma_start3A_418 : memref<1x128xi32, #tpu.memory_space<vmem>> -> memref<128xi32, #tpu.memory_space<vmem>>
    %dma_start3A_420 = arith.constant 0 : i32
    %dma_start3A_421 = arith.constant 0 : i32
    %dma_start3A_422 = tpu.memref_slice %arg12[%dma_start3A_420, %dma_start3A_421] : memref<1000x128xf32, #tpu.memory_space<vmem_shared>> -> memref<1000x128xf32, #tpu.memory_space<vmem_shared>>
    tpu.enqueue_indirect_dma source(%dma_start3A_422 : memref<1000x128xf32, #tpu.memory_space<vmem_shared>>) target(%dma_start3A_417 : memref<128x128xf32, #tpu.memory_space<vmem>>) offsets(%dma_start3A_419 : memref<128xi32, #tpu.memory_space<vmem>>) semaphore(%arg14 : memref<!tpu.dma_semaphore, #tpu.memory_space<semaphore_mem>>)
    %add3A_423 = arith.constant 47 : i32
    %add3A_424 = arith.addi %mul3A_2, %add3A_423 : i32
    %shift_right_logical3A_425 = arith.constant 3 : i32
    %shift_right_logical3A_426 = arith.shrui %add3A_424, %shift_right_logical3A_425 : i32
    %and3A_427 = arith.constant 7 : i32
    %and3A_428 = arith.andi %add3A_424, %and3A_427 : i32
    %sub3A_429 = arith.subi %shift_right_logical3A_426, %min3A_7 : i32
    %get3A_430 = arith.index_cast %sub3A_429 : i32 to index
    %get3A_431 = arith.constant 0 : index
    %get3A_432 = tpu.vector_load %arg7[%get3A_430, %get3A_431] {strides = array<i32>} : memref<16x128xf32, #tpu.memory_space<vmem>>, vector<1x16xf32>,
    %get3A_433 = vector.shape_cast %get3A_432 : vector<1x16xf32> to vector<16xf32>
    %get3A_434 = arith.index_cast %sub3A_429 : i32 to index
    %get3A_435 = arith.constant 16 : index
    %get3A_436 = tpu.vector_load %arg7[%get3A_434, %get3A_435] {strides = array<i32>} : memref<16x128xf32, #tpu.memory_space<vmem>>, vector<1x16xf32>,
    %get3A_437 = vector.shape_cast %get3A_436 : vector<1x16xf32> to vector<16xf32>
    %get3A_438 = arith.index_cast %sub3A_429 : i32 to index
    %get3A_439 = arith.constant 32 : index
    %get3A_440 = tpu.vector_load %arg7[%get3A_438, %get3A_439] {strides = array<i32>} : memref<16x128xf32, #tpu.memory_space<vmem>>, vector<1x16xf32>,
    %get3A_441 = vector.shape_cast %get3A_440 : vector<1x16xf32> to vector<16xf32>
    %get3A_442 = arith.index_cast %sub3A_429 : i32 to index
    %get3A_443 = arith.constant 48 : index
    %get3A_444 = tpu.vector_load %arg7[%get3A_442, %get3A_443] {strides = array<i32>} : memref<16x128xf32, #tpu.memory_space<vmem>>, vector<1x16xf32>,
    %get3A_445 = vector.shape_cast %get3A_444 : vector<1x16xf32> to vector<16xf32>
    %get3A_446 = arith.index_cast %sub3A_429 : i32 to index
    %get3A_447 = arith.constant 64 : index
    %get3A_448 = tpu.vector_load %arg7[%get3A_446, %get3A_447] {strides = array<i32>} : memref<16x128xf32, #tpu.memory_space<vmem>>, vector<1x16xf32>,
    %get3A_449 = vector.shape_cast %get3A_448 : vector<1x16xf32> to vector<16xf32>
    %get3A_450 = arith.index_cast %sub3A_429 : i32 to index
    %get3A_451 = arith.constant 80 : index
    %get3A_452 = tpu.vector_load %arg7[%get3A_450, %get3A_451] {strides = array<i32>} : memref<16x128xf32, #tpu.memory_space<vmem>>, vector<1x16xf32>,
    %get3A_453 = vector.shape_cast %get3A_452 : vector<1x16xf32> to vector<16xf32>
    %get3A_454 = arith.index_cast %sub3A_429 : i32 to index
    %get3A_455 = arith.constant 96 : index
    %get3A_456 = tpu.vector_load %arg7[%get3A_454, %get3A_455] {strides = array<i32>} : memref<16x128xf32, #tpu.memory_space<vmem>>, vector<1x16xf32>,
    %get3A_457 = vector.shape_cast %get3A_456 : vector<1x16xf32> to vector<16xf32>
    %get3A_458 = arith.index_cast %sub3A_429 : i32 to index
    %get3A_459 = arith.constant 112 : index
    %get3A_460 = tpu.vector_load %arg7[%get3A_458, %get3A_459] {strides = array<i32>} : memref<16x128xf32, #tpu.memory_space<vmem>>, vector<1x16xf32>,
    %get3A_461 = vector.shape_cast %get3A_460 : vector<1x16xf32> to vector<16xf32>
    %parallel_loop3A_462 = arith.constant 0 : i32
    %parallel_loop3A_463 = arith.constant 128 : i32
    %parallel_loop3A_464 = arith.constant 1 : i32
    scf.for %parallel_loop3A_685 = %parallel_loop3A_462 to %parallel_loop3A_463 step %parallel_loop3A_464  : i32 {
      %parallel_loop3A_686 = arith.index_cast %parallel_loop3A_685 : i32 to index
      %parallel_loop3A_687 = arith.constant 0 : index
      %parallel_loop3A_688 = tpu.vector_load %arg11[%parallel_loop3A_686, %parallel_loop3A_687] {strides = array<i32>} : memref<128x128xf32, #tpu.memory_space<vmem>>, vector<1x16xf32>,
      %parallel_loop3A_689 = vector.shape_cast %parallel_loop3A_688 : vector<1x16xf32> to vector<16xf32>
      %parallel_loop3A_690 = vector.shape_cast %get3A_433 : vector<16xf32> to vector<1x16xf32>
      tpu.vector_store %arg11[%parallel_loop3A_686, %parallel_loop3A_687], %parallel_loop3A_690 {add = true, strides = array<i32>} : memref<128x128xf32, #tpu.memory_space<vmem>>, vector<1x16xf32>,
      %parallel_loop3A_691 = arith.index_cast %parallel_loop3A_685 : i32 to index
      %parallel_loop3A_692 = arith.constant 16 : index
      %parallel_loop3A_693 = tpu.vector_load %arg11[%parallel_loop3A_691, %parallel_loop3A_692] {strides = array<i32>} : memref<128x128xf32, #tpu.memory_space<vmem>>, vector<1x16xf32>,
      %parallel_loop3A_694 = vector.shape_cast %parallel_loop3A_693 : vector<1x16xf32> to vector<16xf32>
      %parallel_loop3A_695 = vector.shape_cast %get3A_437 : vector<16xf32> to vector<1x16xf32>
      tpu.vector_store %arg11[%parallel_loop3A_691, %parallel_loop3A_692], %parallel_loop3A_695 {add = true, strides = array<i32>} : memref<128x128xf32, #tpu.memory_space<vmem>>, vector<1x16xf32>,
      %parallel_loop3A_696 = arith.index_cast %parallel_loop3A_685 : i32 to index
      %parallel_loop3A_697 = arith.constant 32 : index
      %parallel_loop3A_698 = tpu.vector_load %arg11[%parallel_loop3A_696, %parallel_loop3A_697] {strides = array<i32>} : memref<128x128xf32, #tpu.memory_space<vmem>>, vector<1x16xf32>,
      %parallel_loop3A_699 = vector.shape_cast %parallel_loop3A_698 : vector<1x16xf32> to vector<16xf32>
      %parallel_loop3A_700 = vector.shape_cast %get3A_441 : vector<16xf32> to vector<1x16xf32>
      tpu.vector_store %arg11[%parallel_loop3A_696, %parallel_loop3A_697], %parallel_loop3A_700 {add = true, strides = array<i32>} : memref<128x128xf32, #tpu.memory_space<vmem>>, vector<1x16xf32>,
      %parallel_loop3A_701 = arith.index_cast %parallel_loop3A_685 : i32 to index
      %parallel_loop3A_702 = arith.constant 48 : index
      %parallel_loop3A_703 = tpu.vector_load %arg11[%parallel_loop3A_701, %parallel_loop3A_702] {strides = array<i32>} : memref<128x128xf32, #tpu.memory_space<vmem>>, vector<1x16xf32>,
      %parallel_loop3A_704 = vector.shape_cast %parallel_loop3A_703 : vector<1x16xf32> to vector<16xf32>
      %parallel_loop3A_705 = vector.shape_cast %get3A_445 : vector<16xf32> to vector<1x16xf32>
      tpu.vector_store %arg11[%parallel_loop3A_701, %parallel_loop3A_702], %parallel_loop3A_705 {add = true, strides = array<i32>} : memref<128x128xf32, #tpu.memory_space<vmem>>, vector<1x16xf32>,
      %parallel_loop3A_706 = arith.index_cast %parallel_loop3A_685 : i32 to index
      %parallel_loop3A_707 = arith.constant 64 : index
      %parallel_loop3A_708 = tpu.vector_load %arg11[%parallel_loop3A_706, %parallel_loop3A_707] {strides = array<i32>} : memref<128x128xf32, #tpu.memory_space<vmem>>, vector<1x16xf32>,
      %parallel_loop3A_709 = vector.shape_cast %parallel_loop3A_708 : vector<1x16xf32> to vector<16xf32>
      %parallel_loop3A_710 = vector.shape_cast %get3A_449 : vector<16xf32> to vector<1x16xf32>
      tpu.vector_store %arg11[%parallel_loop3A_706, %parallel_loop3A_707], %parallel_loop3A_710 {add = true, strides = array<i32>} : memref<128x128xf32, #tpu.memory_space<vmem>>, vector<1x16xf32>,
      %parallel_loop3A_711 = arith.index_cast %parallel_loop3A_685 : i32 to index
      %parallel_loop3A_712 = arith.constant 80 : index
      %parallel_loop3A_713 = tpu.vector_load %arg11[%parallel_loop3A_711, %parallel_loop3A_712] {strides = array<i32>} : memref<128x128xf32, #tpu.memory_space<vmem>>, vector<1x16xf32>,
      %parallel_loop3A_714 = vector.shape_cast %parallel_loop3A_713 : vector<1x16xf32> to vector<16xf32>
      %parallel_loop3A_715 = vector.shape_cast %get3A_453 : vector<16xf32> to vector<1x16xf32>
      tpu.vector_store %arg11[%parallel_loop3A_711, %parallel_loop3A_712], %parallel_loop3A_715 {add = true, strides = array<i32>} : memref<128x128xf32, #tpu.memory_space<vmem>>, vector<1x16xf32>,
      %parallel_loop3A_716 = arith.index_cast %parallel_loop3A_685 : i32 to index
      %parallel_loop3A_717 = arith.constant 96 : index
      %parallel_loop3A_718 = tpu.vector_load %arg11[%parallel_loop3A_716, %parallel_loop3A_717] {strides = array<i32>} : memref<128x128xf32, #tpu.memory_space<vmem>>, vector<1x16xf32>,
      %parallel_loop3A_719 = vector.shape_cast %parallel_loop3A_718 : vector<1x16xf32> to vector<16xf32>
      %parallel_loop3A_720 = vector.shape_cast %get3A_457 : vector<16xf32> to vector<1x16xf32>
      tpu.vector_store %arg11[%parallel_loop3A_716, %parallel_loop3A_717], %parallel_loop3A_720 {add = true, strides = array<i32>} : memref<128x128xf32, #tpu.memory_space<vmem>>, vector<1x16xf32>,
      %parallel_loop3A_721 = arith.index_cast %parallel_loop3A_685 : i32 to index
      %parallel_loop3A_722 = arith.constant 112 : index
      %parallel_loop3A_723 = tpu.vector_load %arg11[%parallel_loop3A_721, %parallel_loop3A_722] {strides = array<i32>} : memref<128x128xf32, #tpu.memory_space<vmem>>, vector<1x16xf32>,
      %parallel_loop3A_724 = vector.shape_cast %parallel_loop3A_723 : vector<1x16xf32> to vector<16xf32>
      %parallel_loop3A_725 = vector.shape_cast %get3A_461 : vector<16xf32> to vector<1x16xf32>
      tpu.vector_store %arg11[%parallel_loop3A_721, %parallel_loop3A_722], %parallel_loop3A_725 {add = true, strides = array<i32>} : memref<128x128xf32, #tpu.memory_space<vmem>>, vector<1x16xf32>,
    } {sc.loop_unroll_factor = 4 : i64, sc.parallel_access}
    %add3A_465 = arith.constant 47 : i32
    %add3A_466 = arith.addi %mul3A_2, %add3A_465 : i32
    %shift_right_logical3A_467 = arith.constant 3 : i32
    %shift_right_logical3A_468 = arith.shrui %add3A_466, %shift_right_logical3A_467 : i32
    %and3A_469 = arith.constant 7 : i32
    %and3A_470 = arith.andi %add3A_466, %and3A_469 : i32
    %mul3A_471 = arith.constant 128 : i32
    %mul3A_472 = arith.muli %and3A_470, %mul3A_471 : i32
    %dma_start3A_473 = arith.constant 0 : i32
    %dma_start3A_474 = tpu.memref_slice %arg5[%mul3A_472, %shift_right_logical3A_468, %dma_start3A_473] : memref<1024x200x128xf32, #tpu.memory_space<hbm>> -> memref<128x1x128xf32, #tpu.memory_space<hbm>>
    %dma_start3A_475 = tpu.memref_squeeze %dma_start3A_474 : memref<128x1x128xf32, #tpu.memory_space<hbm>> -> memref<128x128xf32, #tpu.memory_space<hbm>>
    %dma_start3A_476 = arith.constant 0 : i32
    %dma_start3A_477 = tpu.memref_slice %arg5[%mul3A_472, %shift_right_logical3A_468, %dma_start3A_476] : memref<1024x200x128xf32, #tpu.memory_space<hbm>> -> memref<128x1x128xf32, #tpu.memory_space<hbm>>
    %dma_start3A_478 = tpu.memref_squeeze %dma_start3A_477 : memref<128x1x128xf32, #tpu.memory_space<hbm>> -> memref<128x128xf32, #tpu.memory_space<hbm>>
    tpu.enqueue_dma source(%arg11 : memref<128x128xf32, #tpu.memory_space<vmem>>) target(%dma_start3A_478 : memref<128x128xf32, #tpu.memory_space<hbm>>) target_semaphore(%arg20 : memref<!tpu.dma_semaphore, #tpu.memory_space<semaphore_mem>>)
    %add3A_479 = arith.constant 48 : i32
    %add3A_480 = arith.addi %mul3A_2, %add3A_479 : i32
    %shift_right_logical3A_481 = arith.constant 3 : i32
    %shift_right_logical3A_482 = arith.shrui %add3A_480, %shift_right_logical3A_481 : i32
    %and3A_483 = arith.constant 7 : i32
    %and3A_484 = arith.andi %add3A_480, %and3A_483 : i32
    %sub3A_485 = arith.subi %shift_right_logical3A_482, %min3A_7 : i32
    %mul3A_486 = arith.constant 128 : i32
    %mul3A_487 = arith.muli %and3A_484, %mul3A_486 : i32
    %add3A_488 = arith.constant 0 : i32
    %add3A_489 = arith.addi %mul3A_487, %add3A_488 : i32
    %dma_wait3A_490 = arith.constant 0 : i32
    %dma_wait3A_491 = arith.constant 0 : i32
    %dma_wait3A_492 = tpu.memref_slice %arg8[%dma_wait3A_490, %dma_wait3A_491] : memref<128x128xf32, #tpu.memory_space<vmem>> -> memref<128x128xf32, #tpu.memory_space<vmem>>
    %dma_wait3A_493 = tpu.memref_slice %arg6[%sub3A_485, %add3A_489] : memref<16x1024xi32, #tpu.memory_space<vmem>> -> memref<1x128xi32, #tpu.memory_space<vmem>>
    %dma_wait3A_494 = tpu.memref_squeeze %dma_wait3A_493 : memref<1x128xi32, #tpu.memory_space<vmem>> -> memref<128xi32, #tpu.memory_space<vmem>>
    %dma_wait3A_495 = arith.constant 0 : i32
    %dma_wait3A_496 = arith.constant 0 : i32
    %dma_wait3A_497 = tpu.memref_slice %arg12[%dma_wait3A_495, %dma_wait3A_496] : memref<1000x128xf32, #tpu.memory_space<vmem_shared>> -> memref<1000x128xf32, #tpu.memory_space<vmem_shared>>
    tpu.wait_indirect_dma semaphore(%arg13 : memref<!tpu.dma_semaphore, #tpu.memory_space<semaphore_mem>>) src(%dma_wait3A_497 : memref<1000x128xf32, #tpu.memory_space<vmem_shared>>) dst(%dma_wait3A_492 : memref<128x128xf32, #tpu.memory_space<vmem>>)
    %add3A_498 = arith.constant 46 : i32
    %add3A_499 = arith.addi %mul3A_2, %add3A_498 : i32
    %shift_right_logical3A_500 = arith.constant 3 : i32
    %shift_right_logical3A_501 = arith.shrui %add3A_499, %shift_right_logical3A_500 : i32
    %and3A_502 = arith.constant 7 : i32
    %and3A_503 = arith.andi %add3A_499, %and3A_502 : i32
    %mul3A_504 = arith.constant 128 : i32
    %mul3A_505 = arith.muli %and3A_503, %mul3A_504 : i32
    %dma_wait3A_506 = arith.constant 0 : i32
    %dma_wait3A_507 = tpu.memref_slice %arg5[%mul3A_505, %shift_right_logical3A_501, %dma_wait3A_506] : memref<1024x200x128xf32, #tpu.memory_space<hbm>> -> memref<128x1x128xf32, #tpu.memory_space<hbm>>
    %dma_wait3A_508 = tpu.memref_squeeze %dma_wait3A_507 : memref<128x1x128xf32, #tpu.memory_space<hbm>> -> memref<128x128xf32, #tpu.memory_space<hbm>>
    %dma_wait3A_509 = arith.constant 0 : i32
    %dma_wait3A_510 = tpu.memref_slice %arg5[%mul3A_505, %shift_right_logical3A_501, %dma_wait3A_509] : memref<1024x200x128xf32, #tpu.memory_space<hbm>> -> memref<128x1x128xf32, #tpu.memory_space<hbm>>
    %dma_wait3A_511 = tpu.memref_squeeze %dma_wait3A_510 : memref<128x1x128xf32, #tpu.memory_space<hbm>> -> memref<128x128xf32, #tpu.memory_space<hbm>>
    tpu.wait_dma2 semaphore(%arg19 : memref<!tpu.dma_semaphore, #tpu.memory_space<semaphore_mem>>) src(%arg10 : memref<128x128xf32, #tpu.memory_space<vmem>>) dst(%dma_wait3A_511 : memref<128x128xf32, #tpu.memory_space<hbm>>)
    %add3A_512 = arith.constant 48 : i32
    %add3A_513 = arith.addi %mul3A_2, %add3A_512 : i32
    %shift_right_logical3A_514 = arith.constant 3 : i32
    %shift_right_logical3A_515 = arith.shrui %add3A_513, %shift_right_logical3A_514 : i32
    %and3A_516 = arith.constant 7 : i32
    %and3A_517 = arith.andi %add3A_513, %and3A_516 : i32
    %sub3A_518 = arith.subi %shift_right_logical3A_515, %min3A_7 : i32
    %get3A_519 = arith.index_cast %sub3A_518 : i32 to index
    %get3A_520 = arith.constant 0 : index
    %get3A_521 = tpu.vector_load %arg7[%get3A_519, %get3A_520] {strides = array<i32>} : memref<16x128xf32, #tpu.memory_space<vmem>>, vector<1x16xf32>,
    %get3A_522 = vector.shape_cast %get3A_521 : vector<1x16xf32> to vector<16xf32>
    %get3A_523 = arith.index_cast %sub3A_518 : i32 to index
    %get3A_524 = arith.constant 16 : index
    %get3A_525 = tpu.vector_load %arg7[%get3A_523, %get3A_524] {strides = array<i32>} : memref<16x128xf32, #tpu.memory_space<vmem>>, vector<1x16xf32>,
    %get3A_526 = vector.shape_cast %get3A_525 : vector<1x16xf32> to vector<16xf32>
    %get3A_527 = arith.index_cast %sub3A_518 : i32 to index
    %get3A_528 = arith.constant 32 : index
    %get3A_529 = tpu.vector_load %arg7[%get3A_527, %get3A_528] {strides = array<i32>} : memref<16x128xf32, #tpu.memory_space<vmem>>, vector<1x16xf32>,
    %get3A_530 = vector.shape_cast %get3A_529 : vector<1x16xf32> to vector<16xf32>
    %get3A_531 = arith.index_cast %sub3A_518 : i32 to index
    %get3A_532 = arith.constant 48 : index
    %get3A_533 = tpu.vector_load %arg7[%get3A_531, %get3A_532] {strides = array<i32>} : memref<16x128xf32, #tpu.memory_space<vmem>>, vector<1x16xf32>,
    %get3A_534 = vector.shape_cast %get3A_533 : vector<1x16xf32> to vector<16xf32>
    %get3A_535 = arith.index_cast %sub3A_518 : i32 to index
    %get3A_536 = arith.constant 64 : index
    %get3A_537 = tpu.vector_load %arg7[%get3A_535, %get3A_536] {strides = array<i32>} : memref<16x128xf32, #tpu.memory_space<vmem>>, vector<1x16xf32>,
    %get3A_538 = vector.shape_cast %get3A_537 : vector<1x16xf32> to vector<16xf32>
    %get3A_539 = arith.index_cast %sub3A_518 : i32 to index
    %get3A_540 = arith.constant 80 : index
    %get3A_541 = tpu.vector_load %arg7[%get3A_539, %get3A_540] {strides = array<i32>} : memref<16x128xf32, #tpu.memory_space<vmem>>, vector<1x16xf32>,
    %get3A_542 = vector.shape_cast %get3A_541 : vector<1x16xf32> to vector<16xf32>
    %get3A_543 = arith.index_cast %sub3A_518 : i32 to index
    %get3A_544 = arith.constant 96 : index
    %get3A_545 = tpu.vector_load %arg7[%get3A_543, %get3A_544] {strides = array<i32>} : memref<16x128xf32, #tpu.memory_space<vmem>>, vector<1x16xf32>,
    %get3A_546 = vector.shape_cast %get3A_545 : vector<1x16xf32> to vector<16xf32>
    %get3A_547 = arith.index_cast %sub3A_518 : i32 to index
    %get3A_548 = arith.constant 112 : index
    %get3A_549 = tpu.vector_load %arg7[%get3A_547, %get3A_548] {strides = array<i32>} : memref<16x128xf32, #tpu.memory_space<vmem>>, vector<1x16xf32>,
    %get3A_550 = vector.shape_cast %get3A_549 : vector<1x16xf32> to vector<16xf32>
    %parallel_loop3A_551 = arith.constant 0 : i32
    %parallel_loop3A_552 = arith.constant 128 : i32
    %parallel_loop3A_553 = arith.constant 1 : i32
    scf.for %parallel_loop3A_685 = %parallel_loop3A_551 to %parallel_loop3A_552 step %parallel_loop3A_553  : i32 {
      %parallel_loop3A_686 = arith.index_cast %parallel_loop3A_685 : i32 to index
      %parallel_loop3A_687 = arith.constant 0 : index
      %parallel_loop3A_688 = tpu.vector_load %arg8[%parallel_loop3A_686, %parallel_loop3A_687] {strides = array<i32>} : memref<128x128xf32, #tpu.memory_space<vmem>>, vector<1x16xf32>,
      %parallel_loop3A_689 = vector.shape_cast %parallel_loop3A_688 : vector<1x16xf32> to vector<16xf32>
      %parallel_loop3A_690 = vector.shape_cast %get3A_522 : vector<16xf32> to vector<1x16xf32>
      tpu.vector_store %arg8[%parallel_loop3A_686, %parallel_loop3A_687], %parallel_loop3A_690 {add = true, strides = array<i32>} : memref<128x128xf32, #tpu.memory_space<vmem>>, vector<1x16xf32>,
      %parallel_loop3A_691 = arith.index_cast %parallel_loop3A_685 : i32 to index
      %parallel_loop3A_692 = arith.constant 16 : index
      %parallel_loop3A_693 = tpu.vector_load %arg8[%parallel_loop3A_691, %parallel_loop3A_692] {strides = array<i32>} : memref<128x128xf32, #tpu.memory_space<vmem>>, vector<1x16xf32>,
      %parallel_loop3A_694 = vector.shape_cast %parallel_loop3A_693 : vector<1x16xf32> to vector<16xf32>
      %parallel_loop3A_695 = vector.shape_cast %get3A_526 : vector<16xf32> to vector<1x16xf32>
      tpu.vector_store %arg8[%parallel_loop3A_691, %parallel_loop3A_692], %parallel_loop3A_695 {add = true, strides = array<i32>} : memref<128x128xf32, #tpu.memory_space<vmem>>, vector<1x16xf32>,
      %parallel_loop3A_696 = arith.index_cast %parallel_loop3A_685 : i32 to index
      %parallel_loop3A_697 = arith.constant 32 : index
      %parallel_loop3A_698 = tpu.vector_load %arg8[%parallel_loop3A_696, %parallel_loop3A_697] {strides = array<i32>} : memref<128x128xf32, #tpu.memory_space<vmem>>, vector<1x16xf32>,
      %parallel_loop3A_699 = vector.shape_cast %parallel_loop3A_698 : vector<1x16xf32> to vector<16xf32>
      %parallel_loop3A_700 = vector.shape_cast %get3A_530 : vector<16xf32> to vector<1x16xf32>
      tpu.vector_store %arg8[%parallel_loop3A_696, %parallel_loop3A_697], %parallel_loop3A_700 {add = true, strides = array<i32>} : memref<128x128xf32, #tpu.memory_space<vmem>>, vector<1x16xf32>,
      %parallel_loop3A_701 = arith.index_cast %parallel_loop3A_685 : i32 to index
      %parallel_loop3A_702 = arith.constant 48 : index
      %parallel_loop3A_703 = tpu.vector_load %arg8[%parallel_loop3A_701, %parallel_loop3A_702] {strides = array<i32>} : memref<128x128xf32, #tpu.memory_space<vmem>>, vector<1x16xf32>,
      %parallel_loop3A_704 = vector.shape_cast %parallel_loop3A_703 : vector<1x16xf32> to vector<16xf32>
      %parallel_loop3A_705 = vector.shape_cast %get3A_534 : vector<16xf32> to vector<1x16xf32>
      tpu.vector_store %arg8[%parallel_loop3A_701, %parallel_loop3A_702], %parallel_loop3A_705 {add = true, strides = array<i32>} : memref<128x128xf32, #tpu.memory_space<vmem>>, vector<1x16xf32>,
      %parallel_loop3A_706 = arith.index_cast %parallel_loop3A_685 : i32 to index
      %parallel_loop3A_707 = arith.constant 64 : index
      %parallel_loop3A_708 = tpu.vector_load %arg8[%parallel_loop3A_706, %parallel_loop3A_707] {strides = array<i32>} : memref<128x128xf32, #tpu.memory_space<vmem>>, vector<1x16xf32>,
      %parallel_loop3A_709 = vector.shape_cast %parallel_loop3A_708 : vector<1x16xf32> to vector<16xf32>
      %parallel_loop3A_710 = vector.shape_cast %get3A_538 : vector<16xf32> to vector<1x16xf32>
      tpu.vector_store %arg8[%parallel_loop3A_706, %parallel_loop3A_707], %parallel_loop3A_710 {add = true, strides = array<i32>} : memref<128x128xf32, #tpu.memory_space<vmem>>, vector<1x16xf32>,
      %parallel_loop3A_711 = arith.index_cast %parallel_loop3A_685 : i32 to index
      %parallel_loop3A_712 = arith.constant 80 : index
      %parallel_loop3A_713 = tpu.vector_load %arg8[%parallel_loop3A_711, %parallel_loop3A_712] {strides = array<i32>} : memref<128x128xf32, #tpu.memory_space<vmem>>, vector<1x16xf32>,
      %parallel_loop3A_714 = vector.shape_cast %parallel_loop3A_713 : vector<1x16xf32> to vector<16xf32>
      %parallel_loop3A_715 = vector.shape_cast %get3A_542 : vector<16xf32> to vector<1x16xf32>
      tpu.vector_store %arg8[%parallel_loop3A_711, %parallel_loop3A_712], %parallel_loop3A_715 {add = true, strides = array<i32>} : memref<128x128xf32, #tpu.memory_space<vmem>>, vector<1x16xf32>,
      %parallel_loop3A_716 = arith.index_cast %parallel_loop3A_685 : i32 to index
      %parallel_loop3A_717 = arith.constant 96 : index
      %parallel_loop3A_718 = tpu.vector_load %arg8[%parallel_loop3A_716, %parallel_loop3A_717] {strides = array<i32>} : memref<128x128xf32, #tpu.memory_space<vmem>>, vector<1x16xf32>,
      %parallel_loop3A_719 = vector.shape_cast %parallel_loop3A_718 : vector<1x16xf32> to vector<16xf32>
      %parallel_loop3A_720 = vector.shape_cast %get3A_546 : vector<16xf32> to vector<1x16xf32>
      tpu.vector_store %arg8[%parallel_loop3A_716, %parallel_loop3A_717], %parallel_loop3A_720 {add = true, strides = array<i32>} : memref<128x128xf32, #tpu.memory_space<vmem>>, vector<1x16xf32>,
      %parallel_loop3A_721 = arith.index_cast %parallel_loop3A_685 : i32 to index
      %parallel_loop3A_722 = arith.constant 112 : index
      %parallel_loop3A_723 = tpu.vector_load %arg8[%parallel_loop3A_721, %parallel_loop3A_722] {strides = array<i32>} : memref<128x128xf32, #tpu.memory_space<vmem>>, vector<1x16xf32>,
      %parallel_loop3A_724 = vector.shape_cast %parallel_loop3A_723 : vector<1x16xf32> to vector<16xf32>
      %parallel_loop3A_725 = vector.shape_cast %get3A_550 : vector<16xf32> to vector<1x16xf32>
      tpu.vector_store %arg8[%parallel_loop3A_721, %parallel_loop3A_722], %parallel_loop3A_725 {add = true, strides = array<i32>} : memref<128x128xf32, #tpu.memory_space<vmem>>, vector<1x16xf32>,
    } {sc.loop_unroll_factor = 4 : i64, sc.parallel_access}
    %add3A_554 = arith.constant 48 : i32
    %add3A_555 = arith.addi %mul3A_2, %add3A_554 : i32
    %shift_right_logical3A_556 = arith.constant 3 : i32
    %shift_right_logical3A_557 = arith.shrui %add3A_555, %shift_right_logical3A_556 : i32
    %and3A_558 = arith.constant 7 : i32
    %and3A_559 = arith.andi %add3A_555, %and3A_558 : i32
    %mul3A_560 = arith.constant 128 : i32
    %mul3A_561 = arith.muli %and3A_559, %mul3A_560 : i32
    %dma_start3A_562 = arith.constant 0 : i32
    %dma_start3A_563 = tpu.memref_slice %arg5[%mul3A_561, %shift_right_logical3A_557, %dma_start3A_562] : memref<1024x200x128xf32, #tpu.memory_space<hbm>> -> memref<128x1x128xf32, #tpu.memory_space<hbm>>
    %dma_start3A_564 = tpu.memref_squeeze %dma_start3A_563 : memref<128x1x128xf32, #tpu.memory_space<hbm>> -> memref<128x128xf32, #tpu.memory_space<hbm>>
    %dma_start3A_565 = arith.constant 0 : i32
    %dma_start3A_566 = tpu.memref_slice %arg5[%mul3A_561, %shift_right_logical3A_557, %dma_start3A_565] : memref<1024x200x128xf32, #tpu.memory_space<hbm>> -> memref<128x1x128xf32, #tpu.memory_space<hbm>>
    %dma_start3A_567 = tpu.memref_squeeze %dma_start3A_566 : memref<128x1x128xf32, #tpu.memory_space<hbm>> -> memref<128x128xf32, #tpu.memory_space<hbm>>
    tpu.enqueue_dma source(%arg8 : memref<128x128xf32, #tpu.memory_space<vmem>>) target(%dma_start3A_567 : memref<128x128xf32, #tpu.memory_space<hbm>>) target_semaphore(%arg17 : memref<!tpu.dma_semaphore, #tpu.memory_space<semaphore_mem>>)
    %add3A_568 = arith.constant 49 : i32
    %add3A_569 = arith.addi %mul3A_2, %add3A_568 : i32
    %shift_right_logical3A_570 = arith.constant 3 : i32
    %shift_right_logical3A_571 = arith.shrui %add3A_569, %shift_right_logical3A_570 : i32
    %and3A_572 = arith.constant 7 : i32
    %and3A_573 = arith.andi %add3A_569, %and3A_572 : i32
    %sub3A_574 = arith.subi %shift_right_logical3A_571, %min3A_7 : i32
    %mul3A_575 = arith.constant 128 : i32
    %mul3A_576 = arith.muli %and3A_573, %mul3A_575 : i32
    %add3A_577 = arith.constant 0 : i32
    %add3A_578 = arith.addi %mul3A_576, %add3A_577 : i32
    %dma_wait3A_579 = arith.constant 0 : i32
    %dma_wait3A_580 = arith.constant 0 : i32
    %dma_wait3A_581 = tpu.memref_slice %arg9[%dma_wait3A_579, %dma_wait3A_580] : memref<128x128xf32, #tpu.memory_space<vmem>> -> memref<128x128xf32, #tpu.memory_space<vmem>>
    %dma_wait3A_582 = tpu.memref_slice %arg6[%sub3A_574, %add3A_578] : memref<16x1024xi32, #tpu.memory_space<vmem>> -> memref<1x128xi32, #tpu.memory_space<vmem>>
    %dma_wait3A_583 = tpu.memref_squeeze %dma_wait3A_582 : memref<1x128xi32, #tpu.memory_space<vmem>> -> memref<128xi32, #tpu.memory_space<vmem>>
    %dma_wait3A_584 = arith.constant 0 : i32
    %dma_wait3A_585 = arith.constant 0 : i32
    %dma_wait3A_586 = tpu.memref_slice %arg12[%dma_wait3A_584, %dma_wait3A_585] : memref<1000x128xf32, #tpu.memory_space<vmem_shared>> -> memref<1000x128xf32, #tpu.memory_space<vmem_shared>>
    tpu.wait_indirect_dma semaphore(%arg14 : memref<!tpu.dma_semaphore, #tpu.memory_space<semaphore_mem>>) src(%dma_wait3A_586 : memref<1000x128xf32, #tpu.memory_space<vmem_shared>>) dst(%dma_wait3A_581 : memref<128x128xf32, #tpu.memory_space<vmem>>)
    %add3A_587 = arith.constant 47 : i32
    %add3A_588 = arith.addi %mul3A_2, %add3A_587 : i32
    %shift_right_logical3A_589 = arith.constant 3 : i32
    %shift_right_logical3A_590 = arith.shrui %add3A_588, %shift_right_logical3A_589 : i32
    %and3A_591 = arith.constant 7 : i32
    %and3A_592 = arith.andi %add3A_588, %and3A_591 : i32
    %mul3A_593 = arith.constant 128 : i32
    %mul3A_594 = arith.muli %and3A_592, %mul3A_593 : i32
    %dma_wait3A_595 = arith.constant 0 : i32
    %dma_wait3A_596 = tpu.memref_slice %arg5[%mul3A_594, %shift_right_logical3A_590, %dma_wait3A_595] : memref<1024x200x128xf32, #tpu.memory_space<hbm>> -> memref<128x1x128xf32, #tpu.memory_space<hbm>>
    %dma_wait3A_597 = tpu.memref_squeeze %dma_wait3A_596 : memref<128x1x128xf32, #tpu.memory_space<hbm>> -> memref<128x128xf32, #tpu.memory_space<hbm>>
    %dma_wait3A_598 = arith.constant 0 : i32
    %dma_wait3A_599 = tpu.memref_slice %arg5[%mul3A_594, %shift_right_logical3A_590, %dma_wait3A_598] : memref<1024x200x128xf32, #tpu.memory_space<hbm>> -> memref<128x1x128xf32, #tpu.memory_space<hbm>>
    %dma_wait3A_600 = tpu.memref_squeeze %dma_wait3A_599 : memref<128x1x128xf32, #tpu.memory_space<hbm>> -> memref<128x128xf32, #tpu.memory_space<hbm>>
    tpu.wait_dma2 semaphore(%arg20 : memref<!tpu.dma_semaphore, #tpu.memory_space<semaphore_mem>>) src(%arg11 : memref<128x128xf32, #tpu.memory_space<vmem>>) dst(%dma_wait3A_600 : memref<128x128xf32, #tpu.memory_space<hbm>>)
    %add3A_601 = arith.constant 49 : i32
    %add3A_602 = arith.addi %mul3A_2, %add3A_601 : i32
    %shift_right_logical3A_603 = arith.constant 3 : i32
    %shift_right_logical3A_604 = arith.shrui %add3A_602, %shift_right_logical3A_603 : i32
    %and3A_605 = arith.constant 7 : i32
    %and3A_606 = arith.andi %add3A_602, %and3A_605 : i32
    %sub3A_607 = arith.subi %shift_right_logical3A_604, %min3A_7 : i32
    %get3A_608 = arith.index_cast %sub3A_607 : i32 to index
    %get3A_609 = arith.constant 0 : index
    %get3A_610 = tpu.vector_load %arg7[%get3A_608, %get3A_609] {strides = array<i32>} : memref<16x128xf32, #tpu.memory_space<vmem>>, vector<1x16xf32>,
    %get3A_611 = vector.shape_cast %get3A_610 : vector<1x16xf32> to vector<16xf32>
    %get3A_612 = arith.index_cast %sub3A_607 : i32 to index
    %get3A_613 = arith.constant 16 : index
    %get3A_614 = tpu.vector_load %arg7[%get3A_612, %get3A_613] {strides = array<i32>} : memref<16x128xf32, #tpu.memory_space<vmem>>, vector<1x16xf32>,
    %get3A_615 = vector.shape_cast %get3A_614 : vector<1x16xf32> to vector<16xf32>
    %get3A_616 = arith.index_cast %sub3A_607 : i32 to index
    %get3A_617 = arith.constant 32 : index
    %get3A_618 = tpu.vector_load %arg7[%get3A_616, %get3A_617] {strides = array<i32>} : memref<16x128xf32, #tpu.memory_space<vmem>>, vector<1x16xf32>,
    %get3A_619 = vector.shape_cast %get3A_618 : vector<1x16xf32> to vector<16xf32>
    %get3A_620 = arith.index_cast %sub3A_607 : i32 to index
    %get3A_621 = arith.constant 48 : index
    %get3A_622 = tpu.vector_load %arg7[%get3A_620, %get3A_621] {strides = array<i32>} : memref<16x128xf32, #tpu.memory_space<vmem>>, vector<1x16xf32>,
    %get3A_623 = vector.shape_cast %get3A_622 : vector<1x16xf32> to vector<16xf32>
    %get3A_624 = arith.index_cast %sub3A_607 : i32 to index
    %get3A_625 = arith.constant 64 : index
    %get3A_626 = tpu.vector_load %arg7[%get3A_624, %get3A_625] {strides = array<i32>} : memref<16x128xf32, #tpu.memory_space<vmem>>, vector<1x16xf32>,
    %get3A_627 = vector.shape_cast %get3A_626 : vector<1x16xf32> to vector<16xf32>
    %get3A_628 = arith.index_cast %sub3A_607 : i32 to index
    %get3A_629 = arith.constant 80 : index
    %get3A_630 = tpu.vector_load %arg7[%get3A_628, %get3A_629] {strides = array<i32>} : memref<16x128xf32, #tpu.memory_space<vmem>>, vector<1x16xf32>,
    %get3A_631 = vector.shape_cast %get3A_630 : vector<1x16xf32> to vector<16xf32>
    %get3A_632 = arith.index_cast %sub3A_607 : i32 to index
    %get3A_633 = arith.constant 96 : index
    %get3A_634 = tpu.vector_load %arg7[%get3A_632, %get3A_633] {strides = array<i32>} : memref<16x128xf32, #tpu.memory_space<vmem>>, vector<1x16xf32>,
    %get3A_635 = vector.shape_cast %get3A_634 : vector<1x16xf32> to vector<16xf32>
    %get3A_636 = arith.index_cast %sub3A_607 : i32 to index
    %get3A_637 = arith.constant 112 : index
    %get3A_638 = tpu.vector_load %arg7[%get3A_636, %get3A_637] {strides = array<i32>} : memref<16x128xf32, #tpu.memory_space<vmem>>, vector<1x16xf32>,
    %get3A_639 = vector.shape_cast %get3A_638 : vector<1x16xf32> to vector<16xf32>
    %parallel_loop3A_640 = arith.constant 0 : i32
    %parallel_loop3A_641 = arith.constant 128 : i32
    %parallel_loop3A_642 = arith.constant 1 : i32
    scf.for %parallel_loop3A_685 = %parallel_loop3A_640 to %parallel_loop3A_641 step %parallel_loop3A_642  : i32 {
      %parallel_loop3A_686 = arith.index_cast %parallel_loop3A_685 : i32 to index
      %parallel_loop3A_687 = arith.constant 0 : index
      %parallel_loop3A_688 = tpu.vector_load %arg9[%parallel_loop3A_686, %parallel_loop3A_687] {strides = array<i32>} : memref<128x128xf32, #tpu.memory_space<vmem>>, vector<1x16xf32>,
      %parallel_loop3A_689 = vector.shape_cast %parallel_loop3A_688 : vector<1x16xf32> to vector<16xf32>
      %parallel_loop3A_690 = vector.shape_cast %get3A_611 : vector<16xf32> to vector<1x16xf32>
      tpu.vector_store %arg9[%parallel_loop3A_686, %parallel_loop3A_687], %parallel_loop3A_690 {add = true, strides = array<i32>} : memref<128x128xf32, #tpu.memory_space<vmem>>, vector<1x16xf32>,
      %parallel_loop3A_691 = arith.index_cast %parallel_loop3A_685 : i32 to index
      %parallel_loop3A_692 = arith.constant 16 : index
      %parallel_loop3A_693 = tpu.vector_load %arg9[%parallel_loop3A_691, %parallel_loop3A_692] {strides = array<i32>} : memref<128x128xf32, #tpu.memory_space<vmem>>, vector<1x16xf32>,
      %parallel_loop3A_694 = vector.shape_cast %parallel_loop3A_693 : vector<1x16xf32> to vector<16xf32>
      %parallel_loop3A_695 = vector.shape_cast %get3A_615 : vector<16xf32> to vector<1x16xf32>
      tpu.vector_store %arg9[%parallel_loop3A_691, %parallel_loop3A_692], %parallel_loop3A_695 {add = true, strides = array<i32>} : memref<128x128xf32, #tpu.memory_space<vmem>>, vector<1x16xf32>,
      %parallel_loop3A_696 = arith.index_cast %parallel_loop3A_685 : i32 to index
      %parallel_loop3A_697 = arith.constant 32 : index
      %parallel_loop3A_698 = tpu.vector_load %arg9[%parallel_loop3A_696, %parallel_loop3A_697] {strides = array<i32>} : memref<128x128xf32, #tpu.memory_space<vmem>>, vector<1x16xf32>,
      %parallel_loop3A_699 = vector.shape_cast %parallel_loop3A_698 : vector<1x16xf32> to vector<16xf32>
      %parallel_loop3A_700 = vector.shape_cast %get3A_619 : vector<16xf32> to vector<1x16xf32>
      tpu.vector_store %arg9[%parallel_loop3A_696, %parallel_loop3A_697], %parallel_loop3A_700 {add = true, strides = array<i32>} : memref<128x128xf32, #tpu.memory_space<vmem>>, vector<1x16xf32>,
      %parallel_loop3A_701 = arith.index_cast %parallel_loop3A_685 : i32 to index
      %parallel_loop3A_702 = arith.constant 48 : index
      %parallel_loop3A_703 = tpu.vector_load %arg9[%parallel_loop3A_701, %parallel_loop3A_702] {strides = array<i32>} : memref<128x128xf32, #tpu.memory_space<vmem>>, vector<1x16xf32>,
      %parallel_loop3A_704 = vector.shape_cast %parallel_loop3A_703 : vector<1x16xf32> to vector<16xf32>
      %parallel_loop3A_705 = vector.shape_cast %get3A_623 : vector<16xf32> to vector<1x16xf32>
      tpu.vector_store %arg9[%parallel_loop3A_701, %parallel_loop3A_702], %parallel_loop3A_705 {add = true, strides = array<i32>} : memref<128x128xf32, #tpu.memory_space<vmem>>, vector<1x16xf32>,
      %parallel_loop3A_706 = arith.index_cast %parallel_loop3A_685 : i32 to index
      %parallel_loop3A_707 = arith.constant 64 : index
      %parallel_loop3A_708 = tpu.vector_load %arg9[%parallel_loop3A_706, %parallel_loop3A_707] {strides = array<i32>} : memref<128x128xf32, #tpu.memory_space<vmem>>, vector<1x16xf32>,
      %parallel_loop3A_709 = vector.shape_cast %parallel_loop3A_708 : vector<1x16xf32> to vector<16xf32>
      %parallel_loop3A_710 = vector.shape_cast %get3A_627 : vector<16xf32> to vector<1x16xf32>
      tpu.vector_store %arg9[%parallel_loop3A_706, %parallel_loop3A_707], %parallel_loop3A_710 {add = true, strides = array<i32>} : memref<128x128xf32, #tpu.memory_space<vmem>>, vector<1x16xf32>,
      %parallel_loop3A_711 = arith.index_cast %parallel_loop3A_685 : i32 to index
      %parallel_loop3A_712 = arith.constant 80 : index
      %parallel_loop3A_713 = tpu.vector_load %arg9[%parallel_loop3A_711, %parallel_loop3A_712] {strides = array<i32>} : memref<128x128xf32, #tpu.memory_space<vmem>>, vector<1x16xf32>,
      %parallel_loop3A_714 = vector.shape_cast %parallel_loop3A_713 : vector<1x16xf32> to vector<16xf32>
      %parallel_loop3A_715 = vector.shape_cast %get3A_631 : vector<16xf32> to vector<1x16xf32>
      tpu.vector_store %arg9[%parallel_loop3A_711, %parallel_loop3A_712], %parallel_loop3A_715 {add = true, strides = array<i32>} : memref<128x128xf32, #tpu.memory_space<vmem>>, vector<1x16xf32>,
      %parallel_loop3A_716 = arith.index_cast %parallel_loop3A_685 : i32 to index
      %parallel_loop3A_717 = arith.constant 96 : index
      %parallel_loop3A_718 = tpu.vector_load %arg9[%parallel_loop3A_716, %parallel_loop3A_717] {strides = array<i32>} : memref<128x128xf32, #tpu.memory_space<vmem>>, vector<1x16xf32>,
      %parallel_loop3A_719 = vector.shape_cast %parallel_loop3A_718 : vector<1x16xf32> to vector<16xf32>
      %parallel_loop3A_720 = vector.shape_cast %get3A_635 : vector<16xf32> to vector<1x16xf32>
      tpu.vector_store %arg9[%parallel_loop3A_716, %parallel_loop3A_717], %parallel_loop3A_720 {add = true, strides = array<i32>} : memref<128x128xf32, #tpu.memory_space<vmem>>, vector<1x16xf32>,
      %parallel_loop3A_721 = arith.index_cast %parallel_loop3A_685 : i32 to index
      %parallel_loop3A_722 = arith.constant 112 : index
      %parallel_loop3A_723 = tpu.vector_load %arg9[%parallel_loop3A_721, %parallel_loop3A_722] {strides = array<i32>} : memref<128x128xf32, #tpu.memory_space<vmem>>, vector<1x16xf32>,
      %parallel_loop3A_724 = vector.shape_cast %parallel_loop3A_723 : vector<1x16xf32> to vector<16xf32>
      %parallel_loop3A_725 = vector.shape_cast %get3A_639 : vector<16xf32> to vector<1x16xf32>
      tpu.vector_store %arg9[%parallel_loop3A_721, %parallel_loop3A_722], %parallel_loop3A_725 {add = true, strides = array<i32>} : memref<128x128xf32, #tpu.memory_space<vmem>>, vector<1x16xf32>,
    } {sc.loop_unroll_factor = 4 : i64, sc.parallel_access}
    %add3A_643 = arith.constant 49 : i32
    %add3A_644 = arith.addi %mul3A_2, %add3A_643 : i32
    %shift_right_logical3A_645 = arith.constant 3 : i32
    %shift_right_logical3A_646 = arith.shrui %add3A_644, %shift_right_logical3A_645 : i32
    %and3A_647 = arith.constant 7 : i32
    %and3A_648 = arith.andi %add3A_644, %and3A_647 : i32
    %mul3A_649 = arith.constant 128 : i32
    %mul3A_650 = arith.muli %and3A_648, %mul3A_649 : i32
    %dma_start3A_651 = arith.constant 0 : i32
    %dma_start3A_652 = tpu.memref_slice %arg5[%mul3A_650, %shift_right_logical3A_646, %dma_start3A_651] : memref<1024x200x128xf32, #tpu.memory_space<hbm>> -> memref<128x1x128xf32, #tpu.memory_space<hbm>>
    %dma_start3A_653 = tpu.memref_squeeze %dma_start3A_652 : memref<128x1x128xf32, #tpu.memory_space<hbm>> -> memref<128x128xf32, #tpu.memory_space<hbm>>
    %dma_start3A_654 = arith.constant 0 : i32
    %dma_start3A_655 = tpu.memref_slice %arg5[%mul3A_650, %shift_right_logical3A_646, %dma_start3A_654] : memref<1024x200x128xf32, #tpu.memory_space<hbm>> -> memref<128x1x128xf32, #tpu.memory_space<hbm>>
    %dma_start3A_656 = tpu.memref_squeeze %dma_start3A_655 : memref<128x1x128xf32, #tpu.memory_space<hbm>> -> memref<128x128xf32, #tpu.memory_space<hbm>>
    tpu.enqueue_dma source(%arg9 : memref<128x128xf32, #tpu.memory_space<vmem>>) target(%dma_start3A_656 : memref<128x128xf32, #tpu.memory_space<hbm>>) target_semaphore(%arg18 : memref<!tpu.dma_semaphore, #tpu.memory_space<semaphore_mem>>)
    %add3A_657 = arith.constant 48 : i32
    %add3A_658 = arith.addi %mul3A_2, %add3A_657 : i32
    %shift_right_logical3A_659 = arith.constant 3 : i32
    %shift_right_logical3A_660 = arith.shrui %add3A_658, %shift_right_logical3A_659 : i32
    %and3A_661 = arith.constant 7 : i32
    %and3A_662 = arith.andi %add3A_658, %and3A_661 : i32
    %mul3A_663 = arith.constant 128 : i32
    %mul3A_664 = arith.muli %and3A_662, %mul3A_663 : i32
    %dma_wait3A_665 = arith.constant 0 : i32
    %dma_wait3A_666 = tpu.memref_slice %arg5[%mul3A_664, %shift_right_logical3A_660, %dma_wait3A_665] : memref<1024x200x128xf32, #tpu.memory_space<hbm>> -> memref<128x1x128xf32, #tpu.memory_space<hbm>>
    %dma_wait3A_667 = tpu.memref_squeeze %dma_wait3A_666 : memref<128x1x128xf32, #tpu.memory_space<hbm>> -> memref<128x128xf32, #tpu.memory_space<hbm>>
    %dma_wait3A_668 = arith.constant 0 : i32
    %dma_wait3A_669 = tpu.memref_slice %arg5[%mul3A_664, %shift_right_logical3A_660, %dma_wait3A_668] : memref<1024x200x128xf32, #tpu.memory_space<hbm>> -> memref<128x1x128xf32, #tpu.memory_space<hbm>>
    %dma_wait3A_670 = tpu.memref_squeeze %dma_wait3A_669 : memref<128x1x128xf32, #tpu.memory_space<hbm>> -> memref<128x128xf32, #tpu.memory_space<hbm>>
    tpu.wait_dma2 semaphore(%arg17 : memref<!tpu.dma_semaphore, #tpu.memory_space<semaphore_mem>>) src(%arg8 : memref<128x128xf32, #tpu.memory_space<vmem>>) dst(%dma_wait3A_670 : memref<128x128xf32, #tpu.memory_space<hbm>>)
    %add3A_671 = arith.constant 49 : i32
    %add3A_672 = arith.addi %mul3A_2, %add3A_671 : i32
    %shift_right_logical3A_673 = arith.constant 3 : i32
    %shift_right_logical3A_674 = arith.shrui %add3A_672, %shift_right_logical3A_673 : i32
    %and3A_675 = arith.constant 7 : i32
    %and3A_676 = arith.andi %add3A_672, %and3A_675 : i32
    %mul3A_677 = arith.constant 128 : i32
    %mul3A_678 = arith.muli %and3A_676, %mul3A_677 : i32
    %dma_wait3A_679 = arith.constant 0 : i32
    %dma_wait3A_680 = tpu.memref_slice %arg5[%mul3A_678, %shift_right_logical3A_674, %dma_wait3A_679] : memref<1024x200x128xf32, #tpu.memory_space<hbm>> -> memref<128x1x128xf32, #tpu.memory_space<hbm>>
    %dma_wait3A_681 = tpu.memref_squeeze %dma_wait3A_680 : memref<128x1x128xf32, #tpu.memory_space<hbm>> -> memref<128x128xf32, #tpu.memory_space<hbm>>
    %dma_wait3A_682 = arith.constant 0 : i32
    %dma_wait3A_683 = tpu.memref_slice %arg5[%mul3A_678, %shift_right_logical3A_674, %dma_wait3A_682] : memref<1024x200x128xf32, #tpu.memory_space<hbm>> -> memref<128x1x128xf32, #tpu.memory_space<hbm>>
    %dma_wait3A_684 = tpu.memref_squeeze %dma_wait3A_683 : memref<128x1x128xf32, #tpu.memory_space<hbm>> -> memref<128x128xf32, #tpu.memory_space<hbm>>
    tpu.wait_dma2 semaphore(%arg18 : memref<!tpu.dma_semaphore, #tpu.memory_space<semaphore_mem>>) src(%arg9 : memref<128x128xf32, #tpu.memory_space<vmem>>) dst(%dma_wait3A_684 : memref<128x128xf32, #tpu.memory_space<hbm>>)
    return
  }
}

</mosaic_0001>

<sc_bundles>
// kernel: kernel.3.cloned.1.call-start
scs
__scs_entry_jumppad:
0x0: {  	(pc) =	sbr.rel $0x88, $3  }
0x1: {  	(tag) =	ssettag $0x0;
	lr =	simm.s32 $0x1  }
0x2: {  	[smem:$0x3F9F] =	sst lr;
	_ =	strace $0xD0000000  }
0x3: {  	_ = 	snop  }
0x4: {  	_ = 	snop  }
0x5: {  	_ = 	snop  }
0x6: {  	_ = 	snop  }
0x7: {  	_ = 	snop  }
__scs_overlays_trampoline_lowered:
0x8: {  	[smem:$0x3FAE] =	sst s0  }
0x9: {  	[smem:$0x3FAF] =	sst s1  }
0xa: {  	[smem:$0x3FB0] =	sst s2  }
0xb: {  	[smem:$0x3FB1] =	sst s3  }
0xc: {  	[smem:$0x3FB2] =	sst s4  }
0xd: {  	[smem:$0x3FB3] =	sst s5  }
0xe: {  	[smem:$0x3FB4] =	sst s6  }
0xf: {  	[smem:$0x3FB5] =	sst s7  }
0x10: {  	[smem:$0x3FB6] =	sst s8  }
0x11: {  	[smem:$0x3FB7] =	sst s9;
	s0 =	simm.s32 @!p0 $0x0  }
0x12: {  	s1 =	sld [smem:$0x3F9D];
	s0 =	simm.s32 @p0 $0x1  }
0x13: {  	[smem:$0x3FB8] =	sst s0;
	s0 =	simm.s32 @!p1 $0x0  }
0x14: {  	s2 =	sld [smem:$0x3F9C];
	s0 =	simm.s32 @p1 $0x1  }
0x15: {  	[smem:$0x3FB9] =	sst s0;
	s0 =	simm.s32 @!p2 $0x0  }
0x16: {  	s3 =	sld [smem:$0x3FDB];
	s0 =	simm.s32 @p2 $0x1  }
0x17: {  	s4 =	simm.s32 $0x1BF5;
	[smem:$0x3FBB] =	sst s0  }
0x18: {  	s0 =	sld [smem:$0x3F9E];
	_ =	swait.ge [sflag:s4], $0x0  }
0x19: {  	s7 =	sld [smem:$0x3F9F]  }
0x1a: {  	s8 =	sadd.s32 $0xFFFFE003, lr  }
0x1b: {  	s9 =	sadd.s32 $0xFFFFFEF7, lr;
	s5 =	simm.s32 $0xFFFFFFFF;
	p2 =	slt.u32 s8, $0xFFFFF086  }
0x1c: {  	p1 =	slt.u32 s9, $0xF7A;
	s5 =	simm.s32 @!p2 $0x0  }
0x1d: {  	s5 =	simm.s32 @p1 $0x1;
	p0 =	seq.s32 s7, s2  }
0x1e: {  	s7 =	smul.u32 @!p0 $0xF7A, s2;
	p2 =	seq.s32 @!p0 s5, $0x0  }
0x1f: {  	s9 =	smul.u32 $0xF7A, s1;
	s8 =	simm.s32 @!p0 $0x1BF5;
	p2 =	por !p2, p0  }
0x20: {  	[sflag:s8] =	ssyncset.s32 @!p0 $0xFFFFF086;
	s6 =	sadd.s32 @!p0 s3, s7;
	s7 =	simm.s32 @!p0 $0x108  }
0x21: {  	s3 =	sadd.s32 s3, s9;
	s6 =	sadd.s32 @!p0 $0x88, s6;
	s7 =	simm.s32 @p2 $0x1082  }
0x22: {  	[simem:s7], [sflag:s8] =	dma.local @!p0 [hbm:s6], $0xF7A  }
0x23: {  	s9 =	sor.u32 $0xD0000000, s2;
	s6 =	simm.s32 $0x108;
	_ =	swait.ge @!p0 [sflag:s8], $0x0  }
0x24: {  	s3 =	sadd.s32 $0x88, s3;
	s6 =	simm.s32 @!p1 $0x1082;
	[sflag:s4] =	ssyncset.s32 $0xFFFFF086  }
0x25: {  	[simem:s6], [sflag:s4] =	dma.local [hbm:s3], $0xF7A  }
0x26: {  	[smem:$0x3F9F] =	sst s1;
	(tag) =	ssettag s2;
	_ =	strace s9  }
0x27: {  	s1 =	sld [smem:$0x3FAF]  }
0x28: {  	s2 =	sld [smem:$0x3FB0]  }
0x29: {  	s4 =	sld [smem:$0x3FB2]  }
0x2a: {  	p0 =	seq.s32 s5, $0x0;
	s5 =	sld [smem:$0x3FB3]  }
0x2b: {  	s6 =	sld [smem:$0x3FB4]  }
0x2c: {  	s7 =	sld [smem:$0x3FB5]  }
0x2d: {  	s3 =	simm.s32 $0x108;
	s8 =	sld [smem:$0x3FB6]  }
0x2e: {  	s3 =	simm.s32 @!p0 $0x1082;
	s9 =	sld [smem:$0x3FB7]  }
0x2f: {  	lr =	sadd.s32 s0, s3;
	s0 =	sld [smem:$0x3FAE]  }
0x30: {  	s3 =	sld [smem:$0x3FB1]  }
0x31: {  	[smem:$0x3FBA] =	sst s10  }
0x32: {  	s10 =	sld [smem:$0x3FB8];
	_ =	sdelay $0x3  }
0x33: {  	p0 =	seq.s32 s10, $0x1;
	s10 =	sld [smem:$0x3FBA];
	_ =	sdelay $0x3  }
0x34: {  	[smem:$0x3FBA] =	sst s10  }
0x35: {  	s10 =	sld [smem:$0x3FB9];
	_ =	sdelay $0x3  }
0x36: {  	p1 =	seq.s32 s10, $0x1;
	s10 =	sld [smem:$0x3FBA];
	_ =	sdelay $0x3  }
0x37: {  	[smem:$0x3FBA] =	sst s10  }
0x38: {  	s10 =	sld [smem:$0x3FBB]  }
0x39: {  	_ = 	snop;
	(pc) =	sbr.ind lr, $3  }
0x3a: {  	_ = 	snop  }
0x3b: {  	_ = 	snop  }
0x3c: {  	p2 =	seq.s32 s10, $0x1;
	s10 =	sld [smem:$0x3FBA]  }
0x3d: {  	_ =	shalt  }
0x3e: {  	_ =	shalt  }
0x3f: {  	_ =	shalt  }
0x40: {  	_ =	shalt  }
0x41: {  	_ =	shalt  }
0x42: {  	_ =	shalt  }
0x43: {  	_ =	shalt  }
0x44: {  	_ =	shalt  }
0x45: {  	_ =	shalt  }
0x46: {  	_ =	shalt  }
0x47: {  	_ =	shalt  }
0x48: {  	_ =	shalt  }
0x49: {  	_ =	shalt  }
0x4a: {  	_ =	shalt  }
0x4b: {  	_ =	shalt  }
0x4c: {  	_ =	shalt  }
0x4d: {  	_ =	shalt  }
0x4e: {  	_ =	shalt  }
0x4f: {  	_ =	shalt  }
0x50: {  	_ =	shalt  }
0x51: {  	_ =	shalt  }
0x52: {  	_ =	shalt  }
0x53: {  	_ =	shalt  }
0x54: {  	_ =	shalt  }
0x55: {  	_ =	shalt  }
0x56: {  	_ =	shalt  }
0x57: {  	_ =	shalt  }
0x58: {  	_ =	shalt  }
0x59: {  	_ =	shalt  }
0x5a: {  	_ =	shalt  }
0x5b: {  	_ =	shalt  }
0x5c: {  	_ =	shalt  }
0x5d: {  	_ =	shalt  }
0x5e: {  	_ =	shalt  }
0x5f: {  	_ =	shalt  }
0x60: {  	_ =	shalt  }
0x61: {  	_ =	shalt  }
0x62: {  	_ =	shalt  }
0x63: {  	_ =	shalt  }
0x64: {  	_ =	shalt  }
0x65: {  	_ =	shalt  }
0x66: {  	_ =	shalt  }
0x67: {  	_ =	shalt  }
0x68: {  	_ =	shalt  }
0x69: {  	_ =	shalt  }
0x6a: {  	_ =	shalt  }
0x6b: {  	_ =	shalt  }
0x6c: {  	_ =	shalt  }
0x6d: {  	_ =	shalt  }
0x6e: {  	_ =	shalt  }
0x6f: {  	_ =	shalt  }
0x70: {  	_ =	shalt  }
0x71: {  	_ =	shalt  }
0x72: {  	_ =	shalt  }
0x73: {  	_ =	shalt  }
0x74: {  	_ =	shalt  }
0x75: {  	_ =	shalt  }
0x76: {  	_ =	shalt  }
0x77: {  	_ =	shalt  }
0x78: {  	_ =	shalt  }
0x79: {  	_ =	shalt  }
0x7a: {  	_ =	shalt  }
0x7b: {  	_ =	shalt  }
0x7c: {  	_ =	shalt  }
0x7d: {  	_ =	shalt  }
0x7e: {  	_ =	shalt  }
0x7f: {  	_ =	shalt  }
0x80: {  	_ =	shalt  }
0x81: {  	_ =	shalt  }
0x82: {  	_ =	shalt  }
0x83: {  	_ =	shalt  }
0x84: {  	_ =	shalt  }
0x85: {  	_ =	shalt  }
0x86: {  	_ =	shalt  }
0x87: {  	_ =	shalt  }
.Lfunc_end0:
.L_simem_size_0:
called_computation_lowered:
.L_overlay_start_0:
0x88: {  	s2 =	sld [smem:$0x3FD9]  }
0x89: {  	s3 =	sld [smem:$0x3FFE];
	_ =	sdelay $0x1  }
0x8a: {  	s1 =	srdreg.scid  }
0x8b: {  	s0 =	sand.u32 $0x1, s1  }
0x8c: {  	s17 =	sshll.u32 s0, $0xA;
	s2 =	sadd.s32 s3, s2  }
0x8d: {  	s2 =	sadd.s32 s2, s17  }
0x8e: {  	[smem:$0x3FC6] =	sst s2  }
0x8f: {  	_ = 	snop  }
0x90: {  	s2 =	sld [smem:$0x3FC8]  }
0x91: {  	s18 =	sld [smem:$0x3FD0];
	(tm) =	ssettm $0x1  }
0x92: {  	s4 =	sld [smem:$0x3FFB];
	_ =	sdelay $0x3  }
0x93: {  	_ =	strace s4  }
0x94: {  	s4 =	sld [smem:$0x3FFC];
	_ =	sdelay $0x3  }
0x95: {  	_ =	strace s4  }
0x96: {  	s4 =	sld [smem:$0x3FFD];
	_ =	sdelay $0x3  }
0x97: {  	_ =	strace s4  }
0x98: {  	_ =	strace $0x8FFFFFFF  }
0x99: {  	s19 =	sld [smem:$0x3FDB];
	_ =	sdelay $0x1  }
0x9a: {  	s5 =	simm.s32 $_scs_section_size  }
0x9b: {  	s6 =	simm.s32 $_size__tile_overlayer_lowered;
	s7 =	simm.s32 $_tile_overlayer_lowered  }
0x9c: {  	s22 =	simm.s32 $0x1BFF;
	s21 =	sshll.u32 s7, $0x1;
	s4 =	sadd.s32 s5, s19  }
0x9d: {  	s8 =	simm.s32 $0x0;
	s20 =	sshll.u32 s6, $0x1;
	s6 =	sadd.s32 s21, s4  }
0x9e: {  	[timem:s8], [sflag:s22] =	dma.local [hbm:s6], s20  }
0x9f: {  	_ =	swait.ge [sflag:s22], s20  }
0xa0: {  	s5 =	ssub.s32 $0x0, s20;
	[sflag:s22] =	ssyncset.done $0x0  }
0xa1: {  	[sflag:s22] =	ssyncadd.s32 s5;
	_ =	sdelay $0x1  }
0xa2: {  	s23 =	simm.s32 $0x1B8B  }
0xa3: {  	_ =	swait.ge [sflag:s23], $0x1  }
0xa4: {  	[sflag:s23] =	ssyncset.done $0x0  }
0xa5: {  	s25 =	simm.s32 $0x1B8E;
	s24 =	sld [smem:$0x3FFE];
	[sflag:s23] =	ssyncadd.s32 $0xFFFFFFFF  }
0xa6: {  	s26 =	simm.s32 $execute0_lowered;
	[smem:$0x3FD2] =	sst s25  }
0xa7: {  	s6 =	sshll.u32 s26, $0x1;
	_ =	strace $0x80000046;
	[dreg:$0x1] =	wrdreg $0xFFFFFFFF  }
0xa8: {  	s28 =	simm.s32 $_size_execute0_lowered;
	s4 =	sadd.s32 s4, s6;
	[dreg:$0x0] =	wrdreg $0x0  }
0xa9: {  	s6 =	sshll.u32 s28, $0x1;
	[dreg:$0x2] =	wrdreg s4  }
0xaa: {  	[dreg:$0x3] =	wrdreg s6  }
0xab: {  	[dreg:$0x4] =	wrdreg $0xC0  }
0xac: {  	_ =	task [dreg:s8], $0x5FFFF  }
0xad: {  	[dreg:$0x1] =	wrdreg $0xFFFFFFFF  }
0xae: {  	[dreg:$0x0] =	wrdreg $0x60  }
0xaf: {  	[dreg:$0x2] =	wrdreg s24  }
0xb0: {  	[dreg:$0x3] =	wrdreg s2  }
0xb1: {  	[dreg:$0x4] =	wrdreg s18  }
0xb2: {  	[dreg:$0x5] =	wrdreg $0x148000  }
0xb3: {  	[dreg:$0x6] =	wrdreg $0x9  }
0xb4: {  	_ =	task.clear_ibuf [dreg:s8], $0x7FFFF;
	_ =	strace $0x90000046  }
0xb5: {  	s29 =	simm.s32 $0x9;
	_ =	strace $0x80000048  }
0xb6: {  	_ =	swait.ge [sflag:s29], $0x1  }
0xb7: {  	[sflag:s29] =	ssyncadd.s32 $0xFFFFFFFF  }
0xb8: {  	_ =	strace $0x90000048  }
0xb9: {  	_ =	sfence  }
0xba: {  	s30 =	sld [smem:$0x0];
	_ =	sdelay $0x2  }
0xbb: {  	s31 =	sshll.u32 s1, $0xD;
	s1 =	sshrl.u32 s1, $0x2  }
0xbc: {  	s3 =	sand.u32 $0x4000, s31;
	s1 =	sadd.s32 s1, s30  }
0xbd: {  	s0 =	sor.u32 s3, s0;
	s1 =	sshll.u32 s1, $0x11  }
0xbe: {  	s0 =	sor.u32 s1, s0  }
0xbf: {  	s0 =	sadd.s32 $0x8F2B, s0  }
0xc0: {  	[sflag:s0] =	ssyncadd.remote.s32 $0x1  }
0xc1: {  	_ =	sfence.sel $0xFFFF  }
0xc2: {  	[dreg:$0x0] =	wrdreg $0xFFFFFFFF;
	(pc) =	sbr.abs _section_cstart, $3  }
0xc3: {  	[dreg:$0x1] =	wrdreg $0xFFFFFFFF  }
0xc4: {  	_ =	task.clear_ibuf [dreg:s8], $0x2FFFF;
	_ =	strace $0x9FFFFFFF  }
0xc5: {  	(tm) =	ssettm $0x7FFFFFFF  }
tec
execute0_lowered:
.L_overlay_start_1:
0x0: {  	(tag) =	ssettag $0x1  }
0x1: {  	s0 =	srdreg.scid;
	s3 =	stileid.u32  }
0x2: {  	s5 =	rddreg [dreg:$0x0];
	s2 =	sand.u32 $0x1, s0;
	s21 =	sshll.u32 s3, $0x1  }
0x3: {  	s8 =	simm.s32 $0x0;
	s6 =	sor.u32 s2, s21;
	s2 =	ssub.s32 $0x2, s2  }
0x4: {  	[smem:$0x7FF] =	sst s8;
	s0 =	smul.u32 $0x32, s6;
	s9 =	sshrl.u32 s2, $0x1  }
0x5: {  	p0 =	sne.s32 s3, $0x0;
	s6 =	sshll.u32 s6, $0x8;
	s2 =	ssub.s32 s2, s9  }
0x6: {  	s9 =	sand.u32 $0x300, s6;
	s7 =	sshrl.u32 s0, $0x3;
	s25 =	sadd.s32 $0x2E, s0  }
0x7: {  	s26 =	sadd.s32 $0x2C, s0;
	s15 =	sadd.s32 $0x2F, s0;
	s16 =	sadd.s32 $0x2D, s0  }
0x8: {  	s2 =	smax.u32 s2, $0x1;
	s29 =	sadd.s32 $0x4, s0;
	s30 =	sadd.s32 $0x5, s0  }
0x9: {  	s1 =	sand.u32 $0xF8, s7;
	s10 =	sshrl.u32 s25, $0x3;
	s11 =	sshll.u32 s25, $0x7  }
0xa: {  	s12 =	sshll.u32 s26, $0x7;
	s28 =	sshrl.u32 s15, $0x3;
	s15 =	sshll.u32 s15, $0x7  }
0xb: {  	s18 =	sshll.u32 s16, $0x7;
	s16 =	sshrl.u32 s16, $0x3;
	s1 =	smin.u32 s1, $0xB8  }
0xc: {  	s11 =	sand.u32 $0x300, s11;
	s12 =	sand.u32 $0x300, s12;
	s15 =	sand.u32 $0x380, s15  }
0xd: {  	s18 =	sand.u32 $0x380, s18;
	s31 =	sshll.u32 s16, $0x7;
	s4 =	sshll.u32 s1, $0x7  }
0xe: {  	s22 =	sshll.u32 s1, $0x4;
	s23 =	ssub.s32 s7, s1;
	s12 =	smul.u32 $0x6400, s12  }
0xf: {  	s6 =	ssub.s32 s10, s1;
	s7 =	sadd.s32 $0x6, s7;
	s18 =	smul.u32 $0x6400, s18  }
0x10: {  	s10 =	sshll.u32 s10, $0x7;
	s4 =	sadd.s32 s4, s5;
	s5 =	sadd.s32 s22, s5  }
0x11: {  	s8 =	sshll.u32 s23, $0xC;
	s13 =	sshll.u32 s6, $0xC;
	s19 =	ssub.s32 s7, s1  }
0x12: {  	s23 =	sadd.s32 $0x31, s0;
	s7 =	sshll.u32 s7, $0x7;
	s24 =	sshra.s32 s8, $0x2  }
0x13: {  	s8 =	sshrl.u32 s26, $0x3;
	s13 =	sshra.s32 s13, $0x2;
	s20 =	sshll.u32 s19, $0xC  }
0x14: {  	s19 =	sshll.u32 s19, $0x9;
	s22 =	sor.u32 s9, s24;
	s14 =	sshll.u32 s8, $0x7  }
0x15: {  	s13 =	sor.u32 s11, s13;
	s21 =	sshra.s32 s20, $0x2;
	s11 =	smul.u32 $0x6400, s11  }
0x16: {  	s24 =	sshrl.u32 s23, $0x3;
	s12 =	sadd.s32 s14, s12;
	s14 =	ssub.s32 s28, s1  }
0x17: {  	[dreg:$0x6] =	wrdreg s13;
	s20 =	ssub.s32 s24, s1;
	s17 =	sshll.u32 s14, $0xC  }
0x18: {  	s13 =	sshll.u32 s28, $0x7;
	s10 =	sadd.s32 s10, s11;
	s17 =	sshra.s32 s17, $0x2  }
0x19: {  	s25 =	sshll.u32 s20, $0xC;
	s11 =	rddreg [dreg:$0x3];
	s17 =	sor.u32 s15, s17  }
0x1a: {  	s10 =	sshrl.u32 s10, $0x3;
	s15 =	smul.u32 $0x6400, s15;
	[dreg:$0x7] =	wrdreg s17  }
0x1b: {  	s17 =	sadd.s32 s31, s18;
	s18 =	sor.u32 s9, s21;
	s21 =	smul.u32 $0x6400, s9  }
0x1c: {  	s9 =	rddreg [dreg:$0x2];
	s31 =	sshll.u32 s24, $0x7;
	s24 =	sadd.s32 $0x6800, s5  }
0x1d: {  	[dreg:$0x8] =	wrdreg s18;
	s18 =	sshll.u32 s23, $0x7;
	s13 =	sadd.s32 s13, s15  }
0x1e: {  	s15 =	sshra.s32 s25, $0x2;
	s23 =	sadd.s32 $0x400, s4;
	s25 =	ssub.s32 s8, s1  }
0x1f: {  	s5 =	sshrl.u32 s17, $0x3;
	s8 =	sshll.u32 s6, $0x9;
	s17 =	sshll.u32 s14, $0x9  }
0x20: {  	s6 =	simm.s32 $0x6400;
	s18 =	sand.u32 $0x380, s18;
	s7 =	sadd.s32 s21, s7  }
0x21: {  	s3 =	sshll.u32 s25, $0x9;
	s25 =	sshll.u32 s20, $0x9;
	s26 =	sor.u32 s18, s15  }
0x22: {  	s28 =	smul.u32 $0x6400, s18;
	s3 =	sshra.s32 s3, $0x2;
	[dreg:$0x9] =	wrdreg s26  }
0x23: {  	s18 =	sshrl.u32 s13, $0x3;
	_ =	strace $0x80000047;
	[dreg:$0xa] =	wrdreg s23  }
0x24: {  	s13 =	simm.s32 $0x5;
	s26 =	ssub.s32 s16, s1;
	[dreg:$0xb] =	wrdreg s24  }
0x25: {  	s16 =	sadd.s32 s9, s10;
	s21 =	sadd.s32 s9, s18;
	[dreg:$0xc] =	wrdreg s3  }
0x26: {  	s10 =	simm.s32 $0x4800;
	s15 =	sadd.s32 s31, s28;
	[dreg:$0x11] =	wrdreg s16  }
0x27: {  	s28 =	sshrl.u32 s12, $0x3;
	s4 =	sshll.u32 s26, $0x9;
	[dreg:$0x13] =	wrdreg s21  }
0x28: {  	s3 =	sadd.s32 s9, s5;
	s12 =	sshra.s32 s8, $0x2;
	[dreg:$0x17] =	wrdreg s2  }
0x29: {  	s23 =	sshra.s32 s19, $0x2;
	s24 =	sshrl.u32 s7, $0x3;
	[dreg:$0x5] =	wrdreg s22  }
0x2a: {  	s7 =	simm.s32 $0x80;
	s2 =	simm.s32 $0x8800;
	[dreg:$0xf] =	wrdreg s3  }
0x2b: {  	s5 =	simm.s32 $0xC800;
	s8 =	simm.s32 $0x10800;
	[dreg:$0x10] =	wrdreg s12  }
0x2c: {  	s16 =	simm.s32 $0x0;
	s31 =	sadd.s32 s9, s28;
	[dreg:$0x14] =	wrdreg s23  }
0x2d: {  	s4 =	sshra.s32 s4, $0x2;
	s3 =	sshra.s32 s17, $0x2;
	[dreg:$0xd] =	wrdreg s31  }
0x2e: {  	s26 =	sshrl.u32 s15, $0x3;
	s12 =	simm.s32 $0x3;
	[dreg:$0xe] =	wrdreg s4  }
0x2f: {  	s15 =	simm.s32 $0x4;
	[dreg:$0x12] =	wrdreg s3;
	s3 =	sadd.s32 s9, s24  }
0x30: {  	s17 =	simm.s32 $0x6;
	s28 =	sadd.s32 s9, s26;
	[dreg:$0x15] =	wrdreg s3  }
0x31: {  	s24 =	sshra.s32 s25, $0x2;
	s31 =	sor.u32 $0x80, s22;
	[dreg:$0x16] =	wrdreg s28  }
0x32: {  	s4 =	simm.s32 $0x1;
	[dreg:$0x18] =	wrdreg s31;
	s3 =	simm.s32 $0x2  }
.LBB2_1:
0x33: {  	[dreg:$0x19] =	wrdreg s16  }
0x34: {  	s14 =	sshrl.u32 @!p0 s11, $0x3;
	s16 =	simm.s32 @!p0 $0x1C09;
	s18 =	rddreg [dreg:$0x1]  }
0x35: {  	[spmem:s14], [sflag:s16] =	dma.local @!p0 [hbm:s18], $0x3E80  }
0x36: {  	s14 =	simm.s32 @!p0 $0x9  }
0x37: {  	_ =	swait.ge @!p0 [sflag:s14], $0x3E80  }
0x38: {  	s22 =	simm.s32 $0x0;
	[sflag:s14] =	ssyncset.done @!p0 $0x0  }
0x39: {  	s25 =	simm.s32 $0x9;
	s23 =	rddreg [dreg:$0xa];
	[sflag:s14] =	ssyncadd.s32 @!p0 $0xFFFFC180  }
0x3a: {  	[tilespmem:s22], [sflag:$0x9] =	stream.linear.gather [hbm4b:s23+s22], $0x4000, $0x38;
	[tilespmem:$0x16740] =	vst v63  }
0x3b: {  	_ =	swait.ge [sflag:s25], $0x4000  }
0x3c: {  	[sflag:s25] =	ssyncset.done $0x0  }
0x3d: {  	s19 =	simm.s32 $0x4000;
	s26 =	rddreg [dreg:$0xb];
	[sflag:s25] =	ssyncadd.s32 $0xFFFFC000  }
0x3e: {  	[tilespmem:s19], [sflag:$0x9] =	stream.linear.gather [hbm4b:s26+s22], $0x800, $0x38;
	[tilespmem:$0x16740] =	vst v63  }
0x3f: {  	_ =	swait.ge [sflag:s25], $0x800  }
0x40: {  	[sflag:s25] =	ssyncset.done $0x0  }
0x41: {  	[sflag:s25] =	ssyncadd.s32 $0xFFFFF800  }
0x42: {  	[bflag:$0x0] =	sbarrier.arrive $0xFFFF  }
0x43: {  	s28 =	rddreg [dreg:$0x5]  }
0x44: {  	[tilespmem:s10], [sflag:$0x1] =	stream.indirect.gather [spmem:s11], $0x80, s28, s7, $0xb8;
	[tilespmem:$0x16740] =	vst v63  }
0x45: {  	s25 =	simm.s32 $0x0;
	s31 =	rddreg [dreg:$0x18]  }
0x46: {  	[tilespmem:s2], [sflag:$0x2] =	stream.indirect.gather [spmem:s11], $0x80, s31, s7, $0xb8;
	[tilespmem:$0x16740] =	vst v63  }
.LBB2_2:
0x47: {  	s26 =	sshll.u32 s25, $0x2  }
0x48: {  	s14 =	sadd.s32 s0, s26  }
0x49: {  	_ =	swait.ge [sflag:s4], $0x4000;
	p1 =	seq.s32 s25, $0x0;
	s16 =	sadd.s32 $0x2, s14  }
0x4a: {  	[sflag:s4] =	ssyncset.done $0x0;
	s18 =	simm.s32 @!p1 $0x7;
	s28 =	sshrl.u32 s16, $0x3  }
0x4b: {  	[sflag:s4] =	ssyncadd.s32 $0xFFFFC000;
	s21 =	sshrl.u32 s14, $0x3;
	s23 =	ssub.s32 s28, s1  }
0x4c: {  	_ =	swait.ge @!p1 [sflag:s18], $0x4000;
	s16 =	sshll.u32 s16, $0x7;
	s20 =	sshll.u32 s23, $0xC  }
0x4d: {  	[sflag:s18] =	ssyncset.done @!p1 $0x0;
	s19 =	sand.u32 $0x300, s16;
	s22 =	sshra.s32 s20, $0x2  }
0x4e: {  	s31 =	ssub.s32 s21, s1;
	[sflag:s18] =	ssyncadd.s32 @!p1 $0xFFFFC000;
	s16 =	sor.u32 s19, s22  }
0x4f: {  	[tilespmem:s5], [sflag:$0x3] =	stream.indirect.gather [spmem:s11], $0x80, s16, s7, $0xb8;
	[tilespmem:$0x16740] =	vst v63  }
0x50: {  	s16 =	sshll.u32 s31, $0x9  }
0x51: {  	s16 =	sshra.s32 s16, $0x2  }
0x52: {  	v1 =	vld [tilespmem:s16+$0x4000]  }
0x53: {  	v0 =	vld [tilespmem:s16+$0x4010]  }
0x54: {  	v2 =	vld [tilespmem:s16+$0x4020]  }
0x55: {  	v3 =	vld [tilespmem:s16+$0x4030]  }
0x56: {  	v4 =	vld [tilespmem:s16+$0x4070]  }
0x57: {  	v5 =	vld [tilespmem:s16+$0x4060]  }
0x58: {  	v6 =	vld [tilespmem:s16+$0x4050]  }
0x59: {  	v7 =	vld [tilespmem:s16+$0x4040];
	s16 =	simm.s32 $0x4800  }
0x5a: {  	[tilespmem:s16+$0x0] =	vst.add.f32.msk $0xffff, v1  }
0x5b: {  	[tilespmem:s16+$0x1F0] =	vst.add.f32.msk $0xffff, v4  }
0x5c: {  	[tilespmem:s16+$0x1E0] =	vst.add.f32.msk $0xffff, v5  }
0x5d: {  	[tilespmem:s16+$0x1D0] =	vst.add.f32.msk $0xffff, v6  }
0x5e: {  	[tilespmem:s16+$0x1C0] =	vst.add.f32.msk $0xffff, v7  }
0x5f: {  	[tilespmem:s16+$0x1B0] =	vst.add.f32.msk $0xffff, v3  }
0x60: {  	[tilespmem:s16+$0x1A0] =	vst.add.f32.msk $0xffff, v2  }
0x61: {  	[tilespmem:s16+$0x190] =	vst.add.f32.msk $0xffff, v0  }
0x62: {  	[tilespmem:s16+$0x180] =	vst.add.f32.msk $0xffff, v1  }
0x63: {  	[tilespmem:s16+$0x170] =	vst.add.f32.msk $0xffff, v4  }
0x64: {  	[tilespmem:s16+$0x160] =	vst.add.f32.msk $0xffff, v5  }
0x65: {  	[tilespmem:s16+$0x150] =	vst.add.f32.msk $0xffff, v6  }
0x66: {  	[tilespmem:s16+$0x140] =	vst.add.f32.msk $0xffff, v7  }
0x67: {  	[tilespmem:s16+$0x130] =	vst.add.f32.msk $0xffff, v3  }
0x68: {  	[tilespmem:s16+$0x120] =	vst.add.f32.msk $0xffff, v2  }
0x69: {  	[tilespmem:s16+$0x110] =	vst.add.f32.msk $0xffff, v0  }
0x6a: {  	[tilespmem:s16+$0x100] =	vst.add.f32.msk $0xffff, v1  }
0x6b: {  	[tilespmem:s16+$0xF0] =	vst.add.f32.msk $0xffff, v4  }
0x6c: {  	[tilespmem:s16+$0xE0] =	vst.add.f32.msk $0xffff, v5  }
0x6d: {  	[tilespmem:s16+$0xD0] =	vst.add.f32.msk $0xffff, v6  }
0x6e: {  	[tilespmem:s16+$0xC0] =	vst.add.f32.msk $0xffff, v7  }
0x6f: {  	[tilespmem:s16+$0xB0] =	vst.add.f32.msk $0xffff, v3  }
0x70: {  	[tilespmem:s16+$0xA0] =	vst.add.f32.msk $0xffff, v2  }
0x71: {  	[tilespmem:s16+$0x90] =	vst.add.f32.msk $0xffff, v0  }
0x72: {  	[tilespmem:s16+$0x80] =	vst.add.f32.msk $0xffff, v1  }
0x73: {  	[tilespmem:s16+$0x70] =	vst.add.f32.msk $0xffff, v4  }
0x74: {  	[tilespmem:s16+$0x60] =	vst.add.f32.msk $0xffff, v5  }
0x75: {  	[tilespmem:s16+$0x50] =	vst.add.f32.msk $0xffff, v6  }
0x76: {  	[tilespmem:s16+$0x40] =	vst.add.f32.msk $0xffff, v7  }
0x77: {  	[tilespmem:s16+$0x30] =	vst.add.f32.msk $0xffff, v3  }
0x78: {  	s18 =	simm.s32 $0x0;
	[tilespmem:s16+$0x20] =	vst.add.f32.msk $0xffff, v2  }
.LBB2_3:
0x79: {  	s18 =	sadd.s32 $0x4, s18;
	[tilespmem:s16+$0x10] =	vst.add.f32.msk $0xffff, v0;
	s16 =	sadd.s32 $0x200, s16  }
0x7a: {  	[tilespmem:s16+$0x0] =	vst.add.f32.msk $0xffff, v1;
	p2 =	slt.u32 s18, $0x7C  }
0x7b: {  	[tilespmem:s16+$0x1F0] =	vst.add.f32.msk $0xffff, v4  }
0x7c: {  	[tilespmem:s16+$0x1E0] =	vst.add.f32.msk $0xffff, v5  }
0x7d: {  	[tilespmem:s16+$0x1D0] =	vst.add.f32.msk $0xffff, v6  }
0x7e: {  	[tilespmem:s16+$0x1C0] =	vst.add.f32.msk $0xffff, v7  }
0x7f: {  	[tilespmem:s16+$0x1B0] =	vst.add.f32.msk $0xffff, v3  }
0x80: {  	[tilespmem:s16+$0x1A0] =	vst.add.f32.msk $0xffff, v2  }
0x81: {  	[tilespmem:s16+$0x190] =	vst.add.f32.msk $0xffff, v0  }
0x82: {  	[tilespmem:s16+$0x180] =	vst.add.f32.msk $0xffff, v1  }
0x83: {  	[tilespmem:s16+$0x170] =	vst.add.f32.msk $0xffff, v4  }
0x84: {  	[tilespmem:s16+$0x160] =	vst.add.f32.msk $0xffff, v5  }
0x85: {  	[tilespmem:s16+$0x150] =	vst.add.f32.msk $0xffff, v6  }
0x86: {  	[tilespmem:s16+$0x140] =	vst.add.f32.msk $0xffff, v7  }
0x87: {  	[tilespmem:s16+$0x130] =	vst.add.f32.msk $0xffff, v3  }
0x88: {  	[tilespmem:s16+$0x120] =	vst.add.f32.msk $0xffff, v2  }
0x89: {  	[tilespmem:s16+$0x110] =	vst.add.f32.msk $0xffff, v0  }
0x8a: {  	[tilespmem:s16+$0x100] =	vst.add.f32.msk $0xffff, v1  }
0x8b: {  	[tilespmem:s16+$0xF0] =	vst.add.f32.msk $0xffff, v4  }
0x8c: {  	[tilespmem:s16+$0xE0] =	vst.add.f32.msk $0xffff, v5  }
0x8d: {  	[tilespmem:s16+$0xD0] =	vst.add.f32.msk $0xffff, v6  }
0x8e: {  	[tilespmem:s16+$0xC0] =	vst.add.f32.msk $0xffff, v7  }
0x8f: {  	[tilespmem:s16+$0xB0] =	vst.add.f32.msk $0xffff, v3  }
0x90: {  	[tilespmem:s16+$0xA0] =	vst.add.f32.msk $0xffff, v2  }
0x91: {  	[tilespmem:s16+$0x90] =	vst.add.f32.msk $0xffff, v0  }
0x92: {  	[tilespmem:s16+$0x80] =	vst.add.f32.msk $0xffff, v1  }
0x93: {  	[tilespmem:s16+$0x70] =	vst.add.f32.msk $0xffff, v4  }
.Ltmp0:
0x94: {  	[tilespmem:s16+$0x60] =	vst.add.f32.msk $0xffff, v5;
	(pc) =	sbr.rel @p2 .LBB2_3-.Ltmp0, $4  }
0x95: {  	[tilespmem:s16+$0x50] =	vst.add.f32.msk $0xffff, v6  }
0x96: {  	[tilespmem:s16+$0x40] =	vst.add.f32.msk $0xffff, v7  }
0x97: {  	[tilespmem:s16+$0x30] =	vst.add.f32.msk $0xffff, v3  }
0x98: {  	[tilespmem:s16+$0x20] =	vst.add.f32.msk $0xffff, v2  }
0x99: {  	s14 =	sshll.u32 s14, $0x7  }
0x9a: {  	s14 =	sand.u32 $0x300, s14  }
0x9b: {  	s14 =	smul.u32 $0x6400, s14  }
0x9c: {  	s18 =	sshll.u32 s21, $0x7  }
0x9d: {  	s14 =	sadd.s32 s18, s14  }
0x9e: {  	s14 =	sshrl.u32 s14, $0x3  }
0x9f: {  	[tilespmem:s16+$0x10] =	vst.add.f32.msk $0xffff, v0;
	s21 =	sadd.s32 s26, s0;
	s14 =	sadd.s32 s9, s14  }
0xa0: {  	[hbm4b:s14+s7] =	stream.strided.scatter [tilespmem:s10], [sflag:$0x5], $0x4000, s6, s7, $0x38;
	[tilespmem:$0x16740] =	vst v63  }
0xa1: {  	s22 =	sadd.s32 $0x3, s21;
	_ =	swait.ge [sflag:s3], $0x4000  }
0xa2: {  	s31 =	sshrl.u32 s22, $0x3;
	s16 =	sshll.u32 s22, $0x7;
	[sflag:s3] =	ssyncset.done $0x0  }
0xa3: {  	s18 =	simm.s32 @!p1 $0x8;
	s14 =	ssub.s32 s31, s1;
	[sflag:s3] =	ssyncadd.s32 $0xFFFFC000  }
0xa4: {  	s22 =	sor.u32 $0x1, s26;
	s20 =	sshll.u32 s14, $0xC;
	_ =	swait.ge @!p1 [sflag:s18], $0x4000  }
0xa5: {  	s21 =	sand.u32 $0x380, s16;
	s20 =	sshra.s32 s20, $0x2;
	[sflag:s18] =	ssyncset.done @!p1 $0x0  }
0xa6: {  	s16 =	sor.u32 s21, s20;
	[sflag:s18] =	ssyncadd.s32 @!p1 $0xFFFFC000;
	s18 =	sadd.s32 s0, s22  }
0xa7: {  	[tilespmem:s8], [sflag:$0x4] =	stream.indirect.gather [spmem:s11], $0x80, s16, s7, $0xb8;
	[tilespmem:$0x16740] =	vst v63  }
0xa8: {  	s16 =	sshrl.u32 s18, $0x3  }
0xa9: {  	s22 =	ssub.s32 s16, s1  }
0xaa: {  	s20 =	sshll.u32 s22, $0x9  }
0xab: {  	s20 =	sshra.s32 s20, $0x2  }
0xac: {  	v1 =	vld [tilespmem:s20+$0x4000]  }
0xad: {  	v0 =	vld [tilespmem:s20+$0x4010]  }
0xae: {  	v2 =	vld [tilespmem:s20+$0x4020]  }
0xaf: {  	v3 =	vld [tilespmem:s20+$0x4030]  }
0xb0: {  	v4 =	vld [tilespmem:s20+$0x4070]  }
0xb1: {  	v5 =	vld [tilespmem:s20+$0x4060]  }
0xb2: {  	v6 =	vld [tilespmem:s20+$0x4050]  }
0xb3: {  	v7 =	vld [tilespmem:s20+$0x4040];
	s20 =	simm.s32 $0x8800  }
0xb4: {  	[tilespmem:s20+$0x0] =	vst.add.f32.msk $0xffff, v1  }
0xb5: {  	[tilespmem:s20+$0x1F0] =	vst.add.f32.msk $0xffff, v4  }
0xb6: {  	[tilespmem:s20+$0x1E0] =	vst.add.f32.msk $0xffff, v5  }
0xb7: {  	[tilespmem:s20+$0x1D0] =	vst.add.f32.msk $0xffff, v6  }
0xb8: {  	[tilespmem:s20+$0x1C0] =	vst.add.f32.msk $0xffff, v7  }
0xb9: {  	[tilespmem:s20+$0x1B0] =	vst.add.f32.msk $0xffff, v3  }
0xba: {  	[tilespmem:s20+$0x1A0] =	vst.add.f32.msk $0xffff, v2  }
0xbb: {  	[tilespmem:s20+$0x190] =	vst.add.f32.msk $0xffff, v0  }
0xbc: {  	[tilespmem:s20+$0x180] =	vst.add.f32.msk $0xffff, v1  }
0xbd: {  	[tilespmem:s20+$0x170] =	vst.add.f32.msk $0xffff, v4  }
0xbe: {  	[tilespmem:s20+$0x160] =	vst.add.f32.msk $0xffff, v5  }
0xbf: {  	[tilespmem:s20+$0x150] =	vst.add.f32.msk $0xffff, v6  }
0xc0: {  	[tilespmem:s20+$0x140] =	vst.add.f32.msk $0xffff, v7  }
0xc1: {  	[tilespmem:s20+$0x130] =	vst.add.f32.msk $0xffff, v3  }
0xc2: {  	[tilespmem:s20+$0x120] =	vst.add.f32.msk $0xffff, v2  }
0xc3: {  	[tilespmem:s20+$0x110] =	vst.add.f32.msk $0xffff, v0  }
0xc4: {  	[tilespmem:s20+$0x100] =	vst.add.f32.msk $0xffff, v1  }
0xc5: {  	[tilespmem:s20+$0xF0] =	vst.add.f32.msk $0xffff, v4  }
0xc6: {  	[tilespmem:s20+$0xE0] =	vst.add.f32.msk $0xffff, v5  }
0xc7: {  	[tilespmem:s20+$0xD0] =	vst.add.f32.msk $0xffff, v6  }
0xc8: {  	[tilespmem:s20+$0xC0] =	vst.add.f32.msk $0xffff, v7  }
0xc9: {  	[tilespmem:s20+$0xB0] =	vst.add.f32.msk $0xffff, v3  }
0xca: {  	[tilespmem:s20+$0xA0] =	vst.add.f32.msk $0xffff, v2  }
0xcb: {  	[tilespmem:s20+$0x90] =	vst.add.f32.msk $0xffff, v0  }
0xcc: {  	[tilespmem:s20+$0x80] =	vst.add.f32.msk $0xffff, v1  }
0xcd: {  	[tilespmem:s20+$0x70] =	vst.add.f32.msk $0xffff, v4  }
0xce: {  	[tilespmem:s20+$0x60] =	vst.add.f32.msk $0xffff, v5  }
0xcf: {  	[tilespmem:s20+$0x50] =	vst.add.f32.msk $0xffff, v6  }
0xd0: {  	[tilespmem:s20+$0x40] =	vst.add.f32.msk $0xffff, v7  }
0xd1: {  	[tilespmem:s20+$0x30] =	vst.add.f32.msk $0xffff, v3  }
0xd2: {  	s22 =	simm.s32 $0x0;
	[tilespmem:s20+$0x20] =	vst.add.f32.msk $0xffff, v2  }
.LBB2_5:
0xd3: {  	s22 =	sadd.s32 $0x4, s22;
	[tilespmem:s20+$0x10] =	vst.add.f32.msk $0xffff, v0;
	s20 =	sadd.s32 $0x200, s20  }
0xd4: {  	[tilespmem:s20+$0x0] =	vst.add.f32.msk $0xffff, v1;
	p1 =	slt.u32 s22, $0x7C  }
0xd5: {  	[tilespmem:s20+$0x1F0] =	vst.add.f32.msk $0xffff, v4  }
0xd6: {  	[tilespmem:s20+$0x1E0] =	vst.add.f32.msk $0xffff, v5  }
0xd7: {  	[tilespmem:s20+$0x1D0] =	vst.add.f32.msk $0xffff, v6  }
0xd8: {  	[tilespmem:s20+$0x1C0] =	vst.add.f32.msk $0xffff, v7  }
0xd9: {  	[tilespmem:s20+$0x1B0] =	vst.add.f32.msk $0xffff, v3  }
0xda: {  	[tilespmem:s20+$0x1A0] =	vst.add.f32.msk $0xffff, v2  }
0xdb: {  	[tilespmem:s20+$0x190] =	vst.add.f32.msk $0xffff, v0  }
0xdc: {  	[tilespmem:s20+$0x180] =	vst.add.f32.msk $0xffff, v1  }
0xdd: {  	[tilespmem:s20+$0x170] =	vst.add.f32.msk $0xffff, v4  }
0xde: {  	[tilespmem:s20+$0x160] =	vst.add.f32.msk $0xffff, v5  }
0xdf: {  	[tilespmem:s20+$0x150] =	vst.add.f32.msk $0xffff, v6  }
0xe0: {  	[tilespmem:s20+$0x140] =	vst.add.f32.msk $0xffff, v7  }
0xe1: {  	[tilespmem:s20+$0x130] =	vst.add.f32.msk $0xffff, v3  }
0xe2: {  	[tilespmem:s20+$0x120] =	vst.add.f32.msk $0xffff, v2  }
0xe3: {  	[tilespmem:s20+$0x110] =	vst.add.f32.msk $0xffff, v0  }
0xe4: {  	[tilespmem:s20+$0x100] =	vst.add.f32.msk $0xffff, v1  }
0xe5: {  	[tilespmem:s20+$0xF0] =	vst.add.f32.msk $0xffff, v4  }
0xe6: {  	[tilespmem:s20+$0xE0] =	vst.add.f32.msk $0xffff, v5  }
0xe7: {  	[tilespmem:s20+$0xD0] =	vst.add.f32.msk $0xffff, v6  }
0xe8: {  	[tilespmem:s20+$0xC0] =	vst.add.f32.msk $0xffff, v7  }
0xe9: {  	[tilespmem:s20+$0xB0] =	vst.add.f32.msk $0xffff, v3  }
0xea: {  	[tilespmem:s20+$0xA0] =	vst.add.f32.msk $0xffff, v2  }
0xeb: {  	[tilespmem:s20+$0x90] =	vst.add.f32.msk $0xffff, v0  }
0xec: {  	[tilespmem:s20+$0x80] =	vst.add.f32.msk $0xffff, v1  }
0xed: {  	[tilespmem:s20+$0x70] =	vst.add.f32.msk $0xffff, v4  }
.Ltmp1:
0xee: {  	[tilespmem:s20+$0x60] =	vst.add.f32.msk $0xffff, v5;
	(pc) =	sbr.rel @p1 .LBB2_5-.Ltmp1, $4  }
0xef: {  	[tilespmem:s20+$0x50] =	vst.add.f32.msk $0xffff, v6  }
0xf0: {  	[tilespmem:s20+$0x40] =	vst.add.f32.msk $0xffff, v7  }
0xf1: {  	[tilespmem:s20+$0x30] =	vst.add.f32.msk $0xffff, v3  }
0xf2: {  	[tilespmem:s20+$0x20] =	vst.add.f32.msk $0xffff, v2  }
0xf3: {  	s18 =	sshll.u32 s18, $0x7  }
0xf4: {  	s18 =	sand.u32 $0x380, s18  }
0xf5: {  	s18 =	smul.u32 $0x6400, s18  }
0xf6: {  	s16 =	sshll.u32 s16, $0x7  }
0xf7: {  	s16 =	sadd.s32 s16, s18  }
0xf8: {  	s16 =	sshrl.u32 s16, $0x3  }
0xf9: {  	[tilespmem:s20+$0x10] =	vst.add.f32.msk $0xffff, v0;
	s16 =	sadd.s32 s9, s16  }
0xfa: {  	[hbm4b:s16+s7] =	stream.strided.scatter [tilespmem:s2], [sflag:$0x6], $0x4000, s6, s7, $0x38;
	[tilespmem:$0x16740] =	vst v63  }
0xfb: {  	s20 =	sadd.s32 s26, s29;
	_ =	swait.ge [sflag:s12], $0x4000  }
0xfc: {  	s22 =	sshrl.u32 s20, $0x3;
	[sflag:s12] =	ssyncset.done $0x0  }
0xfd: {  	s18 =	ssub.s32 s22, s1;
	[sflag:s12] =	ssyncadd.s32 $0xFFFFC000  }
0xfe: {  	s18 =	sshll.u32 s18, $0xC;
	s16 =	sshll.u32 s20, $0x7;
	_ =	swait.ge [sflag:s13], $0x4000  }
0xff: {  	s18 =	sshra.s32 s18, $0x2;
	s16 =	sand.u32 $0x300, s16;
	[sflag:s13] =	ssyncset.done $0x0  }
0x100: {  	s23 =	sshll.u32 s23, $0x9;
	s16 =	sor.u32 s16, s18;
	[sflag:s13] =	ssyncadd.s32 $0xFFFFC000  }
0x101: {  	[tilespmem:s10], [sflag:$0x1] =	stream.indirect.gather [spmem:s11], $0x80, s16, s7, $0xb8;
	[tilespmem:$0x16740] =	vst v63  }
0x102: {  	s16 =	sshra.s32 s23, $0x2  }
0x103: {  	v1 =	vld [tilespmem:s16+$0x4000]  }
0x104: {  	v0 =	vld [tilespmem:s16+$0x4010]  }
0x105: {  	v2 =	vld [tilespmem:s16+$0x4020]  }
0x106: {  	v3 =	vld [tilespmem:s16+$0x4030]  }
0x107: {  	v4 =	vld [tilespmem:s16+$0x4070]  }
0x108: {  	v5 =	vld [tilespmem:s16+$0x4060]  }
0x109: {  	v6 =	vld [tilespmem:s16+$0x4050]  }
0x10a: {  	v7 =	vld [tilespmem:s16+$0x4040];
	s16 =	simm.s32 $0xC800  }
0x10b: {  	[tilespmem:s16+$0x0] =	vst.add.f32.msk $0xffff, v1  }
0x10c: {  	[tilespmem:s16+$0x1F0] =	vst.add.f32.msk $0xffff, v4  }
0x10d: {  	[tilespmem:s16+$0x1E0] =	vst.add.f32.msk $0xffff, v5  }
0x10e: {  	[tilespmem:s16+$0x1D0] =	vst.add.f32.msk $0xffff, v6  }
0x10f: {  	[tilespmem:s16+$0x1C0] =	vst.add.f32.msk $0xffff, v7  }
0x110: {  	[tilespmem:s16+$0x1B0] =	vst.add.f32.msk $0xffff, v3  }
0x111: {  	[tilespmem:s16+$0x1A0] =	vst.add.f32.msk $0xffff, v2  }
0x112: {  	[tilespmem:s16+$0x190] =	vst.add.f32.msk $0xffff, v0  }
0x113: {  	[tilespmem:s16+$0x180] =	vst.add.f32.msk $0xffff, v1  }
0x114: {  	[tilespmem:s16+$0x170] =	vst.add.f32.msk $0xffff, v4  }
0x115: {  	[tilespmem:s16+$0x160] =	vst.add.f32.msk $0xffff, v5  }
0x116: {  	[tilespmem:s16+$0x150] =	vst.add.f32.msk $0xffff, v6  }
0x117: {  	[tilespmem:s16+$0x140] =	vst.add.f32.msk $0xffff, v7  }
0x118: {  	[tilespmem:s16+$0x130] =	vst.add.f32.msk $0xffff, v3  }
0x119: {  	[tilespmem:s16+$0x120] =	vst.add.f32.msk $0xffff, v2  }
0x11a: {  	[tilespmem:s16+$0x110] =	vst.add.f32.msk $0xffff, v0  }
0x11b: {  	[tilespmem:s16+$0x100] =	vst.add.f32.msk $0xffff, v1  }
0x11c: {  	[tilespmem:s16+$0xF0] =	vst.add.f32.msk $0xffff, v4  }
0x11d: {  	[tilespmem:s16+$0xE0] =	vst.add.f32.msk $0xffff, v5  }
0x11e: {  	[tilespmem:s16+$0xD0] =	vst.add.f32.msk $0xffff, v6  }
0x11f: {  	[tilespmem:s16+$0xC0] =	vst.add.f32.msk $0xffff, v7  }
0x120: {  	[tilespmem:s16+$0xB0] =	vst.add.f32.msk $0xffff, v3  }
0x121: {  	[tilespmem:s16+$0xA0] =	vst.add.f32.msk $0xffff, v2  }
0x122: {  	[tilespmem:s16+$0x90] =	vst.add.f32.msk $0xffff, v0  }
0x123: {  	[tilespmem:s16+$0x80] =	vst.add.f32.msk $0xffff, v1  }
0x124: {  	[tilespmem:s16+$0x70] =	vst.add.f32.msk $0xffff, v4  }
0x125: {  	[tilespmem:s16+$0x60] =	vst.add.f32.msk $0xffff, v5  }
0x126: {  	[tilespmem:s16+$0x50] =	vst.add.f32.msk $0xffff, v6  }
0x127: {  	[tilespmem:s16+$0x40] =	vst.add.f32.msk $0xffff, v7  }
0x128: {  	[tilespmem:s16+$0x30] =	vst.add.f32.msk $0xffff, v3  }
0x129: {  	s18 =	simm.s32 $0x0;
	[tilespmem:s16+$0x20] =	vst.add.f32.msk $0xffff, v2  }
.LBB2_7:
0x12a: {  	s18 =	sadd.s32 $0x4, s18;
	[tilespmem:s16+$0x10] =	vst.add.f32.msk $0xffff, v0;
	s16 =	sadd.s32 $0x200, s16  }
0x12b: {  	[tilespmem:s16+$0x0] =	vst.add.f32.msk $0xffff, v1;
	p1 =	slt.u32 s18, $0x7C  }
0x12c: {  	[tilespmem:s16+$0x1F0] =	vst.add.f32.msk $0xffff, v4  }
0x12d: {  	[tilespmem:s16+$0x1E0] =	vst.add.f32.msk $0xffff, v5  }
0x12e: {  	[tilespmem:s16+$0x1D0] =	vst.add.f32.msk $0xffff, v6  }
0x12f: {  	[tilespmem:s16+$0x1C0] =	vst.add.f32.msk $0xffff, v7  }
0x130: {  	[tilespmem:s16+$0x1B0] =	vst.add.f32.msk $0xffff, v3  }
0x131: {  	[tilespmem:s16+$0x1A0] =	vst.add.f32.msk $0xffff, v2  }
0x132: {  	[tilespmem:s16+$0x190] =	vst.add.f32.msk $0xffff, v0  }
0x133: {  	[tilespmem:s16+$0x180] =	vst.add.f32.msk $0xffff, v1  }
0x134: {  	[tilespmem:s16+$0x170] =	vst.add.f32.msk $0xffff, v4  }
0x135: {  	[tilespmem:s16+$0x160] =	vst.add.f32.msk $0xffff, v5  }
0x136: {  	[tilespmem:s16+$0x150] =	vst.add.f32.msk $0xffff, v6  }
0x137: {  	[tilespmem:s16+$0x140] =	vst.add.f32.msk $0xffff, v7  }
0x138: {  	[tilespmem:s16+$0x130] =	vst.add.f32.msk $0xffff, v3  }
0x139: {  	[tilespmem:s16+$0x120] =	vst.add.f32.msk $0xffff, v2  }
0x13a: {  	[tilespmem:s16+$0x110] =	vst.add.f32.msk $0xffff, v0  }
0x13b: {  	[tilespmem:s16+$0x100] =	vst.add.f32.msk $0xffff, v1  }
0x13c: {  	[tilespmem:s16+$0xF0] =	vst.add.f32.msk $0xffff, v4  }
0x13d: {  	[tilespmem:s16+$0xE0] =	vst.add.f32.msk $0xffff, v5  }
0x13e: {  	[tilespmem:s16+$0xD0] =	vst.add.f32.msk $0xffff, v6  }
0x13f: {  	[tilespmem:s16+$0xC0] =	vst.add.f32.msk $0xffff, v7  }
0x140: {  	[tilespmem:s16+$0xB0] =	vst.add.f32.msk $0xffff, v3  }
0x141: {  	[tilespmem:s16+$0xA0] =	vst.add.f32.msk $0xffff, v2  }
0x142: {  	[tilespmem:s16+$0x90] =	vst.add.f32.msk $0xffff, v0  }
0x143: {  	[tilespmem:s16+$0x80] =	vst.add.f32.msk $0xffff, v1  }
0x144: {  	[tilespmem:s16+$0x70] =	vst.add.f32.msk $0xffff, v4  }
.Ltmp2:
0x145: {  	[tilespmem:s16+$0x60] =	vst.add.f32.msk $0xffff, v5;
	(pc) =	sbr.rel @p1 .LBB2_7-.Ltmp2, $4  }
0x146: {  	[tilespmem:s16+$0x50] =	vst.add.f32.msk $0xffff, v6  }
0x147: {  	[tilespmem:s16+$0x40] =	vst.add.f32.msk $0xffff, v7  }
0x148: {  	[tilespmem:s16+$0x30] =	vst.add.f32.msk $0xffff, v3  }
0x149: {  	[tilespmem:s16+$0x20] =	vst.add.f32.msk $0xffff, v2  }
0x14a: {  	s18 =	smul.u32 $0x6400, s19  }
0x14b: {  	s22 =	sshll.u32 s28, $0x7  }
0x14c: {  	s18 =	sadd.s32 s22, s18  }
0x14d: {  	s18 =	sshrl.u32 s18, $0x3  }
0x14e: {  	[tilespmem:s16+$0x10] =	vst.add.f32.msk $0xffff, v0;
	s23 =	sadd.s32 s9, s18  }
0x14f: {  	[hbm4b:s23+s7] =	stream.strided.scatter [tilespmem:s5], [sflag:$0x7], $0x4000, s6, s7, $0x38;
	[tilespmem:$0x16740] =	vst v63  }
0x150: {  	s26 =	sadd.s32 s26, s30;
	_ =	swait.ge [sflag:s15], $0x4000  }
0x151: {  	s28 =	sshrl.u32 s26, $0x3;
	[sflag:s15] =	ssyncset.done $0x0  }
0x152: {  	s14 =	sshll.u32 s14, $0x9;
	s18 =	ssub.s32 s28, s1;
	[sflag:s15] =	ssyncadd.s32 $0xFFFFC000  }
0x153: {  	s16 =	sshll.u32 s26, $0x7;
	s18 =	sshll.u32 s18, $0xC;
	_ =	swait.ge [sflag:s17], $0x4000  }
0x154: {  	s16 =	sand.u32 $0x380, s16;
	s18 =	sshra.s32 s18, $0x2;
	[sflag:s17] =	ssyncset.done $0x0  }
0x155: {  	s14 =	sshra.s32 s14, $0x2;
	s16 =	sor.u32 s16, s18;
	[sflag:s17] =	ssyncadd.s32 $0xFFFFC000  }
0x156: {  	[tilespmem:s2], [sflag:$0x2] =	stream.indirect.gather [spmem:s11], $0x80, s16, s7, $0xb8;
	[tilespmem:$0x16740] =	vst v63  }
0x157: {  	v1 =	vld [tilespmem:s14+$0x4000]  }
0x158: {  	v0 =	vld [tilespmem:s14+$0x4010]  }
0x159: {  	v2 =	vld [tilespmem:s14+$0x4020]  }
0x15a: {  	v3 =	vld [tilespmem:s14+$0x4030]  }
0x15b: {  	v4 =	vld [tilespmem:s14+$0x4070]  }
0x15c: {  	v5 =	vld [tilespmem:s14+$0x4060]  }
0x15d: {  	v6 =	vld [tilespmem:s14+$0x4050]  }
0x15e: {  	v7 =	vld [tilespmem:s14+$0x4040];
	s14 =	simm.s32 $0x10800  }
0x15f: {  	[tilespmem:s14+$0x0] =	vst.add.f32.msk $0xffff, v1  }
0x160: {  	[tilespmem:s14+$0x1F0] =	vst.add.f32.msk $0xffff, v4  }
0x161: {  	[tilespmem:s14+$0x1E0] =	vst.add.f32.msk $0xffff, v5  }
0x162: {  	[tilespmem:s14+$0x1D0] =	vst.add.f32.msk $0xffff, v6  }
0x163: {  	[tilespmem:s14+$0x1C0] =	vst.add.f32.msk $0xffff, v7  }
0x164: {  	[tilespmem:s14+$0x1B0] =	vst.add.f32.msk $0xffff, v3  }
0x165: {  	[tilespmem:s14+$0x1A0] =	vst.add.f32.msk $0xffff, v2  }
0x166: {  	[tilespmem:s14+$0x190] =	vst.add.f32.msk $0xffff, v0  }
0x167: {  	[tilespmem:s14+$0x180] =	vst.add.f32.msk $0xffff, v1  }
0x168: {  	[tilespmem:s14+$0x170] =	vst.add.f32.msk $0xffff, v4  }
0x169: {  	[tilespmem:s14+$0x160] =	vst.add.f32.msk $0xffff, v5  }
0x16a: {  	[tilespmem:s14+$0x150] =	vst.add.f32.msk $0xffff, v6  }
0x16b: {  	[tilespmem:s14+$0x140] =	vst.add.f32.msk $0xffff, v7  }
0x16c: {  	[tilespmem:s14+$0x130] =	vst.add.f32.msk $0xffff, v3  }
0x16d: {  	[tilespmem:s14+$0x120] =	vst.add.f32.msk $0xffff, v2  }
0x16e: {  	[tilespmem:s14+$0x110] =	vst.add.f32.msk $0xffff, v0  }
0x16f: {  	[tilespmem:s14+$0x100] =	vst.add.f32.msk $0xffff, v1  }
0x170: {  	[tilespmem:s14+$0xF0] =	vst.add.f32.msk $0xffff, v4  }
0x171: {  	[tilespmem:s14+$0xE0] =	vst.add.f32.msk $0xffff, v5  }
0x172: {  	[tilespmem:s14+$0xD0] =	vst.add.f32.msk $0xffff, v6  }
0x173: {  	[tilespmem:s14+$0xC0] =	vst.add.f32.msk $0xffff, v7  }
0x174: {  	[tilespmem:s14+$0xB0] =	vst.add.f32.msk $0xffff, v3  }
0x175: {  	[tilespmem:s14+$0xA0] =	vst.add.f32.msk $0xffff, v2  }
0x176: {  	[tilespmem:s14+$0x90] =	vst.add.f32.msk $0xffff, v0  }
0x177: {  	[tilespmem:s14+$0x80] =	vst.add.f32.msk $0xffff, v1  }
0x178: {  	[tilespmem:s14+$0x70] =	vst.add.f32.msk $0xffff, v4  }
0x179: {  	[tilespmem:s14+$0x60] =	vst.add.f32.msk $0xffff, v5  }
0x17a: {  	[tilespmem:s14+$0x50] =	vst.add.f32.msk $0xffff, v6  }
0x17b: {  	[tilespmem:s14+$0x40] =	vst.add.f32.msk $0xffff, v7  }
0x17c: {  	[tilespmem:s14+$0x30] =	vst.add.f32.msk $0xffff, v3  }
0x17d: {  	s16 =	simm.s32 $0x0;
	[tilespmem:s14+$0x20] =	vst.add.f32.msk $0xffff, v2  }
.LBB2_9:
0x17e: {  	s16 =	sadd.s32 $0x4, s16;
	[tilespmem:s14+$0x10] =	vst.add.f32.msk $0xffff, v0;
	s14 =	sadd.s32 $0x200, s14  }
0x17f: {  	[tilespmem:s14+$0x0] =	vst.add.f32.msk $0xffff, v1;
	p1 =	slt.u32 s16, $0x7C  }
0x180: {  	[tilespmem:s14+$0x1F0] =	vst.add.f32.msk $0xffff, v4  }
0x181: {  	[tilespmem:s14+$0x1E0] =	vst.add.f32.msk $0xffff, v5  }
0x182: {  	[tilespmem:s14+$0x1D0] =	vst.add.f32.msk $0xffff, v6  }
0x183: {  	[tilespmem:s14+$0x1C0] =	vst.add.f32.msk $0xffff, v7  }
0x184: {  	[tilespmem:s14+$0x1B0] =	vst.add.f32.msk $0xffff, v3  }
0x185: {  	[tilespmem:s14+$0x1A0] =	vst.add.f32.msk $0xffff, v2  }
0x186: {  	[tilespmem:s14+$0x190] =	vst.add.f32.msk $0xffff, v0  }
0x187: {  	[tilespmem:s14+$0x180] =	vst.add.f32.msk $0xffff, v1  }
0x188: {  	[tilespmem:s14+$0x170] =	vst.add.f32.msk $0xffff, v4  }
0x189: {  	[tilespmem:s14+$0x160] =	vst.add.f32.msk $0xffff, v5  }
0x18a: {  	[tilespmem:s14+$0x150] =	vst.add.f32.msk $0xffff, v6  }
0x18b: {  	[tilespmem:s14+$0x140] =	vst.add.f32.msk $0xffff, v7  }
0x18c: {  	[tilespmem:s14+$0x130] =	vst.add.f32.msk $0xffff, v3  }
0x18d: {  	[tilespmem:s14+$0x120] =	vst.add.f32.msk $0xffff, v2  }
0x18e: {  	[tilespmem:s14+$0x110] =	vst.add.f32.msk $0xffff, v0  }
0x18f: {  	[tilespmem:s14+$0x100] =	vst.add.f32.msk $0xffff, v1  }
0x190: {  	[tilespmem:s14+$0xF0] =	vst.add.f32.msk $0xffff, v4  }
0x191: {  	[tilespmem:s14+$0xE0] =	vst.add.f32.msk $0xffff, v5  }
0x192: {  	[tilespmem:s14+$0xD0] =	vst.add.f32.msk $0xffff, v6  }
0x193: {  	[tilespmem:s14+$0xC0] =	vst.add.f32.msk $0xffff, v7  }
0x194: {  	[tilespmem:s14+$0xB0] =	vst.add.f32.msk $0xffff, v3  }
0x195: {  	[tilespmem:s14+$0xA0] =	vst.add.f32.msk $0xffff, v2  }
0x196: {  	[tilespmem:s14+$0x90] =	vst.add.f32.msk $0xffff, v0  }
0x197: {  	[tilespmem:s14+$0x80] =	vst.add.f32.msk $0xffff, v1  }
0x198: {  	[tilespmem:s14+$0x70] =	vst.add.f32.msk $0xffff, v4  }
.Ltmp3:
0x199: {  	[tilespmem:s14+$0x60] =	vst.add.f32.msk $0xffff, v5;
	(pc) =	sbr.rel @p1 .LBB2_9-.Ltmp3, $4  }
0x19a: {  	[tilespmem:s14+$0x50] =	vst.add.f32.msk $0xffff, v6  }
0x19b: {  	[tilespmem:s14+$0x40] =	vst.add.f32.msk $0xffff, v7  }
0x19c: {  	[tilespmem:s14+$0x30] =	vst.add.f32.msk $0xffff, v3  }
0x19d: {  	[tilespmem:s14+$0x20] =	vst.add.f32.msk $0xffff, v2  }
0x19e: {  	s25 =	sadd.s32 $0x1, s25  }
0x19f: {  	s16 =	smul.u32 $0x6400, s21;
	p1 =	sne.s32 s25, $0xB  }
.Ltmp4:
0x1a0: {  	s18 =	sshll.u32 s31, $0x7;
	(pc) =	sbr.rel @p1 .LBB2_2-.Ltmp4, $4  }
0x1a1: {  	s16 =	sadd.s32 s18, s16  }
0x1a2: {  	s16 =	sshrl.u32 s16, $0x3  }
0x1a3: {  	[tilespmem:s14+$0x10] =	vst.add.f32.msk $0xffff, v0;
	s31 =	sadd.s32 s9, s16  }
0x1a4: {  	[hbm4b:s31+s7] =	stream.strided.scatter [tilespmem:s8], [sflag:$0x8], $0x4000, s6, s7, $0x38;
	[tilespmem:$0x16740] =	vst v63  }
0x1a5: {  	_ =	swait.ge [sflag:s4], $0x4000  }
0x1a6: {  	[sflag:s4] =	ssyncset.done $0x0  }
0x1a7: {  	s18 =	simm.s32 $0x7;
	[sflag:s4] =	ssyncadd.s32 $0xFFFFC000  }
0x1a8: {  	_ =	swait.ge [sflag:s18], $0x4000  }
0x1a9: {  	[sflag:s18] =	ssyncset.done $0x0;
	s14 =	rddreg [dreg:$0x6]  }
0x1aa: {  	s31 =	rddreg [dreg:$0xc];
	[sflag:s18] =	ssyncadd.s32 $0xFFFFC000  }
0x1ab: {  	[tilespmem:s5], [sflag:$0x3] =	stream.indirect.gather [spmem:s11], $0x80, s14, s7, $0xb8;
	[tilespmem:$0x16740] =	vst v63  }
0x1ac: {  	v1 =	vld [tilespmem:s31+$0x4000]  }
0x1ad: {  	v0 =	vld [tilespmem:s31+$0x4010]  }
0x1ae: {  	v2 =	vld [tilespmem:s31+$0x4020]  }
0x1af: {  	v3 =	vld [tilespmem:s31+$0x4030]  }
0x1b0: {  	v4 =	vld [tilespmem:s31+$0x4070]  }
0x1b1: {  	v5 =	vld [tilespmem:s31+$0x4060]  }
0x1b2: {  	v6 =	vld [tilespmem:s31+$0x4050]  }
0x1b3: {  	s14 =	simm.s32 $0x4800;
	v7 =	vld [tilespmem:s31+$0x4040]  }
0x1b4: {  	[tilespmem:s14+$0x0] =	vst.add.f32.msk $0xffff, v1  }
0x1b5: {  	[tilespmem:s14+$0x1F0] =	vst.add.f32.msk $0xffff, v4  }
0x1b6: {  	[tilespmem:s14+$0x1E0] =	vst.add.f32.msk $0xffff, v5  }
0x1b7: {  	[tilespmem:s14+$0x1D0] =	vst.add.f32.msk $0xffff, v6  }
0x1b8: {  	[tilespmem:s14+$0x1C0] =	vst.add.f32.msk $0xffff, v7  }
0x1b9: {  	[tilespmem:s14+$0x1B0] =	vst.add.f32.msk $0xffff, v3  }
0x1ba: {  	[tilespmem:s14+$0x1A0] =	vst.add.f32.msk $0xffff, v2  }
0x1bb: {  	[tilespmem:s14+$0x190] =	vst.add.f32.msk $0xffff, v0  }
0x1bc: {  	[tilespmem:s14+$0x180] =	vst.add.f32.msk $0xffff, v1  }
0x1bd: {  	[tilespmem:s14+$0x170] =	vst.add.f32.msk $0xffff, v4  }
0x1be: {  	[tilespmem:s14+$0x160] =	vst.add.f32.msk $0xffff, v5  }
0x1bf: {  	[tilespmem:s14+$0x150] =	vst.add.f32.msk $0xffff, v6  }
0x1c0: {  	[tilespmem:s14+$0x140] =	vst.add.f32.msk $0xffff, v7  }
0x1c1: {  	[tilespmem:s14+$0x130] =	vst.add.f32.msk $0xffff, v3  }
0x1c2: {  	[tilespmem:s14+$0x120] =	vst.add.f32.msk $0xffff, v2  }
0x1c3: {  	[tilespmem:s14+$0x110] =	vst.add.f32.msk $0xffff, v0  }
0x1c4: {  	[tilespmem:s14+$0x100] =	vst.add.f32.msk $0xffff, v1  }
0x1c5: {  	[tilespmem:s14+$0xF0] =	vst.add.f32.msk $0xffff, v4  }
0x1c6: {  	[tilespmem:s14+$0xE0] =	vst.add.f32.msk $0xffff, v5  }
0x1c7: {  	[tilespmem:s14+$0xD0] =	vst.add.f32.msk $0xffff, v6  }
0x1c8: {  	[tilespmem:s14+$0xC0] =	vst.add.f32.msk $0xffff, v7  }
0x1c9: {  	[tilespmem:s14+$0xB0] =	vst.add.f32.msk $0xffff, v3  }
0x1ca: {  	[tilespmem:s14+$0xA0] =	vst.add.f32.msk $0xffff, v2  }
0x1cb: {  	[tilespmem:s14+$0x90] =	vst.add.f32.msk $0xffff, v0  }
0x1cc: {  	[tilespmem:s14+$0x80] =	vst.add.f32.msk $0xffff, v1  }
0x1cd: {  	[tilespmem:s14+$0x70] =	vst.add.f32.msk $0xffff, v4  }
0x1ce: {  	[tilespmem:s14+$0x60] =	vst.add.f32.msk $0xffff, v5  }
0x1cf: {  	[tilespmem:s14+$0x50] =	vst.add.f32.msk $0xffff, v6  }
0x1d0: {  	[tilespmem:s14+$0x40] =	vst.add.f32.msk $0xffff, v7  }
0x1d1: {  	[tilespmem:s14+$0x30] =	vst.add.f32.msk $0xffff, v3  }
0x1d2: {  	s16 =	simm.s32 $0x0;
	s19 =	simm.s32 $0x8;
	[tilespmem:s14+$0x20] =	vst.add.f32.msk $0xffff, v2  }
.LBB2_12:
0x1d3: {  	s16 =	sadd.s32 $0x4, s16;
	[tilespmem:s14+$0x10] =	vst.add.f32.msk $0xffff, v0;
	s14 =	sadd.s32 $0x200, s14  }
0x1d4: {  	[tilespmem:s14+$0x0] =	vst.add.f32.msk $0xffff, v1;
	p1 =	slt.u32 s16, $0x7C  }
0x1d5: {  	[tilespmem:s14+$0x1F0] =	vst.add.f32.msk $0xffff, v4  }
0x1d6: {  	[tilespmem:s14+$0x1E0] =	vst.add.f32.msk $0xffff, v5  }
0x1d7: {  	[tilespmem:s14+$0x1D0] =	vst.add.f32.msk $0xffff, v6  }
0x1d8: {  	[tilespmem:s14+$0x1C0] =	vst.add.f32.msk $0xffff, v7  }
0x1d9: {  	[tilespmem:s14+$0x1B0] =	vst.add.f32.msk $0xffff, v3  }
0x1da: {  	[tilespmem:s14+$0x1A0] =	vst.add.f32.msk $0xffff, v2  }
0x1db: {  	[tilespmem:s14+$0x190] =	vst.add.f32.msk $0xffff, v0  }
0x1dc: {  	[tilespmem:s14+$0x180] =	vst.add.f32.msk $0xffff, v1  }
0x1dd: {  	[tilespmem:s14+$0x170] =	vst.add.f32.msk $0xffff, v4  }
0x1de: {  	[tilespmem:s14+$0x160] =	vst.add.f32.msk $0xffff, v5  }
0x1df: {  	[tilespmem:s14+$0x150] =	vst.add.f32.msk $0xffff, v6  }
0x1e0: {  	[tilespmem:s14+$0x140] =	vst.add.f32.msk $0xffff, v7  }
0x1e1: {  	[tilespmem:s14+$0x130] =	vst.add.f32.msk $0xffff, v3  }
0x1e2: {  	[tilespmem:s14+$0x120] =	vst.add.f32.msk $0xffff, v2  }
0x1e3: {  	[tilespmem:s14+$0x110] =	vst.add.f32.msk $0xffff, v0  }
0x1e4: {  	[tilespmem:s14+$0x100] =	vst.add.f32.msk $0xffff, v1  }
0x1e5: {  	[tilespmem:s14+$0xF0] =	vst.add.f32.msk $0xffff, v4  }
0x1e6: {  	[tilespmem:s14+$0xE0] =	vst.add.f32.msk $0xffff, v5  }
0x1e7: {  	[tilespmem:s14+$0xD0] =	vst.add.f32.msk $0xffff, v6  }
0x1e8: {  	[tilespmem:s14+$0xC0] =	vst.add.f32.msk $0xffff, v7  }
0x1e9: {  	[tilespmem:s14+$0xB0] =	vst.add.f32.msk $0xffff, v3  }
0x1ea: {  	[tilespmem:s14+$0xA0] =	vst.add.f32.msk $0xffff, v2  }
0x1eb: {  	[tilespmem:s14+$0x90] =	vst.add.f32.msk $0xffff, v0  }
0x1ec: {  	[tilespmem:s14+$0x80] =	vst.add.f32.msk $0xffff, v1  }
0x1ed: {  	[tilespmem:s14+$0x70] =	vst.add.f32.msk $0xffff, v4  }
.Ltmp5:
0x1ee: {  	[tilespmem:s14+$0x60] =	vst.add.f32.msk $0xffff, v5;
	(pc) =	sbr.rel @p1 .LBB2_12-.Ltmp5, $4  }
0x1ef: {  	[tilespmem:s14+$0x50] =	vst.add.f32.msk $0xffff, v6  }
0x1f0: {  	[tilespmem:s14+$0x40] =	vst.add.f32.msk $0xffff, v7  }
0x1f1: {  	[tilespmem:s14+$0x30] =	vst.add.f32.msk $0xffff, v3  }
0x1f2: {  	[tilespmem:s14+$0x20] =	vst.add.f32.msk $0xffff, v2  }
0x1f3: {  	[tilespmem:s14+$0x10] =	vst.add.f32.msk $0xffff, v0  }
0x1f4: {  	s14 =	rddreg [dreg:$0xd]  }
0x1f5: {  	[hbm4b:s14+s7] =	stream.strided.scatter [tilespmem:s10], [sflag:$0x5], $0x4000, s6, s7, $0x38;
	[tilespmem:$0x16740] =	vst v63  }
0x1f6: {  	_ =	swait.ge [sflag:s3], $0x4000  }
0x1f7: {  	[sflag:s3] =	ssyncset.done $0x0  }
0x1f8: {  	[sflag:s3] =	ssyncadd.s32 $0xFFFFC000  }
0x1f9: {  	_ =	swait.ge [sflag:s19], $0x4000  }
0x1fa: {  	[sflag:s19] =	ssyncset.done $0x0;
	s28 =	rddreg [dreg:$0x7]  }
0x1fb: {  	s31 =	rddreg [dreg:$0xe];
	[sflag:s19] =	ssyncadd.s32 $0xFFFFC000  }
0x1fc: {  	[tilespmem:s8], [sflag:$0x4] =	stream.indirect.gather [spmem:s11], $0x80, s28, s7, $0xb8;
	[tilespmem:$0x16740] =	vst v63  }
0x1fd: {  	v1 =	vld [tilespmem:s31+$0x4000]  }
0x1fe: {  	v0 =	vld [tilespmem:s31+$0x4010]  }
0x1ff: {  	v2 =	vld [tilespmem:s31+$0x4020]  }
0x200: {  	v3 =	vld [tilespmem:s31+$0x4030]  }
0x201: {  	v4 =	vld [tilespmem:s31+$0x4070]  }
0x202: {  	v5 =	vld [tilespmem:s31+$0x4060]  }
0x203: {  	v6 =	vld [tilespmem:s31+$0x4050]  }
0x204: {  	s14 =	simm.s32 $0x8800;
	v7 =	vld [tilespmem:s31+$0x4040]  }
0x205: {  	[tilespmem:s14+$0x0] =	vst.add.f32.msk $0xffff, v1  }
0x206: {  	[tilespmem:s14+$0x1F0] =	vst.add.f32.msk $0xffff, v4  }
0x207: {  	[tilespmem:s14+$0x1E0] =	vst.add.f32.msk $0xffff, v5  }
0x208: {  	[tilespmem:s14+$0x1D0] =	vst.add.f32.msk $0xffff, v6  }
0x209: {  	[tilespmem:s14+$0x1C0] =	vst.add.f32.msk $0xffff, v7  }
0x20a: {  	[tilespmem:s14+$0x1B0] =	vst.add.f32.msk $0xffff, v3  }
0x20b: {  	[tilespmem:s14+$0x1A0] =	vst.add.f32.msk $0xffff, v2  }
0x20c: {  	[tilespmem:s14+$0x190] =	vst.add.f32.msk $0xffff, v0  }
0x20d: {  	[tilespmem:s14+$0x180] =	vst.add.f32.msk $0xffff, v1  }
0x20e: {  	[tilespmem:s14+$0x170] =	vst.add.f32.msk $0xffff, v4  }
0x20f: {  	[tilespmem:s14+$0x160] =	vst.add.f32.msk $0xffff, v5  }
0x210: {  	[tilespmem:s14+$0x150] =	vst.add.f32.msk $0xffff, v6  }
0x211: {  	[tilespmem:s14+$0x140] =	vst.add.f32.msk $0xffff, v7  }
0x212: {  	[tilespmem:s14+$0x130] =	vst.add.f32.msk $0xffff, v3  }
0x213: {  	[tilespmem:s14+$0x120] =	vst.add.f32.msk $0xffff, v2  }
0x214: {  	[tilespmem:s14+$0x110] =	vst.add.f32.msk $0xffff, v0  }
0x215: {  	[tilespmem:s14+$0x100] =	vst.add.f32.msk $0xffff, v1  }
0x216: {  	[tilespmem:s14+$0xF0] =	vst.add.f32.msk $0xffff, v4  }
0x217: {  	[tilespmem:s14+$0xE0] =	vst.add.f32.msk $0xffff, v5  }
0x218: {  	[tilespmem:s14+$0xD0] =	vst.add.f32.msk $0xffff, v6  }
0x219: {  	[tilespmem:s14+$0xC0] =	vst.add.f32.msk $0xffff, v7  }
0x21a: {  	[tilespmem:s14+$0xB0] =	vst.add.f32.msk $0xffff, v3  }
0x21b: {  	[tilespmem:s14+$0xA0] =	vst.add.f32.msk $0xffff, v2  }
0x21c: {  	[tilespmem:s14+$0x90] =	vst.add.f32.msk $0xffff, v0  }
0x21d: {  	[tilespmem:s14+$0x80] =	vst.add.f32.msk $0xffff, v1  }
0x21e: {  	[tilespmem:s14+$0x70] =	vst.add.f32.msk $0xffff, v4  }
0x21f: {  	[tilespmem:s14+$0x60] =	vst.add.f32.msk $0xffff, v5  }
0x220: {  	[tilespmem:s14+$0x50] =	vst.add.f32.msk $0xffff, v6  }
0x221: {  	[tilespmem:s14+$0x40] =	vst.add.f32.msk $0xffff, v7  }
0x222: {  	[tilespmem:s14+$0x30] =	vst.add.f32.msk $0xffff, v3  }
0x223: {  	s16 =	simm.s32 $0x0;
	[tilespmem:s14+$0x20] =	vst.add.f32.msk $0xffff, v2  }
.LBB2_14:
0x224: {  	s16 =	sadd.s32 $0x4, s16;
	[tilespmem:s14+$0x10] =	vst.add.f32.msk $0xffff, v0;
	s14 =	sadd.s32 $0x200, s14  }
0x225: {  	[tilespmem:s14+$0x0] =	vst.add.f32.msk $0xffff, v1;
	p1 =	slt.u32 s16, $0x7C  }
0x226: {  	[tilespmem:s14+$0x1F0] =	vst.add.f32.msk $0xffff, v4  }
0x227: {  	[tilespmem:s14+$0x1E0] =	vst.add.f32.msk $0xffff, v5  }
0x228: {  	[tilespmem:s14+$0x1D0] =	vst.add.f32.msk $0xffff, v6  }
0x229: {  	[tilespmem:s14+$0x1C0] =	vst.add.f32.msk $0xffff, v7  }
0x22a: {  	[tilespmem:s14+$0x1B0] =	vst.add.f32.msk $0xffff, v3  }
0x22b: {  	[tilespmem:s14+$0x1A0] =	vst.add.f32.msk $0xffff, v2  }
0x22c: {  	[tilespmem:s14+$0x190] =	vst.add.f32.msk $0xffff, v0  }
0x22d: {  	[tilespmem:s14+$0x180] =	vst.add.f32.msk $0xffff, v1  }
0x22e: {  	[tilespmem:s14+$0x170] =	vst.add.f32.msk $0xffff, v4  }
0x22f: {  	[tilespmem:s14+$0x160] =	vst.add.f32.msk $0xffff, v5  }
0x230: {  	[tilespmem:s14+$0x150] =	vst.add.f32.msk $0xffff, v6  }
0x231: {  	[tilespmem:s14+$0x140] =	vst.add.f32.msk $0xffff, v7  }
0x232: {  	[tilespmem:s14+$0x130] =	vst.add.f32.msk $0xffff, v3  }
0x233: {  	[tilespmem:s14+$0x120] =	vst.add.f32.msk $0xffff, v2  }
0x234: {  	[tilespmem:s14+$0x110] =	vst.add.f32.msk $0xffff, v0  }
0x235: {  	[tilespmem:s14+$0x100] =	vst.add.f32.msk $0xffff, v1  }
0x236: {  	[tilespmem:s14+$0xF0] =	vst.add.f32.msk $0xffff, v4  }
0x237: {  	[tilespmem:s14+$0xE0] =	vst.add.f32.msk $0xffff, v5  }
0x238: {  	[tilespmem:s14+$0xD0] =	vst.add.f32.msk $0xffff, v6  }
0x239: {  	[tilespmem:s14+$0xC0] =	vst.add.f32.msk $0xffff, v7  }
0x23a: {  	[tilespmem:s14+$0xB0] =	vst.add.f32.msk $0xffff, v3  }
0x23b: {  	[tilespmem:s14+$0xA0] =	vst.add.f32.msk $0xffff, v2  }
0x23c: {  	[tilespmem:s14+$0x90] =	vst.add.f32.msk $0xffff, v0  }
0x23d: {  	[tilespmem:s14+$0x80] =	vst.add.f32.msk $0xffff, v1  }
0x23e: {  	[tilespmem:s14+$0x70] =	vst.add.f32.msk $0xffff, v4  }
.Ltmp6:
0x23f: {  	[tilespmem:s14+$0x60] =	vst.add.f32.msk $0xffff, v5;
	(pc) =	sbr.rel @p1 .LBB2_14-.Ltmp6, $4  }
0x240: {  	[tilespmem:s14+$0x50] =	vst.add.f32.msk $0xffff, v6  }
0x241: {  	[tilespmem:s14+$0x40] =	vst.add.f32.msk $0xffff, v7  }
0x242: {  	[tilespmem:s14+$0x30] =	vst.add.f32.msk $0xffff, v3  }
0x243: {  	[tilespmem:s14+$0x20] =	vst.add.f32.msk $0xffff, v2  }
0x244: {  	[tilespmem:s14+$0x10] =	vst.add.f32.msk $0xffff, v0  }
0x245: {  	s14 =	rddreg [dreg:$0xf]  }
0x246: {  	[hbm4b:s14+s7] =	stream.strided.scatter [tilespmem:s2], [sflag:$0x6], $0x4000, s6, s7, $0x38;
	[tilespmem:$0x16740] =	vst v63  }
0x247: {  	_ =	swait.ge [sflag:s12], $0x4000  }
0x248: {  	[sflag:s12] =	ssyncset.done $0x0  }
0x249: {  	[sflag:s12] =	ssyncadd.s32 $0xFFFFC000  }
0x24a: {  	_ =	swait.ge [sflag:s13], $0x4000  }
0x24b: {  	[sflag:s13] =	ssyncset.done $0x0;
	s28 =	rddreg [dreg:$0x8]  }
0x24c: {  	s31 =	rddreg [dreg:$0x10];
	[sflag:s13] =	ssyncadd.s32 $0xFFFFC000  }
0x24d: {  	[tilespmem:s10], [sflag:$0x1] =	stream.indirect.gather [spmem:s11], $0x80, s28, s7, $0xb8;
	[tilespmem:$0x16740] =	vst v63  }
0x24e: {  	v1 =	vld [tilespmem:s31+$0x4000]  }
0x24f: {  	v0 =	vld [tilespmem:s31+$0x4010]  }
0x250: {  	v2 =	vld [tilespmem:s31+$0x4020]  }
0x251: {  	v3 =	vld [tilespmem:s31+$0x4030]  }
0x252: {  	v4 =	vld [tilespmem:s31+$0x4070]  }
0x253: {  	v5 =	vld [tilespmem:s31+$0x4060]  }
0x254: {  	v6 =	vld [tilespmem:s31+$0x4050]  }
0x255: {  	s14 =	simm.s32 $0xC800;
	v7 =	vld [tilespmem:s31+$0x4040]  }
0x256: {  	[tilespmem:s14+$0x0] =	vst.add.f32.msk $0xffff, v1  }
0x257: {  	[tilespmem:s14+$0x1F0] =	vst.add.f32.msk $0xffff, v4  }
0x258: {  	[tilespmem:s14+$0x1E0] =	vst.add.f32.msk $0xffff, v5  }
0x259: {  	[tilespmem:s14+$0x1D0] =	vst.add.f32.msk $0xffff, v6  }
0x25a: {  	[tilespmem:s14+$0x1C0] =	vst.add.f32.msk $0xffff, v7  }
0x25b: {  	[tilespmem:s14+$0x1B0] =	vst.add.f32.msk $0xffff, v3  }
0x25c: {  	[tilespmem:s14+$0x1A0] =	vst.add.f32.msk $0xffff, v2  }
0x25d: {  	[tilespmem:s14+$0x190] =	vst.add.f32.msk $0xffff, v0  }
0x25e: {  	[tilespmem:s14+$0x180] =	vst.add.f32.msk $0xffff, v1  }
0x25f: {  	[tilespmem:s14+$0x170] =	vst.add.f32.msk $0xffff, v4  }
0x260: {  	[tilespmem:s14+$0x160] =	vst.add.f32.msk $0xffff, v5  }
0x261: {  	[tilespmem:s14+$0x150] =	vst.add.f32.msk $0xffff, v6  }
0x262: {  	[tilespmem:s14+$0x140] =	vst.add.f32.msk $0xffff, v7  }
0x263: {  	[tilespmem:s14+$0x130] =	vst.add.f32.msk $0xffff, v3  }
0x264: {  	[tilespmem:s14+$0x120] =	vst.add.f32.msk $0xffff, v2  }
0x265: {  	[tilespmem:s14+$0x110] =	vst.add.f32.msk $0xffff, v0  }
0x266: {  	[tilespmem:s14+$0x100] =	vst.add.f32.msk $0xffff, v1  }
0x267: {  	[tilespmem:s14+$0xF0] =	vst.add.f32.msk $0xffff, v4  }
0x268: {  	[tilespmem:s14+$0xE0] =	vst.add.f32.msk $0xffff, v5  }
0x269: {  	[tilespmem:s14+$0xD0] =	vst.add.f32.msk $0xffff, v6  }
0x26a: {  	[tilespmem:s14+$0xC0] =	vst.add.f32.msk $0xffff, v7  }
0x26b: {  	[tilespmem:s14+$0xB0] =	vst.add.f32.msk $0xffff, v3  }
0x26c: {  	[tilespmem:s14+$0xA0] =	vst.add.f32.msk $0xffff, v2  }
0x26d: {  	[tilespmem:s14+$0x90] =	vst.add.f32.msk $0xffff, v0  }
0x26e: {  	[tilespmem:s14+$0x80] =	vst.add.f32.msk $0xffff, v1  }
0x26f: {  	[tilespmem:s14+$0x70] =	vst.add.f32.msk $0xffff, v4  }
0x270: {  	[tilespmem:s14+$0x60] =	vst.add.f32.msk $0xffff, v5  }
0x271: {  	[tilespmem:s14+$0x50] =	vst.add.f32.msk $0xffff, v6  }
0x272: {  	[tilespmem:s14+$0x40] =	vst.add.f32.msk $0xffff, v7  }
0x273: {  	[tilespmem:s14+$0x30] =	vst.add.f32.msk $0xffff, v3  }
0x274: {  	s16 =	simm.s32 $0x0;
	[tilespmem:s14+$0x20] =	vst.add.f32.msk $0xffff, v2  }
.LBB2_16:
0x275: {  	s16 =	sadd.s32 $0x4, s16;
	[tilespmem:s14+$0x10] =	vst.add.f32.msk $0xffff, v0;
	s14 =	sadd.s32 $0x200, s14  }
0x276: {  	[tilespmem:s14+$0x0] =	vst.add.f32.msk $0xffff, v1;
	p1 =	slt.u32 s16, $0x7C  }
0x277: {  	[tilespmem:s14+$0x1F0] =	vst.add.f32.msk $0xffff, v4  }
0x278: {  	[tilespmem:s14+$0x1E0] =	vst.add.f32.msk $0xffff, v5  }
0x279: {  	[tilespmem:s14+$0x1D0] =	vst.add.f32.msk $0xffff, v6  }
0x27a: {  	[tilespmem:s14+$0x1C0] =	vst.add.f32.msk $0xffff, v7  }
0x27b: {  	[tilespmem:s14+$0x1B0] =	vst.add.f32.msk $0xffff, v3  }
0x27c: {  	[tilespmem:s14+$0x1A0] =	vst.add.f32.msk $0xffff, v2  }
0x27d: {  	[tilespmem:s14+$0x190] =	vst.add.f32.msk $0xffff, v0  }
0x27e: {  	[tilespmem:s14+$0x180] =	vst.add.f32.msk $0xffff, v1  }
0x27f: {  	[tilespmem:s14+$0x170] =	vst.add.f32.msk $0xffff, v4  }
0x280: {  	[tilespmem:s14+$0x160] =	vst.add.f32.msk $0xffff, v5  }
0x281: {  	[tilespmem:s14+$0x150] =	vst.add.f32.msk $0xffff, v6  }
0x282: {  	[tilespmem:s14+$0x140] =	vst.add.f32.msk $0xffff, v7  }
0x283: {  	[tilespmem:s14+$0x130] =	vst.add.f32.msk $0xffff, v3  }
0x284: {  	[tilespmem:s14+$0x120] =	vst.add.f32.msk $0xffff, v2  }
0x285: {  	[tilespmem:s14+$0x110] =	vst.add.f32.msk $0xffff, v0  }
0x286: {  	[tilespmem:s14+$0x100] =	vst.add.f32.msk $0xffff, v1  }
0x287: {  	[tilespmem:s14+$0xF0] =	vst.add.f32.msk $0xffff, v4  }
0x288: {  	[tilespmem:s14+$0xE0] =	vst.add.f32.msk $0xffff, v5  }
0x289: {  	[tilespmem:s14+$0xD0] =	vst.add.f32.msk $0xffff, v6  }
0x28a: {  	[tilespmem:s14+$0xC0] =	vst.add.f32.msk $0xffff, v7  }
0x28b: {  	[tilespmem:s14+$0xB0] =	vst.add.f32.msk $0xffff, v3  }
0x28c: {  	[tilespmem:s14+$0xA0] =	vst.add.f32.msk $0xffff, v2  }
0x28d: {  	[tilespmem:s14+$0x90] =	vst.add.f32.msk $0xffff, v0  }
0x28e: {  	[tilespmem:s14+$0x80] =	vst.add.f32.msk $0xffff, v1  }
0x28f: {  	[tilespmem:s14+$0x70] =	vst.add.f32.msk $0xffff, v4  }
.Ltmp7:
0x290: {  	[tilespmem:s14+$0x60] =	vst.add.f32.msk $0xffff, v5;
	(pc) =	sbr.rel @p1 .LBB2_16-.Ltmp7, $4  }
0x291: {  	[tilespmem:s14+$0x50] =	vst.add.f32.msk $0xffff, v6  }
0x292: {  	[tilespmem:s14+$0x40] =	vst.add.f32.msk $0xffff, v7  }
0x293: {  	[tilespmem:s14+$0x30] =	vst.add.f32.msk $0xffff, v3  }
0x294: {  	[tilespmem:s14+$0x20] =	vst.add.f32.msk $0xffff, v2  }
0x295: {  	[tilespmem:s14+$0x10] =	vst.add.f32.msk $0xffff, v0  }
0x296: {  	s14 =	rddreg [dreg:$0x11]  }
0x297: {  	[hbm4b:s14+s7] =	stream.strided.scatter [tilespmem:s5], [sflag:$0x7], $0x4000, s6, s7, $0x38;
	[tilespmem:$0x16740] =	vst v63  }
0x298: {  	_ =	swait.ge [sflag:s15], $0x4000  }
0x299: {  	[sflag:s15] =	ssyncset.done $0x0  }
0x29a: {  	[sflag:s15] =	ssyncadd.s32 $0xFFFFC000  }
0x29b: {  	_ =	swait.ge [sflag:s17], $0x4000  }
0x29c: {  	[sflag:s17] =	ssyncset.done $0x0;
	s28 =	rddreg [dreg:$0x9]  }
0x29d: {  	s31 =	rddreg [dreg:$0x12];
	[sflag:s17] =	ssyncadd.s32 $0xFFFFC000  }
0x29e: {  	[tilespmem:s2], [sflag:$0x2] =	stream.indirect.gather [spmem:s11], $0x80, s28, s7, $0xb8;
	[tilespmem:$0x16740] =	vst v63  }
0x29f: {  	v1 =	vld [tilespmem:s31+$0x4000]  }
0x2a0: {  	v0 =	vld [tilespmem:s31+$0x4010]  }
0x2a1: {  	v2 =	vld [tilespmem:s31+$0x4020]  }
0x2a2: {  	v3 =	vld [tilespmem:s31+$0x4030]  }
0x2a3: {  	v4 =	vld [tilespmem:s31+$0x4070]  }
0x2a4: {  	v5 =	vld [tilespmem:s31+$0x4060]  }
0x2a5: {  	v6 =	vld [tilespmem:s31+$0x4050]  }
0x2a6: {  	s14 =	simm.s32 $0x10800;
	v7 =	vld [tilespmem:s31+$0x4040]  }
0x2a7: {  	[tilespmem:s14+$0x0] =	vst.add.f32.msk $0xffff, v1  }
0x2a8: {  	[tilespmem:s14+$0x1F0] =	vst.add.f32.msk $0xffff, v4  }
0x2a9: {  	[tilespmem:s14+$0x1E0] =	vst.add.f32.msk $0xffff, v5  }
0x2aa: {  	[tilespmem:s14+$0x1D0] =	vst.add.f32.msk $0xffff, v6  }
0x2ab: {  	[tilespmem:s14+$0x1C0] =	vst.add.f32.msk $0xffff, v7  }
0x2ac: {  	[tilespmem:s14+$0x1B0] =	vst.add.f32.msk $0xffff, v3  }
0x2ad: {  	[tilespmem:s14+$0x1A0] =	vst.add.f32.msk $0xffff, v2  }
0x2ae: {  	[tilespmem:s14+$0x190] =	vst.add.f32.msk $0xffff, v0  }
0x2af: {  	[tilespmem:s14+$0x180] =	vst.add.f32.msk $0xffff, v1  }
0x2b0: {  	[tilespmem:s14+$0x170] =	vst.add.f32.msk $0xffff, v4  }
0x2b1: {  	[tilespmem:s14+$0x160] =	vst.add.f32.msk $0xffff, v5  }
0x2b2: {  	[tilespmem:s14+$0x150] =	vst.add.f32.msk $0xffff, v6  }
0x2b3: {  	[tilespmem:s14+$0x140] =	vst.add.f32.msk $0xffff, v7  }
0x2b4: {  	[tilespmem:s14+$0x130] =	vst.add.f32.msk $0xffff, v3  }
0x2b5: {  	[tilespmem:s14+$0x120] =	vst.add.f32.msk $0xffff, v2  }
0x2b6: {  	[tilespmem:s14+$0x110] =	vst.add.f32.msk $0xffff, v0  }
0x2b7: {  	[tilespmem:s14+$0x100] =	vst.add.f32.msk $0xffff, v1  }
0x2b8: {  	[tilespmem:s14+$0xF0] =	vst.add.f32.msk $0xffff, v4  }
0x2b9: {  	[tilespmem:s14+$0xE0] =	vst.add.f32.msk $0xffff, v5  }
0x2ba: {  	[tilespmem:s14+$0xD0] =	vst.add.f32.msk $0xffff, v6  }
0x2bb: {  	[tilespmem:s14+$0xC0] =	vst.add.f32.msk $0xffff, v7  }
0x2bc: {  	[tilespmem:s14+$0xB0] =	vst.add.f32.msk $0xffff, v3  }
0x2bd: {  	[tilespmem:s14+$0xA0] =	vst.add.f32.msk $0xffff, v2  }
0x2be: {  	[tilespmem:s14+$0x90] =	vst.add.f32.msk $0xffff, v0  }
0x2bf: {  	[tilespmem:s14+$0x80] =	vst.add.f32.msk $0xffff, v1  }
0x2c0: {  	[tilespmem:s14+$0x70] =	vst.add.f32.msk $0xffff, v4  }
0x2c1: {  	[tilespmem:s14+$0x60] =	vst.add.f32.msk $0xffff, v5  }
0x2c2: {  	[tilespmem:s14+$0x50] =	vst.add.f32.msk $0xffff, v6  }
0x2c3: {  	[tilespmem:s14+$0x40] =	vst.add.f32.msk $0xffff, v7  }
0x2c4: {  	[tilespmem:s14+$0x30] =	vst.add.f32.msk $0xffff, v3  }
0x2c5: {  	s16 =	simm.s32 $0x0;
	[tilespmem:s14+$0x20] =	vst.add.f32.msk $0xffff, v2  }
.LBB2_18:
0x2c6: {  	s16 =	sadd.s32 $0x4, s16;
	[tilespmem:s14+$0x10] =	vst.add.f32.msk $0xffff, v0;
	s14 =	sadd.s32 $0x200, s14  }
0x2c7: {  	[tilespmem:s14+$0x0] =	vst.add.f32.msk $0xffff, v1;
	p1 =	slt.u32 s16, $0x7C  }
0x2c8: {  	[tilespmem:s14+$0x1F0] =	vst.add.f32.msk $0xffff, v4  }
0x2c9: {  	[tilespmem:s14+$0x1E0] =	vst.add.f32.msk $0xffff, v5  }
0x2ca: {  	[tilespmem:s14+$0x1D0] =	vst.add.f32.msk $0xffff, v6  }
0x2cb: {  	[tilespmem:s14+$0x1C0] =	vst.add.f32.msk $0xffff, v7  }
0x2cc: {  	[tilespmem:s14+$0x1B0] =	vst.add.f32.msk $0xffff, v3  }
0x2cd: {  	[tilespmem:s14+$0x1A0] =	vst.add.f32.msk $0xffff, v2  }
0x2ce: {  	[tilespmem:s14+$0x190] =	vst.add.f32.msk $0xffff, v0  }
0x2cf: {  	[tilespmem:s14+$0x180] =	vst.add.f32.msk $0xffff, v1  }
0x2d0: {  	[tilespmem:s14+$0x170] =	vst.add.f32.msk $0xffff, v4  }
0x2d1: {  	[tilespmem:s14+$0x160] =	vst.add.f32.msk $0xffff, v5  }
0x2d2: {  	[tilespmem:s14+$0x150] =	vst.add.f32.msk $0xffff, v6  }
0x2d3: {  	[tilespmem:s14+$0x140] =	vst.add.f32.msk $0xffff, v7  }
0x2d4: {  	[tilespmem:s14+$0x130] =	vst.add.f32.msk $0xffff, v3  }
0x2d5: {  	[tilespmem:s14+$0x120] =	vst.add.f32.msk $0xffff, v2  }
0x2d6: {  	[tilespmem:s14+$0x110] =	vst.add.f32.msk $0xffff, v0  }
0x2d7: {  	[tilespmem:s14+$0x100] =	vst.add.f32.msk $0xffff, v1  }
0x2d8: {  	[tilespmem:s14+$0xF0] =	vst.add.f32.msk $0xffff, v4  }
0x2d9: {  	[tilespmem:s14+$0xE0] =	vst.add.f32.msk $0xffff, v5  }
0x2da: {  	[tilespmem:s14+$0xD0] =	vst.add.f32.msk $0xffff, v6  }
0x2db: {  	[tilespmem:s14+$0xC0] =	vst.add.f32.msk $0xffff, v7  }
0x2dc: {  	[tilespmem:s14+$0xB0] =	vst.add.f32.msk $0xffff, v3  }
0x2dd: {  	[tilespmem:s14+$0xA0] =	vst.add.f32.msk $0xffff, v2  }
0x2de: {  	[tilespmem:s14+$0x90] =	vst.add.f32.msk $0xffff, v0  }
0x2df: {  	[tilespmem:s14+$0x80] =	vst.add.f32.msk $0xffff, v1  }
0x2e0: {  	[tilespmem:s14+$0x70] =	vst.add.f32.msk $0xffff, v4  }
.Ltmp8:
0x2e1: {  	[tilespmem:s14+$0x60] =	vst.add.f32.msk $0xffff, v5;
	(pc) =	sbr.rel @p1 .LBB2_18-.Ltmp8, $4  }
0x2e2: {  	[tilespmem:s14+$0x50] =	vst.add.f32.msk $0xffff, v6  }
0x2e3: {  	[tilespmem:s14+$0x40] =	vst.add.f32.msk $0xffff, v7  }
0x2e4: {  	[tilespmem:s14+$0x30] =	vst.add.f32.msk $0xffff, v3  }
0x2e5: {  	[tilespmem:s14+$0x20] =	vst.add.f32.msk $0xffff, v2  }
0x2e6: {  	[tilespmem:s14+$0x10] =	vst.add.f32.msk $0xffff, v0  }
0x2e7: {  	s14 =	rddreg [dreg:$0x13]  }
0x2e8: {  	[hbm4b:s14+s7] =	stream.strided.scatter [tilespmem:s8], [sflag:$0x8], $0x4000, s6, s7, $0x38;
	[tilespmem:$0x16740] =	vst v63  }
0x2e9: {  	_ =	swait.ge [sflag:s4], $0x4000  }
0x2ea: {  	[sflag:s4] =	ssyncset.done $0x0  }
0x2eb: {  	[sflag:s4] =	ssyncadd.s32 $0xFFFFC000  }
0x2ec: {  	_ =	swait.ge [sflag:s18], $0x4000  }
0x2ed: {  	[sflag:s18] =	ssyncset.done $0x0  }
0x2ee: {  	s31 =	rddreg [dreg:$0x14];
	[sflag:s18] =	ssyncadd.s32 $0xFFFFC000  }
0x2ef: {  	v1 =	vld [tilespmem:s31+$0x4000]  }
0x2f0: {  	v0 =	vld [tilespmem:s31+$0x4010]  }
0x2f1: {  	v2 =	vld [tilespmem:s31+$0x4020]  }
0x2f2: {  	v3 =	vld [tilespmem:s31+$0x4030]  }
0x2f3: {  	v4 =	vld [tilespmem:s31+$0x4070]  }
0x2f4: {  	v5 =	vld [tilespmem:s31+$0x4060]  }
0x2f5: {  	v6 =	vld [tilespmem:s31+$0x4050]  }
0x2f6: {  	s14 =	simm.s32 $0x4800;
	v7 =	vld [tilespmem:s31+$0x4040]  }
0x2f7: {  	[tilespmem:s14+$0x0] =	vst.add.f32.msk $0xffff, v1  }
0x2f8: {  	[tilespmem:s14+$0x1F0] =	vst.add.f32.msk $0xffff, v4  }
0x2f9: {  	[tilespmem:s14+$0x1E0] =	vst.add.f32.msk $0xffff, v5  }
0x2fa: {  	[tilespmem:s14+$0x1D0] =	vst.add.f32.msk $0xffff, v6  }
0x2fb: {  	[tilespmem:s14+$0x1C0] =	vst.add.f32.msk $0xffff, v7  }
0x2fc: {  	[tilespmem:s14+$0x1B0] =	vst.add.f32.msk $0xffff, v3  }
0x2fd: {  	[tilespmem:s14+$0x1A0] =	vst.add.f32.msk $0xffff, v2  }
0x2fe: {  	[tilespmem:s14+$0x190] =	vst.add.f32.msk $0xffff, v0  }
0x2ff: {  	[tilespmem:s14+$0x180] =	vst.add.f32.msk $0xffff, v1  }
0x300: {  	[tilespmem:s14+$0x170] =	vst.add.f32.msk $0xffff, v4  }
0x301: {  	[tilespmem:s14+$0x160] =	vst.add.f32.msk $0xffff, v5  }
0x302: {  	[tilespmem:s14+$0x150] =	vst.add.f32.msk $0xffff, v6  }
0x303: {  	[tilespmem:s14+$0x140] =	vst.add.f32.msk $0xffff, v7  }
0x304: {  	[tilespmem:s14+$0x130] =	vst.add.f32.msk $0xffff, v3  }
0x305: {  	[tilespmem:s14+$0x120] =	vst.add.f32.msk $0xffff, v2  }
0x306: {  	[tilespmem:s14+$0x110] =	vst.add.f32.msk $0xffff, v0  }
0x307: {  	[tilespmem:s14+$0x100] =	vst.add.f32.msk $0xffff, v1  }
0x308: {  	[tilespmem:s14+$0xF0] =	vst.add.f32.msk $0xffff, v4  }
0x309: {  	[tilespmem:s14+$0xE0] =	vst.add.f32.msk $0xffff, v5  }
0x30a: {  	[tilespmem:s14+$0xD0] =	vst.add.f32.msk $0xffff, v6  }
0x30b: {  	[tilespmem:s14+$0xC0] =	vst.add.f32.msk $0xffff, v7  }
0x30c: {  	[tilespmem:s14+$0xB0] =	vst.add.f32.msk $0xffff, v3  }
0x30d: {  	[tilespmem:s14+$0xA0] =	vst.add.f32.msk $0xffff, v2  }
0x30e: {  	[tilespmem:s14+$0x90] =	vst.add.f32.msk $0xffff, v0  }
0x30f: {  	[tilespmem:s14+$0x80] =	vst.add.f32.msk $0xffff, v1  }
0x310: {  	[tilespmem:s14+$0x70] =	vst.add.f32.msk $0xffff, v4  }
0x311: {  	[tilespmem:s14+$0x60] =	vst.add.f32.msk $0xffff, v5  }
0x312: {  	[tilespmem:s14+$0x50] =	vst.add.f32.msk $0xffff, v6  }
0x313: {  	[tilespmem:s14+$0x40] =	vst.add.f32.msk $0xffff, v7  }
0x314: {  	[tilespmem:s14+$0x30] =	vst.add.f32.msk $0xffff, v3  }
0x315: {  	s16 =	simm.s32 $0x0;
	[tilespmem:s14+$0x20] =	vst.add.f32.msk $0xffff, v2  }
.LBB2_20:
0x316: {  	s16 =	sadd.s32 $0x4, s16;
	[tilespmem:s14+$0x10] =	vst.add.f32.msk $0xffff, v0;
	s14 =	sadd.s32 $0x200, s14  }
0x317: {  	[tilespmem:s14+$0x0] =	vst.add.f32.msk $0xffff, v1;
	p1 =	slt.u32 s16, $0x7C  }
0x318: {  	[tilespmem:s14+$0x1F0] =	vst.add.f32.msk $0xffff, v4  }
0x319: {  	[tilespmem:s14+$0x1E0] =	vst.add.f32.msk $0xffff, v5  }
0x31a: {  	[tilespmem:s14+$0x1D0] =	vst.add.f32.msk $0xffff, v6  }
0x31b: {  	[tilespmem:s14+$0x1C0] =	vst.add.f32.msk $0xffff, v7  }
0x31c: {  	[tilespmem:s14+$0x1B0] =	vst.add.f32.msk $0xffff, v3  }
0x31d: {  	[tilespmem:s14+$0x1A0] =	vst.add.f32.msk $0xffff, v2  }
0x31e: {  	[tilespmem:s14+$0x190] =	vst.add.f32.msk $0xffff, v0  }
0x31f: {  	[tilespmem:s14+$0x180] =	vst.add.f32.msk $0xffff, v1  }
0x320: {  	[tilespmem:s14+$0x170] =	vst.add.f32.msk $0xffff, v4  }
0x321: {  	[tilespmem:s14+$0x160] =	vst.add.f32.msk $0xffff, v5  }
0x322: {  	[tilespmem:s14+$0x150] =	vst.add.f32.msk $0xffff, v6  }
0x323: {  	[tilespmem:s14+$0x140] =	vst.add.f32.msk $0xffff, v7  }
0x324: {  	[tilespmem:s14+$0x130] =	vst.add.f32.msk $0xffff, v3  }
0x325: {  	[tilespmem:s14+$0x120] =	vst.add.f32.msk $0xffff, v2  }
0x326: {  	[tilespmem:s14+$0x110] =	vst.add.f32.msk $0xffff, v0  }
0x327: {  	[tilespmem:s14+$0x100] =	vst.add.f32.msk $0xffff, v1  }
0x328: {  	[tilespmem:s14+$0xF0] =	vst.add.f32.msk $0xffff, v4  }
0x329: {  	[tilespmem:s14+$0xE0] =	vst.add.f32.msk $0xffff, v5  }
0x32a: {  	[tilespmem:s14+$0xD0] =	vst.add.f32.msk $0xffff, v6  }
0x32b: {  	[tilespmem:s14+$0xC0] =	vst.add.f32.msk $0xffff, v7  }
0x32c: {  	[tilespmem:s14+$0xB0] =	vst.add.f32.msk $0xffff, v3  }
0x32d: {  	[tilespmem:s14+$0xA0] =	vst.add.f32.msk $0xffff, v2  }
0x32e: {  	[tilespmem:s14+$0x90] =	vst.add.f32.msk $0xffff, v0  }
0x32f: {  	[tilespmem:s14+$0x80] =	vst.add.f32.msk $0xffff, v1  }
0x330: {  	[tilespmem:s14+$0x70] =	vst.add.f32.msk $0xffff, v4  }
.Ltmp9:
0x331: {  	[tilespmem:s14+$0x60] =	vst.add.f32.msk $0xffff, v5;
	(pc) =	sbr.rel @p1 .LBB2_20-.Ltmp9, $4  }
0x332: {  	[tilespmem:s14+$0x50] =	vst.add.f32.msk $0xffff, v6  }
0x333: {  	[tilespmem:s14+$0x40] =	vst.add.f32.msk $0xffff, v7  }
0x334: {  	[tilespmem:s14+$0x30] =	vst.add.f32.msk $0xffff, v3  }
0x335: {  	[tilespmem:s14+$0x20] =	vst.add.f32.msk $0xffff, v2  }
0x336: {  	[tilespmem:s14+$0x10] =	vst.add.f32.msk $0xffff, v0  }
0x337: {  	s14 =	rddreg [dreg:$0x15]  }
0x338: {  	[hbm4b:s14+s7] =	stream.strided.scatter [tilespmem:s10], [sflag:$0x5], $0x4000, s6, s7, $0x38;
	[tilespmem:$0x16740] =	vst v63  }
0x339: {  	_ =	swait.ge [sflag:s3], $0x4000  }
0x33a: {  	[sflag:s3] =	ssyncset.done $0x0  }
0x33b: {  	[sflag:s3] =	ssyncadd.s32 $0xFFFFC000  }
0x33c: {  	_ =	swait.ge [sflag:s19], $0x4000  }
0x33d: {  	[sflag:s19] =	ssyncset.done $0x0  }
0x33e: {  	[sflag:s19] =	ssyncadd.s32 $0xFFFFC000  }
0x33f: {  	v1 =	vld [tilespmem:s24+$0x4000]  }
0x340: {  	v0 =	vld [tilespmem:s24+$0x4010]  }
0x341: {  	v2 =	vld [tilespmem:s24+$0x4020]  }
0x342: {  	v3 =	vld [tilespmem:s24+$0x4030]  }
0x343: {  	v4 =	vld [tilespmem:s24+$0x4070]  }
0x344: {  	v5 =	vld [tilespmem:s24+$0x4060]  }
0x345: {  	v6 =	vld [tilespmem:s24+$0x4050]  }
0x346: {  	s14 =	simm.s32 $0x8800;
	v7 =	vld [tilespmem:s24+$0x4040]  }
0x347: {  	[tilespmem:s14+$0x0] =	vst.add.f32.msk $0xffff, v1  }
0x348: {  	[tilespmem:s14+$0x1F0] =	vst.add.f32.msk $0xffff, v4  }
0x349: {  	[tilespmem:s14+$0x1E0] =	vst.add.f32.msk $0xffff, v5  }
0x34a: {  	[tilespmem:s14+$0x1D0] =	vst.add.f32.msk $0xffff, v6  }
0x34b: {  	[tilespmem:s14+$0x1C0] =	vst.add.f32.msk $0xffff, v7  }
0x34c: {  	[tilespmem:s14+$0x1B0] =	vst.add.f32.msk $0xffff, v3  }
0x34d: {  	[tilespmem:s14+$0x1A0] =	vst.add.f32.msk $0xffff, v2  }
0x34e: {  	[tilespmem:s14+$0x190] =	vst.add.f32.msk $0xffff, v0  }
0x34f: {  	[tilespmem:s14+$0x180] =	vst.add.f32.msk $0xffff, v1  }
0x350: {  	[tilespmem:s14+$0x170] =	vst.add.f32.msk $0xffff, v4  }
0x351: {  	[tilespmem:s14+$0x160] =	vst.add.f32.msk $0xffff, v5  }
0x352: {  	[tilespmem:s14+$0x150] =	vst.add.f32.msk $0xffff, v6  }
0x353: {  	[tilespmem:s14+$0x140] =	vst.add.f32.msk $0xffff, v7  }
0x354: {  	[tilespmem:s14+$0x130] =	vst.add.f32.msk $0xffff, v3  }
0x355: {  	[tilespmem:s14+$0x120] =	vst.add.f32.msk $0xffff, v2  }
0x356: {  	[tilespmem:s14+$0x110] =	vst.add.f32.msk $0xffff, v0  }
0x357: {  	[tilespmem:s14+$0x100] =	vst.add.f32.msk $0xffff, v1  }
0x358: {  	[tilespmem:s14+$0xF0] =	vst.add.f32.msk $0xffff, v4  }
0x359: {  	[tilespmem:s14+$0xE0] =	vst.add.f32.msk $0xffff, v5  }
0x35a: {  	[tilespmem:s14+$0xD0] =	vst.add.f32.msk $0xffff, v6  }
0x35b: {  	[tilespmem:s14+$0xC0] =	vst.add.f32.msk $0xffff, v7  }
0x35c: {  	[tilespmem:s14+$0xB0] =	vst.add.f32.msk $0xffff, v3  }
0x35d: {  	[tilespmem:s14+$0xA0] =	vst.add.f32.msk $0xffff, v2  }
0x35e: {  	[tilespmem:s14+$0x90] =	vst.add.f32.msk $0xffff, v0  }
0x35f: {  	[tilespmem:s14+$0x80] =	vst.add.f32.msk $0xffff, v1  }
0x360: {  	[tilespmem:s14+$0x70] =	vst.add.f32.msk $0xffff, v4  }
0x361: {  	[tilespmem:s14+$0x60] =	vst.add.f32.msk $0xffff, v5  }
0x362: {  	[tilespmem:s14+$0x50] =	vst.add.f32.msk $0xffff, v6  }
0x363: {  	[tilespmem:s14+$0x40] =	vst.add.f32.msk $0xffff, v7  }
0x364: {  	[tilespmem:s14+$0x30] =	vst.add.f32.msk $0xffff, v3  }
0x365: {  	s16 =	simm.s32 $0x0;
	[tilespmem:s14+$0x20] =	vst.add.f32.msk $0xffff, v2  }
.LBB2_22:
0x366: {  	s16 =	sadd.s32 $0x4, s16;
	[tilespmem:s14+$0x10] =	vst.add.f32.msk $0xffff, v0;
	s14 =	sadd.s32 $0x200, s14  }
0x367: {  	[tilespmem:s14+$0x0] =	vst.add.f32.msk $0xffff, v1;
	p1 =	slt.u32 s16, $0x7C  }
0x368: {  	[tilespmem:s14+$0x1F0] =	vst.add.f32.msk $0xffff, v4  }
0x369: {  	[tilespmem:s14+$0x1E0] =	vst.add.f32.msk $0xffff, v5  }
0x36a: {  	[tilespmem:s14+$0x1D0] =	vst.add.f32.msk $0xffff, v6  }
0x36b: {  	[tilespmem:s14+$0x1C0] =	vst.add.f32.msk $0xffff, v7  }
0x36c: {  	[tilespmem:s14+$0x1B0] =	vst.add.f32.msk $0xffff, v3  }
0x36d: {  	[tilespmem:s14+$0x1A0] =	vst.add.f32.msk $0xffff, v2  }
0x36e: {  	[tilespmem:s14+$0x190] =	vst.add.f32.msk $0xffff, v0  }
0x36f: {  	[tilespmem:s14+$0x180] =	vst.add.f32.msk $0xffff, v1  }
0x370: {  	[tilespmem:s14+$0x170] =	vst.add.f32.msk $0xffff, v4  }
0x371: {  	[tilespmem:s14+$0x160] =	vst.add.f32.msk $0xffff, v5  }
0x372: {  	[tilespmem:s14+$0x150] =	vst.add.f32.msk $0xffff, v6  }
0x373: {  	[tilespmem:s14+$0x140] =	vst.add.f32.msk $0xffff, v7  }
0x374: {  	[tilespmem:s14+$0x130] =	vst.add.f32.msk $0xffff, v3  }
0x375: {  	[tilespmem:s14+$0x120] =	vst.add.f32.msk $0xffff, v2  }
0x376: {  	[tilespmem:s14+$0x110] =	vst.add.f32.msk $0xffff, v0  }
0x377: {  	[tilespmem:s14+$0x100] =	vst.add.f32.msk $0xffff, v1  }
0x378: {  	[tilespmem:s14+$0xF0] =	vst.add.f32.msk $0xffff, v4  }
0x379: {  	[tilespmem:s14+$0xE0] =	vst.add.f32.msk $0xffff, v5  }
0x37a: {  	[tilespmem:s14+$0xD0] =	vst.add.f32.msk $0xffff, v6  }
0x37b: {  	[tilespmem:s14+$0xC0] =	vst.add.f32.msk $0xffff, v7  }
0x37c: {  	[tilespmem:s14+$0xB0] =	vst.add.f32.msk $0xffff, v3  }
0x37d: {  	[tilespmem:s14+$0xA0] =	vst.add.f32.msk $0xffff, v2  }
0x37e: {  	[tilespmem:s14+$0x90] =	vst.add.f32.msk $0xffff, v0  }
0x37f: {  	[tilespmem:s14+$0x80] =	vst.add.f32.msk $0xffff, v1  }
0x380: {  	[tilespmem:s14+$0x70] =	vst.add.f32.msk $0xffff, v4  }
.Ltmp10:
0x381: {  	[tilespmem:s14+$0x60] =	vst.add.f32.msk $0xffff, v5;
	(pc) =	sbr.rel @p1 .LBB2_22-.Ltmp10, $4  }
0x382: {  	[tilespmem:s14+$0x50] =	vst.add.f32.msk $0xffff, v6  }
0x383: {  	[tilespmem:s14+$0x40] =	vst.add.f32.msk $0xffff, v7  }
0x384: {  	[tilespmem:s14+$0x30] =	vst.add.f32.msk $0xffff, v3  }
0x385: {  	[tilespmem:s14+$0x20] =	vst.add.f32.msk $0xffff, v2  }
0x386: {  	[tilespmem:s14+$0x10] =	vst.add.f32.msk $0xffff, v0  }
0x387: {  	s14 =	rddreg [dreg:$0x16]  }
0x388: {  	[hbm4b:s14+s7] =	stream.strided.scatter [tilespmem:s2], [sflag:$0x6], $0x4000, s6, s7, $0x38;
	[tilespmem:$0x16740] =	vst v63  }
0x389: {  	_ =	swait.ge [sflag:s13], $0x4000  }
0x38a: {  	[sflag:s13] =	ssyncset.done $0x0  }
0x38b: {  	[sflag:s13] =	ssyncadd.s32 $0xFFFFC000  }
0x38c: {  	_ =	swait.ge [sflag:s17], $0x4000  }
0x38d: {  	s16 =	rddreg [dreg:$0x19]  }
0x38e: {  	s31 =	rddreg [dreg:$0x17];
	s16 =	sadd.s32 $0x1, s16  }
0x38f: {  	p1 =	sne.s32 s16, s31  }
.Ltmp11:
0x390: {  	_ = 	snop;
	(pc) =	sbr.rel @p1 .LBB2_1-.Ltmp11, $3  }
0x391: {  	_ =	sdelay $0x1  }
0x392: {  	[sflag:s17] =	ssyncset.done $0x0  }
0x393: {  	[sflag:s17] =	ssyncadd.s32 $0xFFFFC000  }
0x394: {  	_ =	sfence.sel $0x180000  }
0x395: {  	[bflag:$0x0] =	sbarrier.arrive $0xFFFF  }
0x396: {  	_ =	strace $0x90000047  }
0x397: {  	[bflag:$0x2] =	sbarrier.arrive $0xFFFF  }
0x398: {  	s0 =	rddreg [dreg:$0x4]  }
0x399: {  	s0 =	sadd.s32 @!p0 $0x100000, s0  }
0x39a: {  	[sflag:s0] =	ssyncadd.tile.s32 @!p0 $0x1;
	_ =	shalt  }
.Lfunc_end2:
_tile_overlayer_lowered:
.L_overlay_start_2:
0x39b: {  	(tag) =	ssettag $0x2  }
0x39c: {  	s0 =	rddreg [dreg:$0x0];
	s2 =	stileid.u32  }
0x39d: {  	s1 =	rddreg [dreg:$0x1];
	p0 =	sne.s32 s2, $0x0  }
0x39e: {  	s3 =	rddreg [dreg:$0x2];
	[bflag:$0x3] =	sbarrier.arrive $0xFFFF;
	s2 =	simm.s32 @!p0 $0x1C09  }
0x39f: {  	[timem:s3], [sflag:s2] =	dma.local @!p0 [hbm:s0], s1  }
0x3a0: {  	s0 =	simm.s32 @!p0 $0x9  }
0x3a1: {  	_ =	swait.ge @!p0 [sflag:s0], s1  }
0x3a2: {  	s1 =	ssub.s32 @!p0 $0x0, s1;
	[sflag:s0] =	ssyncset.done @!p0 $0x0  }
0x3a3: {  	[sflag:s0] =	ssyncadd.s32 @!p0 s1  }
0x3a4: {  	[bflag:$0x3] =	sbarrier.arrive $0xFFFF  }
0x3a5: {  	_ =	shalt  }

</sc_bundles>
